<compile_context>
chip_gen: v7x
topology: tpu7x:2x2x1
jax: 0.10.2.dev20260603
libtpu: 0.0.44.dev20260713+nightly
codegen_flags: <defaults>
</compile_context>

<pallas_src>
import functools

import jax
import jax.numpy as jnp
from jax import lax
from jax.experimental import pallas as pl
from jax.experimental.pallas import tpu as pltpu
from jax.experimental.pallas import tpu_sc as plsc

_N = 10000
_E = 320000
_D = 128
_H = 1024
_C = 153

_NSC = 2
_NTILE = 16
_NP = 10240
_HALF = _NP // _NSC

_EPT = _E // _NTILE
_ECH = 2000


def _make_segsum(cm):
    fe = 128 // cm
    r = 10240 // cm
    npass = cm // 2
    app = 2 * fe + 32
    trash = 2 * fe + 16
    slabr = r + 16
    zsh = slabr // _NTILE
    wsh = r // _NTILE
    mesh = plsc.VectorSubcoreMesh(core_axis_name="c", subcore_axis_name="s")

    @functools.partial(
        pl.kernel,
        out_type=jax.ShapeDtypeStruct((_NP, cm, 128), jnp.float32),
        mesh=mesh,
        scratch_types=[
            pltpu.VMEM((_ECH,), jnp.int32),
            pltpu.VMEM((_ECH,), jnp.int32),
            pltpu.VMEM((_ECH,), jnp.int32),
            pltpu.VMEM((_ECH,), jnp.int32),
            pltpu.VMEM((app,), jnp.int32),
            pltpu.VMEM((app,), jnp.int32),
            pltpu.VMEM((fe,), jnp.int32),
            pltpu.VMEM((fe,), jnp.int32),
            pltpu.VMEM((fe,), jnp.int32),
            pltpu.VMEM((fe,), jnp.int32),
            pltpu.VMEM((fe, cm, 128), jnp.float32),
            pltpu.VMEM((fe, cm, 128), jnp.float32),
            pltpu.VMEM((1, cm, 128), jnp.float32),
            pltpu.VMEM((fe,), jnp.int32),
            pltpu.VMEM_SHARED((slabr, cm, 128), jnp.float32),
            pltpu.SemaphoreType.DMA,
            pltpu.SemaphoreType.DMA,
            pltpu.SemaphoreType.DMA,
            pltpu.SemaphoreType.DMA,
        ],
        compiler_params=pltpu.CompilerParams(needs_layout_passes=False),
    )
    def segsum(table, srcv, dstv, out, src_c0, dst_c0, src_c1, dst_c1,
               psrc, pdst, fsa, fda, fsb, fdb, stga, stgb, zrow, fdd, slab,
               sem_c, sem_g, sem_sa, sem_sb):
        cid = lax.axis_index("c")
        sid = lax.axis_index("s")
        ebase = sid * _EPT

        def _zcol(cc, _):
            zrow[0, cc // 8, pl.ds((cc % 8) * 16, 16)] = jnp.zeros(
                (16,), jnp.float32)
            return 0
        lax.fori_loop(0, cm * 8, _zcol, 0)

        def fire_static(fs_cur, fd_cur, stg_cur, sem_cur,
                        fs_oth, fd_oth, stg_oth, sem_oth):
            pltpu.make_async_copy(stg_cur, slab.at[fd_cur], sem_cur).wait()
            for j in range(fe // 16):
                fs_cur[pl.ds(j * 16, 16)] = psrc[pl.ds(j * 16, 16)]
                fd_cur[pl.ds(j * 16, 16)] = pdst[pl.ds(j * 16, 16)]
            pltpu.make_async_copy(table.at[fs_oth], stg_oth, sem_g).wait()
            pltpu.async_copy(table.at[fs_cur], stg_cur, sem_g)
            pltpu.async_copy(stg_oth, slab.at[fd_oth], sem_oth, add=True)

        def fire_parity(nfr):
            lax.cond(
                nfr % 2 == 0,
                lambda: fire_static(fsa, fda, stga, sem_sa,
                                    fsb, fdb, stgb, sem_sb),
                lambda: fire_static(fsb, fdb, stgb, sem_sb,
                                    fsa, fda, stga, sem_sa),
            )

        def pass_body(p, _):
            wbase = cid * _HALF + p * r
            def _z1(k, _):
                pltpu.sync_copy(zrow, slab.at[pl.ds(sid * zsh + k, 1)])
                return 0
            lax.fori_loop(0, zsh, _z1, 0)
            plsc.subcore_barrier()

            for kk in range(fe // 16):
                z16 = jnp.zeros((16,), jnp.int32)
                d16 = jnp.full((16,), r, jnp.int32)
                fsb[pl.ds(kk * 16, 16)] = z16
                fdb[pl.ds(kk * 16, 16)] = d16
                fdd[pl.ds(kk * 16, 16)] = d16
            pltpu.async_copy(table.at[fsb], stgb, sem_g)
            pltpu.async_copy(stga, slab.at[fdd], sem_sa, add=True)

            pltpu.async_copy(srcv.at[pl.ds(ebase, _ECH)], src_c0, sem_c)
            pltpu.async_copy(dstv.at[pl.ds(ebase, _ECH)], dst_c0, sem_c)

            def scan_chunk(jc, carry, src_c, dst_c, src_n, dst_n):
                pltpu.make_async_copy(srcv.at[pl.ds(ebase, _ECH)],
                                      src_c, sem_c).wait()
                pltpu.make_async_copy(dstv.at[pl.ds(ebase, _ECH)],
                                      dst_c, sem_c).wait()
                nxt = jnp.minimum(ebase + (jc + 1) * _ECH, _E - _ECH)
                pltpu.async_copy(srcv.at[pl.ds(nxt, _ECH)], src_n, sem_c)
                pltpu.async_copy(dstv.at[pl.ds(nxt, _ECH)], dst_n, sem_c)

                def vec_body(jv, carry):
                    nf, nfire = carry
                    s16 = src_c[pl.ds(jv * 16, 16)]
                    d16 = dst_c[pl.ds(jv * 16, 16)]
                    dloc = d16 - wbase
                    m = dloc.astype(jnp.uint32) < jnp.uint32(r)
                    csum = jnp.cumsum(jnp.where(m, 1, 0))
                    pos = jnp.where(m, nf + csum - 1, trash)
                    plsc.store_scatter(psrc, [pos], s16)
                    plsc.store_scatter(pdst, [pos], dloc)
                    nf2 = nf + jnp.max(csum)

                    def do_fire(c):
                        v, nfr = c
                        fire_parity(nfr)
                        psrc[pl.ds(0, 16)] = psrc[pl.ds(fe, 16)]
                        pdst[pl.ds(0, 16)] = pdst[pl.ds(fe, 16)]
                        return v - fe, nfr + 1

                    return lax.cond(nf2 >= fe, do_fire, lambda c: c,
                                    (nf2, nfire))

                return lax.fori_loop(0, _ECH // 16, vec_body, carry)

            def chunk_body(jc, carry):
                return lax.cond(
                    jc % 2 == 0,
                    lambda c: scan_chunk(jc, c, src_c0, dst_c0,
                                         src_c1, dst_c1),
                    lambda c: scan_chunk(jc, c, src_c1, dst_c1,
                                         src_c0, dst_c0),
                    carry)

            nf, nfire = lax.fori_loop(0, _EPT // _ECH, chunk_body, (0, 0))
            pltpu.make_async_copy(srcv.at[pl.ds(ebase, _ECH)],
                                  src_c0, sem_c).wait()
            pltpu.make_async_copy(dstv.at[pl.ds(ebase, _ECH)],
                                  dst_c0, sem_c).wait()

            for kk in range(fe // 16):
                psrc[pl.ds(nf + kk * 16, 16)] = jnp.zeros((16,), jnp.int32)
                pdst[pl.ds(nf + kk * 16, 16)] = jnp.full((16,), r, jnp.int32)
            fire_parity(nfire)
            lax.cond(
                nfire % 2 == 0,
                lambda: (pltpu.make_async_copy(table.at[fsa], stga,
                                               sem_g).wait(),
                         pltpu.async_copy(stga, slab.at[fda], sem_sa,
                                          add=True))[0],
                lambda: (pltpu.make_async_copy(table.at[fsb], stgb,
                                               sem_g).wait(),
                         pltpu.async_copy(stgb, slab.at[fdb], sem_sb,
                                          add=True))[0],
            )
            pltpu.make_async_copy(stga, slab.at[fda], sem_sa).wait()
            pltpu.make_async_copy(stgb, slab.at[fdb], sem_sb).wait()
            plsc.subcore_barrier()

            pltpu.sync_copy(slab.at[pl.ds(sid * wsh, wsh)],
                            out.at[pl.ds(wbase + sid * wsh, wsh)])
            plsc.subcore_barrier()
            return 0

        lax.fori_loop(0, npass, pass_body, 0)

    return segsum


_segsum_l1 = _make_segsum(cm=2)
_segsum_l2 = _make_segsum(cm=8)

_ROWS_BLK = 400
_GRID = _N // _ROWS_BLK


def _elu(z):
    return jnp.where(z > 0, z, jnp.exp(jnp.minimum(z, 0.0)) - 1.0)


def _bdot(a, b):
    return jnp.dot(a.astype(jnp.bfloat16), b.astype(jnp.bfloat16),
                   preferred_element_type=jnp.float32)


def _tc1_body(s_ref, x_ref, wl_ref, b_ref, wr_ref, h_ref):
    s = s_ref[...]
    rcp = 1.0 / jnp.maximum(s[:, 128:129], 1.0)
    mean = s[:, :128] * rcp
    z = _bdot(mean, wl_ref[...]) + b_ref[...] + _bdot(x_ref[...], wr_ref[...])
    h_ref[...] = _elu(z)


def _tc1(sums1, x, W1l, b1, W1r):
    return pl.pallas_call(
        _tc1_body,
        grid=(_GRID,),
        in_specs=[
            pl.BlockSpec((_ROWS_BLK, 256), lambda i: (i, 0)),
            pl.BlockSpec((_ROWS_BLK, _D), lambda i: (i, 0)),
            pl.BlockSpec((_D, _H), lambda i: (0, 0)),
            pl.BlockSpec((1, _H), lambda i: (0, 0)),
            pl.BlockSpec((_D, _H), lambda i: (0, 0)),
        ],
        out_specs=pl.BlockSpec((_ROWS_BLK, _H), lambda i: (i, 0)),
        out_shape=jax.ShapeDtypeStruct((_N, _H), jnp.float32),
    )(sums1, x, W1l, b1, W1r)


def _tc2_body(s2_ref, s1_ref, h_ref, wl_ref, b_ref, wr_ref, wc_ref, bc_ref,
              o_ref):
    rcp = 1.0 / jnp.maximum(s1_ref[:, 128:129], 1.0)
    mean = s2_ref[...] * rcp
    z = _bdot(mean, wl_ref[...]) + b_ref[...] + _bdot(h_ref[...], wr_ref[...])
    h2 = _elu(z)
    o_ref[...] = _bdot(h2, wc_ref[...]) + bc_ref[...]


def _tc2(sums2, sums1, h, W2l, b2, W2r, Wcp, bcp):
    return pl.pallas_call(
        _tc2_body,
        grid=(_GRID,),
        in_specs=[
            pl.BlockSpec((_ROWS_BLK, _H), lambda i: (i, 0)),
            pl.BlockSpec((_ROWS_BLK, 256), lambda i: (i, 0)),
            pl.BlockSpec((_ROWS_BLK, _H), lambda i: (i, 0)),
            pl.BlockSpec((_H, _H), lambda i: (0, 0)),
            pl.BlockSpec((1, _H), lambda i: (0, 0)),
            pl.BlockSpec((_H, _H), lambda i: (0, 0)),
            pl.BlockSpec((_H, 256), lambda i: (0, 0)),
            pl.BlockSpec((1, 256), lambda i: (0, 0)),
        ],
        out_specs=pl.BlockSpec((_ROWS_BLK, 256), lambda i: (i, 0)),
        out_shape=jax.ShapeDtypeStruct((_N, 256), jnp.float32),
    )(sums2, sums1, h, W2l, b2, W2r, Wcp, bcp)


def kernel(x, edge_index, W1l, b1, W1r, W2l, b2, W2r, Wc, bc):
    src = edge_index[0].astype(jnp.int32)
    dst = edge_index[1].astype(jnp.int32)

    x_aug = jnp.concatenate(
        [x, jnp.ones((_N, 1), jnp.float32), jnp.zeros((_N, 127), jnp.float32)],
        axis=1)

    sums1 = _segsum_l1(x_aug.reshape(_N, 2, 128), src, dst)
    sums1 = sums1.reshape(_NP, 256)[:_N]
    h = _tc1(sums1, x, W1l, b1.reshape(1, _H), W1r)
    sums2 = _segsum_l2(h.reshape(_N, 8, 128), src, dst)
    sums2 = sums2.reshape(_NP, _H)[:_N]
    Wcp = jnp.pad(Wc, ((0, 0), (0, 256 - _C)))
    bcp = jnp.pad(bc, (0, 256 - _C)).reshape(1, 256)
    out = _tc2(sums2, sums1, h, W2l, b2.reshape(1, _H), W2r, Wcp, bcp)
    return out[:, :_C]

# --- scband reference (transcript-rebuilt; emitter-appended) ---
"""Pipeline reference for scband-simple-graph-sage-88768384074310 (READ-ONLY COPY).

The authoritative reference and input builder live on the scoring server;
editing this copy changes nothing except your own understanding.
"""

import jax, jax.numpy as jnp
import numpy as np

N = 10000
E = 320000
D = 128
H = 1024
C = 153


def setup_inputs(seed: int = 0) -> dict:
    key = jax.random.key(seed)
    ks = jax.random.split(key, 12)
    x = jax.random.normal(ks[0], (N, D), dtype=jnp.float32)
    edge_index = jax.random.randint(ks[1], (2, E), 0, N)
    # SAGEConv params: lin_l applied to aggregated neighbors (with bias), lin_r applied to root
    s1 = 1.0 / np.sqrt(D)
    s2 = 1.0 / np.sqrt(H)
    W1l = jax.random.normal(ks[2], (D, H), dtype=jnp.float32) * s1
    b1 = jnp.zeros((H,), dtype=jnp.float32)
    W1r = jax.random.normal(ks[3], (D, H), dtype=jnp.float32) * s1
    W2l = jax.random.normal(ks[4], (H, H), dtype=jnp.float32) * s2
    b2 = jnp.zeros((H,), dtype=jnp.float32)
    W2r = jax.random.normal(ks[5], (H, H), dtype=jnp.float32) * s2
    Wc = jax.random.normal(ks[6], (H, C), dtype=jnp.float32) * s2
    bc = jnp.zeros((C,), dtype=jnp.float32)
    return {"x": x, "edge_index": edge_index, "W1l": W1l, "b1": b1, "W1r": W1r,
            "W2l": W2l, "b2": b2, "W2r": W2r, "Wc": Wc, "bc": bc}


def _sage_conv(x, edge_index, Wl, bl, Wr):
    src = edge_index[0]
    dst = edge_index[1]
    msg = jnp.take(x, src, axis=0)                     # gather neighbor features
    summed = jax.ops.segment_sum(msg, dst, num_segments=N)
    cnt = jax.ops.segment_sum(jnp.ones((edge_index.shape[1],), jnp.float32), dst, num_segments=N)
    mean = summed / jnp.clip(cnt, 1.0)[:, None]        # mean aggregation
    return mean @ Wl + bl + x @ Wr                     # lin_l(aggr) + lin_r(root)


def reference(x, edge_index, W1l, b1, W1r, W2l, b2, W2r, Wc, bc):
    h = jax.nn.elu(_sage_conv(x, edge_index, W1l, b1, W1r))
    # dropout is identity in eval mode
    h = jax.nn.elu(_sage_conv(h, edge_index, W2l, b2, W2r))
    return h @ Wc + bc

if __name__ == "__main__":
    import jax
    _d = setup_inputs()
    print(jax.jit(kernel)(*tuple(_d.values())))

</pallas_src>

<mosaic_0001>
#map = affine_map<(d0, d1) -> (0, 0, 0)>
#map1 = affine_map<(d0, d1) -> (0)>
module attributes {stable_mosaic.version = 14 : i64} {
  func.func @segsum(%arg0: i32, %arg1: i32, %arg2: memref<10000x2x128xf32, #tpu.memory_space<hbm>>, %arg3: memref<320000xi32, #tpu.memory_space<hbm>>, %arg4: memref<320000xi32, #tpu.memory_space<hbm>>, %arg5: memref<10240x2x128xf32, #tpu.memory_space<hbm>>, %arg6: memref<2000xi32, #tpu.memory_space<vmem>>, %arg7: memref<2000xi32, #tpu.memory_space<vmem>>, %arg8: memref<2000xi32, #tpu.memory_space<vmem>>, %arg9: memref<2000xi32, #tpu.memory_space<vmem>>, %arg10: memref<160xi32, #tpu.memory_space<vmem>>, %arg11: memref<160xi32, #tpu.memory_space<vmem>>, %arg12: memref<64xi32, #tpu.memory_space<vmem>>, %arg13: memref<64xi32, #tpu.memory_space<vmem>>, %arg14: memref<64xi32, #tpu.memory_space<vmem>>, %arg15: memref<64xi32, #tpu.memory_space<vmem>>, %arg16: memref<64x2x128xf32, #tpu.memory_space<vmem>>, %arg17: memref<64x2x128xf32, #tpu.memory_space<vmem>>, %arg18: memref<1x2x128xf32, #tpu.memory_space<vmem>>, %arg19: memref<64xi32, #tpu.memory_space<vmem>>, %arg20: memref<5136x2x128xf32, #tpu.memory_space<vmem_shared>>, %arg21: memref<!tpu.dma_semaphore, #tpu.memory_space<semaphore_mem>>, %arg22: memref<!tpu.dma_semaphore, #tpu.memory_space<semaphore_mem>>, %arg23: memref<!tpu.dma_semaphore, #tpu.memory_space<semaphore_mem>>, %arg24: memref<!tpu.dma_semaphore, #tpu.memory_space<semaphore_mem>>) attributes {dimension_semantics = [#tpu.dimension_semantics<core_parallel>, #tpu.dimension_semantics<subcore_parallel>], iteration_bounds = array<i64: 2, 16>, scalar_prefetch = 0 : i64, scratch_operands = 19 : i64, tpu.core_type = #tpu.core_type<sc_vector_subcore>, window_params = [{transform_indices = #map}, {transform_indices = #map1}, {transform_indices = #map1}, {transform_indices = #map}]} {
    %mul3A = arith.constant 20000 : i32
    %mul3A_0 = arith.muli %arg1, %mul3A : i32
    %scan3A = arith.constant 0 : i32
    %scan3A_1 = arith.constant 0 : i32
    %scan3A_2 = arith.constant 16 : i32
    %scan3A_3 = arith.addi %scan3A_1, %scan3A_2 : i32
    %scan3A_4 = arith.constant 1 : i32
    %scan3A_5 = scf.for %scan3A_178 = %scan3A_1 to %scan3A_3 step %scan3A_4 iter_args(%scan3A_179 = %scan3A) -> (i32)  : i32 {
      %broadcast_in_dim3A_180 = arith.constant 0.000000e+00 : f32
      %broadcast_in_dim3A_181 = vector.broadcast %broadcast_in_dim3A_180 : f32 to vector<16xf32>
      %jit3A_182 = arith.constant 8 : i32
      %div3A = arith.divsi %scan3A_178, %jit3A_182 : i32
      %sign3A = arith.constant 0 : i32
      %sign3A_183 = arith.cmpi sgt, %scan3A_178, %sign3A : i32
      %sign3A_184 = arith.extui %sign3A_183 : i1 to i32
      %sign3A_185 = arith.constant 0 : i32
      %sign3A_186 = arith.cmpi slt, %scan3A_178, %sign3A_185 : i32
      %sign3A_187 = arith.extui %sign3A_186 : i1 to i32
      %sign3A_188 = arith.subi %sign3A_184, %sign3A_187 : i32
      %sign3A_189 = arith.constant 0 : i32
      %sign3A_190 = arith.cmpi sgt, %jit3A_182, %sign3A_189 : i32
      %sign3A_191 = arith.extui %sign3A_190 : i1 to i32
      %sign3A_192 = arith.constant 0 : i32
      %sign3A_193 = arith.cmpi slt, %jit3A_182, %sign3A_192 : i32
      %sign3A_194 = arith.extui %sign3A_193 : i1 to i32
      %sign3A_195 = arith.subi %sign3A_191, %sign3A_194 : i32
      %ne3A_196 = arith.cmpi ne, %sign3A_188, %sign3A_195 : i32
      %rem3A_197 = arith.remsi %scan3A_178, %jit3A_182 : i32
      %ne3A_198 = arith.constant 0 : i32
      %ne3A_199 = arith.cmpi ne, %rem3A_197, %ne3A_198 : i32
      %and3A_200 = arith.andi %ne3A_196, %ne3A_199 : i1
      %sub3A = arith.constant 1 : i32
      %sub3A_201 = arith.subi %div3A, %sub3A : i32
      %select_n3A_202 = arith.select %and3A_200, %sub3A_201, %div3A : i32
      %jit3A_203 = arith.constant 8 : i32
      %eq3A_204 = arith.constant 0 : i32
      %eq3A_205 = arith.cmpi eq, %jit3A_203, %eq3A_204 : i32
      %jit3A_206 = arith.constant 1 : i32
      %select_n3A_207 = arith.select %eq3A_205, %jit3A_206, %jit3A_203 : i32
      %rem3A_208 = arith.remsi %scan3A_178, %select_n3A_207 : i32
      %ne3A_209 = arith.constant 0 : i32
      %ne3A_210 = arith.cmpi ne, %rem3A_208, %ne3A_209 : i32
      %lt3A_211 = arith.constant 0 : i32
      %lt3A_212 = arith.cmpi slt, %rem3A_208, %lt3A_211 : i32
      %lt3A_213 = arith.constant 0 : i32
      %lt3A_214 = arith.cmpi slt, %select_n3A_207, %lt3A_213 : i32
      %ne3A_215 = arith.xori %lt3A_212, %lt3A_214 : i1
      %and3A_216 = arith.andi %ne3A_215, %ne3A_210 : i1
      %add3A_217 = arith.addi %rem3A_208, %select_n3A_207 : i32
      %select_n3A_218 = arith.select %and3A_216, %add3A_217, %rem3A_208 : i32
      %mul3A_219 = arith.constant 16 : i32
      %mul3A_220 = arith.muli %select_n3A_218, %mul3A_219 : i32
      %swap3A_221 = arith.constant 0 : i32
      %swap3A_222 = arith.index_cast %swap3A_221 : i32 to index
      %swap3A_223 = arith.index_cast %select_n3A_202 : i32 to index
      %swap3A_224 = arith.index_cast %mul3A_220 : i32 to index
      %swap3A_225 = tpu.vector_load %arg18[%swap3A_222, %swap3A_223, %swap3A_224] {strides = array<i32>} : memref<1x2x128xf32, #tpu.memory_space<vmem>>, vector<16xf32>,
      tpu.vector_store %arg18[%swap3A_222, %swap3A_223, %swap3A_224], %broadcast_in_dim3A_181 {strides = array<i32>} : memref<1x2x128xf32, #tpu.memory_space<vmem>>, vector<16xf32>,
      %scan3A_226 = arith.constant 0 : i32
      scf.yield %scan3A_226 : i32
    }
    %scan3A_6 = arith.constant 16 : i32
    %scan3A_7 = arith.constant 0 : i32
    %scan3A_8 = arith.constant 0 : i32
    %mul3A_9 = arith.constant 5120 : i32
    %mul3A_10 = arith.muli %arg0, %mul3A_9 : i32
    %mul3A_11 = arith.constant 5120 : i32
    %mul3A_12 = arith.muli %scan3A_8, %mul3A_11 : i32
    %add3A = arith.addi %mul3A_10, %mul3A_12 : i32
    %scan3A_13 = arith.constant 0 : i32
    %scan3A_14 = arith.constant 0 : i32
    %scan3A_15 = arith.constant 321 : i32
    %scan3A_16 = arith.addi %scan3A_14, %scan3A_15 : i32
    %scan3A_17 = arith.constant 1 : i32
    %scan3A_18 = scf.for %scan3A_178 = %scan3A_14 to %scan3A_16 step %scan3A_17 iter_args(%scan3A_179 = %scan3A_13) -> (i32)  : i32 {
      %mul3A_180 = arith.constant 321 : i32
      %mul3A_181 = arith.muli %arg1, %mul3A_180 : i32
      %add3A_182 = arith.addi %mul3A_181, %scan3A_178 : i32
      "tpu.region"() ({
        %run_scoped3A = tpu.sem_alloc : memref<!tpu.dma_semaphore, #tpu.memory_space<semaphore_mem>>
        %dma_start3A_184 = arith.constant 0 : i32
        %dma_start3A_185 = arith.constant 0 : i32
        %dma_start3A_186 = tpu.memref_slice %arg20[%add3A_182, %dma_start3A_184, %dma_start3A_185] : memref<5136x2x128xf32, #tpu.memory_space<vmem_shared>> -> memref<1x2x128xf32, #tpu.memory_space<vmem_shared>>
        %dma_start3A_187 = arith.constant 0 : i32
        %dma_start3A_188 = arith.constant 0 : i32
        %dma_start3A_189 = tpu.memref_slice %arg20[%add3A_182, %dma_start3A_187, %dma_start3A_188] : memref<5136x2x128xf32, #tpu.memory_space<vmem_shared>> -> memref<1x2x128xf32, #tpu.memory_space<vmem_shared>>
        tpu.enqueue_dma source(%arg18 : memref<1x2x128xf32, #tpu.memory_space<vmem>>) target(%dma_start3A_189 : memref<1x2x128xf32, #tpu.memory_space<vmem_shared>>) target_semaphore(%run_scoped3A : memref<!tpu.dma_semaphore, #tpu.memory_space<semaphore_mem>>)
        %dma_wait3A_190 = arith.constant 0 : i32
        %dma_wait3A_191 = arith.constant 0 : i32
        %dma_wait3A_192 = tpu.memref_slice %arg20[%add3A_182, %dma_wait3A_190, %dma_wait3A_191] : memref<5136x2x128xf32, #tpu.memory_space<vmem_shared>> -> memref<1x2x128xf32, #tpu.memory_space<vmem_shared>>
        %dma_wait3A_193 = arith.constant 0 : i32
        %dma_wait3A_194 = arith.constant 0 : i32
        %dma_wait3A_195 = tpu.memref_slice %arg20[%add3A_182, %dma_wait3A_193, %dma_wait3A_194] : memref<5136x2x128xf32, #tpu.memory_space<vmem_shared>> -> memref<1x2x128xf32, #tpu.memory_space<vmem_shared>>
        tpu.wait_dma2 semaphore(%run_scoped3A : memref<!tpu.dma_semaphore, #tpu.memory_space<semaphore_mem>>) src(%arg18 : memref<1x2x128xf32, #tpu.memory_space<vmem>>) dst(%dma_wait3A_195 : memref<1x2x128xf32, #tpu.memory_space<vmem_shared>>)
        tpu.yield
      }) : () -> ()
      %scan3A_183 = arith.constant 0 : i32
      scf.yield %scan3A_183 : i32
    }
    %scan3A_19 = arith.constant 321 : i32
    %barrier3A = arith.constant 0 : index
    tpu.barrier barrier_id(%barrier3A)
    %broadcast_in_dim3A = arith.constant 0 : i32
    %broadcast_in_dim3A_20 = vector.broadcast %broadcast_in_dim3A : i32 to vector<16xi32>
    %broadcast_in_dim3A_21 = arith.constant 5120 : i32
    %broadcast_in_dim3A_22 = vector.broadcast %broadcast_in_dim3A_21 : i32 to vector<16xi32>
    %swap3A = arith.constant 0 : index
    %swap3A_23 = tpu.vector_load %arg14[%swap3A] {strides = array<i32>} : memref<64xi32, #tpu.memory_space<vmem>>, vector<16xi32>,
    tpu.vector_store %arg14[%swap3A], %broadcast_in_dim3A_20 {strides = array<i32>} : memref<64xi32, #tpu.memory_space<vmem>>, vector<16xi32>,
    %swap3A_24 = arith.constant 0 : index
    %swap3A_25 = tpu.vector_load %arg15[%swap3A_24] {strides = array<i32>} : memref<64xi32, #tpu.memory_space<vmem>>, vector<16xi32>,
    tpu.vector_store %arg15[%swap3A_24], %broadcast_in_dim3A_22 {strides = array<i32>} : memref<64xi32, #tpu.memory_space<vmem>>, vector<16xi32>,
    %swap3A_26 = arith.constant 0 : index
    %swap3A_27 = tpu.vector_load %arg19[%swap3A_26] {strides = array<i32>} : memref<64xi32, #tpu.memory_space<vmem>>, vector<16xi32>,
    tpu.vector_store %arg19[%swap3A_26], %broadcast_in_dim3A_22 {strides = array<i32>} : memref<64xi32, #tpu.memory_space<vmem>>, vector<16xi32>,
    %broadcast_in_dim3A_28 = arith.constant 0 : i32
    %broadcast_in_dim3A_29 = vector.broadcast %broadcast_in_dim3A_28 : i32 to vector<16xi32>
    %broadcast_in_dim3A_30 = arith.constant 5120 : i32
    %broadcast_in_dim3A_31 = vector.broadcast %broadcast_in_dim3A_30 : i32 to vector<16xi32>
    %swap3A_32 = arith.constant 16 : index
    %swap3A_33 = tpu.vector_load %arg14[%swap3A_32] {strides = array<i32>} : memref<64xi32, #tpu.memory_space<vmem>>, vector<16xi32>,
    tpu.vector_store %arg14[%swap3A_32], %broadcast_in_dim3A_29 {strides = array<i32>} : memref<64xi32, #tpu.memory_space<vmem>>, vector<16xi32>,
    %swap3A_34 = arith.constant 16 : index
    %swap3A_35 = tpu.vector_load %arg15[%swap3A_34] {strides = array<i32>} : memref<64xi32, #tpu.memory_space<vmem>>, vector<16xi32>,
    tpu.vector_store %arg15[%swap3A_34], %broadcast_in_dim3A_31 {strides = array<i32>} : memref<64xi32, #tpu.memory_space<vmem>>, vector<16xi32>,
    %swap3A_36 = arith.constant 16 : index
    %swap3A_37 = tpu.vector_load %arg19[%swap3A_36] {strides = array<i32>} : memref<64xi32, #tpu.memory_space<vmem>>, vector<16xi32>,
    tpu.vector_store %arg19[%swap3A_36], %broadcast_in_dim3A_31 {strides = array<i32>} : memref<64xi32, #tpu.memory_space<vmem>>, vector<16xi32>,
    %broadcast_in_dim3A_38 = arith.constant 0 : i32
    %broadcast_in_dim3A_39 = vector.broadcast %broadcast_in_dim3A_38 : i32 to vector<16xi32>
    %broadcast_in_dim3A_40 = arith.constant 5120 : i32
    %broadcast_in_dim3A_41 = vector.broadcast %broadcast_in_dim3A_40 : i32 to vector<16xi32>
    %swap3A_42 = arith.constant 32 : index
    %swap3A_43 = tpu.vector_load %arg14[%swap3A_42] {strides = array<i32>} : memref<64xi32, #tpu.memory_space<vmem>>, vector<16xi32>,
    tpu.vector_store %arg14[%swap3A_42], %broadcast_in_dim3A_39 {strides = array<i32>} : memref<64xi32, #tpu.memory_space<vmem>>, vector<16xi32>,
    %swap3A_44 = arith.constant 32 : index
    %swap3A_45 = tpu.vector_load %arg15[%swap3A_44] {strides = array<i32>} : memref<64xi32, #tpu.memory_space<vmem>>, vector<16xi32>,
    tpu.vector_store %arg15[%swap3A_44], %broadcast_in_dim3A_41 {strides = array<i32>} : memref<64xi32, #tpu.memory_space<vmem>>, vector<16xi32>,
    %swap3A_46 = arith.constant 32 : index
    %swap3A_47 = tpu.vector_load %arg19[%swap3A_46] {strides = array<i32>} : memref<64xi32, #tpu.memory_space<vmem>>, vector<16xi32>,
    tpu.vector_store %arg19[%swap3A_46], %broadcast_in_dim3A_41 {strides = array<i32>} : memref<64xi32, #tpu.memory_space<vmem>>, vector<16xi32>,
    %broadcast_in_dim3A_48 = arith.constant 0 : i32
    %broadcast_in_dim3A_49 = vector.broadcast %broadcast_in_dim3A_48 : i32 to vector<16xi32>
    %broadcast_in_dim3A_50 = arith.constant 5120 : i32
    %broadcast_in_dim3A_51 = vector.broadcast %broadcast_in_dim3A_50 : i32 to vector<16xi32>
    %swap3A_52 = arith.constant 48 : index
    %swap3A_53 = tpu.vector_load %arg14[%swap3A_52] {strides = array<i32>} : memref<64xi32, #tpu.memory_space<vmem>>, vector<16xi32>,
    tpu.vector_store %arg14[%swap3A_52], %broadcast_in_dim3A_49 {strides = array<i32>} : memref<64xi32, #tpu.memory_space<vmem>>, vector<16xi32>,
    %swap3A_54 = arith.constant 48 : index
    %swap3A_55 = tpu.vector_load %arg15[%swap3A_54] {strides = array<i32>} : memref<64xi32, #tpu.memory_space<vmem>>, vector<16xi32>,
    tpu.vector_store %arg15[%swap3A_54], %broadcast_in_dim3A_51 {strides = array<i32>} : memref<64xi32, #tpu.memory_space<vmem>>, vector<16xi32>,
    %swap3A_56 = arith.constant 48 : index
    %swap3A_57 = tpu.vector_load %arg19[%swap3A_56] {strides = array<i32>} : memref<64xi32, #tpu.memory_space<vmem>>, vector<16xi32>,
    tpu.vector_store %arg19[%swap3A_56], %broadcast_in_dim3A_51 {strides = array<i32>} : memref<64xi32, #tpu.memory_space<vmem>>, vector<16xi32>,
    %dma_start3A = arith.constant 0 : i32
    %dma_start3A_58 = arith.constant 0 : i32
    %dma_start3A_59 = arith.constant 0 : i32
    %dma_start3A_60 = tpu.memref_slice %arg2[%dma_start3A, %dma_start3A_58, %dma_start3A_59] : memref<10000x2x128xf32, #tpu.memory_space<hbm>> -> memref<10000x2x128xf32, #tpu.memory_space<hbm>>
    tpu.enqueue_indirect_dma source(%dma_start3A_60 : memref<10000x2x128xf32, #tpu.memory_space<hbm>>) target(%arg17 : memref<64x2x128xf32, #tpu.memory_space<vmem>>) offsets(%arg14 : memref<64xi32, #tpu.memory_space<vmem>>) semaphore(%arg22 : memref<!tpu.dma_semaphore, #tpu.memory_space<semaphore_mem>>)
    %dma_start3A_61 = arith.constant 0 : i32
    %dma_start3A_62 = arith.constant 0 : i32
    %dma_start3A_63 = arith.constant 0 : i32
    %dma_start3A_64 = tpu.memref_slice %arg20[%dma_start3A_61, %dma_start3A_62, %dma_start3A_63] : memref<5136x2x128xf32, #tpu.memory_space<vmem_shared>> -> memref<5136x2x128xf32, #tpu.memory_space<vmem_shared>>
    tpu.enqueue_indirect_dma source(%arg16 : memref<64x2x128xf32, #tpu.memory_space<vmem>>) target(%dma_start3A_64 : memref<5136x2x128xf32, #tpu.memory_space<vmem_shared>>) offsets(%arg19 : memref<64xi32, #tpu.memory_space<vmem>>) semaphore(%arg23 : memref<!tpu.dma_semaphore, #tpu.memory_space<semaphore_mem>>) {add = true}
    %dma_start3A_65 = tpu.memref_slice %arg3[%mul3A_0] : memref<320000xi32, #tpu.memory_space<hbm>> -> memref<2000xi32, #tpu.memory_space<hbm>>
    %dma_start3A_66 = tpu.memref_slice %arg3[%mul3A_0] : memref<320000xi32, #tpu.memory_space<hbm>> -> memref<2000xi32, #tpu.memory_space<hbm>>
    tpu.enqueue_dma source(%dma_start3A_66 : memref<2000xi32, #tpu.memory_space<hbm>>) target(%arg6 : memref<2000xi32, #tpu.memory_space<vmem>>) target_semaphore(%arg21 : memref<!tpu.dma_semaphore, #tpu.memory_space<semaphore_mem>>)
    %dma_start3A_67 = tpu.memref_slice %arg4[%mul3A_0] : memref<320000xi32, #tpu.memory_space<hbm>> -> memref<2000xi32, #tpu.memory_space<hbm>>
    %dma_start3A_68 = tpu.memref_slice %arg4[%mul3A_0] : memref<320000xi32, #tpu.memory_space<hbm>> -> memref<2000xi32, #tpu.memory_space<hbm>>
    tpu.enqueue_dma source(%dma_start3A_68 : memref<2000xi32, #tpu.memory_space<hbm>>) target(%arg7 : memref<2000xi32, #tpu.memory_space<vmem>>) target_semaphore(%arg21 : memref<!tpu.dma_semaphore, #tpu.memory_space<semaphore_mem>>)
    %scan3A_69 = arith.constant 0 : i32
    %scan3A_70 = arith.constant 0 : i32
    %scan3A_71 = arith.constant 0 : i32
    %scan3A_72 = arith.constant 10 : i32
    %scan3A_73 = arith.addi %scan3A_71, %scan3A_72 : i32
    %scan3A_74 = arith.constant 1 : i32
    %scan3A_75:2 = scf.for %scan3A_178 = %scan3A_71 to %scan3A_73 step %scan3A_74 iter_args(%scan3A_179 = %scan3A_69, %scan3A_180 = %scan3A_70) -> (i32, i32)  : i32 {
      %jit3A_181 = arith.constant 2 : i32
      %eq3A_182 = arith.constant 0 : i32
      %eq3A_183 = arith.cmpi eq, %jit3A_181, %eq3A_182 : i32
      %jit3A_184 = arith.constant 1 : i32
      %select_n3A_185 = arith.select %eq3A_183, %jit3A_184, %jit3A_181 : i32
      %rem3A_186 = arith.remsi %scan3A_178, %select_n3A_185 : i32
      %ne3A_187 = arith.constant 0 : i32
      %ne3A_188 = arith.cmpi ne, %rem3A_186, %ne3A_187 : i32
      %lt3A_189 = arith.constant 0 : i32
      %lt3A_190 = arith.cmpi slt, %rem3A_186, %lt3A_189 : i32
      %lt3A_191 = arith.constant 0 : i32
      %lt3A_192 = arith.cmpi slt, %select_n3A_185, %lt3A_191 : i32
      %ne3A_193 = arith.xori %lt3A_190, %lt3A_192 : i1
      %and3A_194 = arith.andi %ne3A_193, %ne3A_188 : i1
      %add3A_195 = arith.addi %rem3A_186, %select_n3A_185 : i32
      %select_n3A_196 = arith.select %and3A_194, %add3A_195, %rem3A_186 : i32
      %eq3A_197 = arith.constant 0 : i32
      %eq3A_198 = arith.cmpi eq, %select_n3A_196, %eq3A_197 : i32
      %convert_element_type3A_199 = arith.extui %eq3A_198 : i1 to i32
      %cond3A_200 = arith.constant 0 : i32
      %cond3A_201 = arith.cmpi ne, %convert_element_type3A_199, %cond3A_200 : i32
      %cond3A_202:2 = scf.if %cond3A_201 -> (i32, i32) {
        %dma_wait3A_203 = tpu.memref_slice %arg3[%mul3A_0] : memref<320000xi32, #tpu.memory_space<hbm>> -> memref<2000xi32, #tpu.memory_space<hbm>>
        %dma_wait3A_204 = tpu.memref_slice %arg3[%mul3A_0] : memref<320000xi32, #tpu.memory_space<hbm>> -> memref<2000xi32, #tpu.memory_space<hbm>>
        tpu.wait_dma2 semaphore(%arg21 : memref<!tpu.dma_semaphore, #tpu.memory_space<semaphore_mem>>) src(%dma_wait3A_204 : memref<2000xi32, #tpu.memory_space<hbm>>) dst(%arg6 : memref<2000xi32, #tpu.memory_space<vmem>>)
        %dma_wait3A_205 = tpu.memref_slice %arg4[%mul3A_0] : memref<320000xi32, #tpu.memory_space<hbm>> -> memref<2000xi32, #tpu.memory_space<hbm>>
        %dma_wait3A_206 = tpu.memref_slice %arg4[%mul3A_0] : memref<320000xi32, #tpu.memory_space<hbm>> -> memref<2000xi32, #tpu.memory_space<hbm>>
        tpu.wait_dma2 semaphore(%arg21 : memref<!tpu.dma_semaphore, #tpu.memory_space<semaphore_mem>>) src(%dma_wait3A_206 : memref<2000xi32, #tpu.memory_space<hbm>>) dst(%arg7 : memref<2000xi32, #tpu.memory_space<vmem>>)
        %add3A_207 = arith.constant 1 : i32
        %add3A_208 = arith.addi %scan3A_178, %add3A_207 : i32
        %mul3A_209 = arith.constant 2000 : i32
        %mul3A_210 = arith.muli %add3A_208, %mul3A_209 : i32
        %add3A_211 = arith.addi %mul3A_0, %mul3A_210 : i32
        %min3A = arith.constant 318000 : i32
        %min3A_212 = arith.minsi %add3A_211, %min3A : i32
        %dma_start3A_213 = tpu.memref_slice %arg3[%min3A_212] : memref<320000xi32, #tpu.memory_space<hbm>> -> memref<2000xi32, #tpu.memory_space<hbm>>
        %dma_start3A_214 = tpu.memref_slice %arg3[%min3A_212] : memref<320000xi32, #tpu.memory_space<hbm>> -> memref<2000xi32, #tpu.memory_space<hbm>>
        tpu.enqueue_dma source(%dma_start3A_214 : memref<2000xi32, #tpu.memory_space<hbm>>) target(%arg8 : memref<2000xi32, #tpu.memory_space<vmem>>) target_semaphore(%arg21 : memref<!tpu.dma_semaphore, #tpu.memory_space<semaphore_mem>>)
        %dma_start3A_215 = tpu.memref_slice %arg4[%min3A_212] : memref<320000xi32, #tpu.memory_space<hbm>> -> memref<2000xi32, #tpu.memory_space<hbm>>
        %dma_start3A_216 = tpu.memref_slice %arg4[%min3A_212] : memref<320000xi32, #tpu.memory_space<hbm>> -> memref<2000xi32, #tpu.memory_space<hbm>>
        tpu.enqueue_dma source(%dma_start3A_216 : memref<2000xi32, #tpu.memory_space<hbm>>) target(%arg9 : memref<2000xi32, #tpu.memory_space<vmem>>) target_semaphore(%arg21 : memref<!tpu.dma_semaphore, #tpu.memory_space<semaphore_mem>>)
        %scan3A_217 = arith.constant 0 : i32
        %scan3A_218 = arith.constant 125 : i32
        %scan3A_219 = arith.addi %scan3A_217, %scan3A_218 : i32
        %scan3A_220 = arith.constant 1 : i32
        %scan3A_221:2 = scf.for %scan3A_223 = %scan3A_217 to %scan3A_219 step %scan3A_220 iter_args(%scan3A_224 = %scan3A_179, %scan3A_225 = %scan3A_180) -> (i32, i32)  : i32 {
          %mul3A_226 = arith.constant 16 : i32
          %mul3A_227 = arith.muli %scan3A_223, %mul3A_226 : i32
          %get3A = arith.index_cast %mul3A_227 : i32 to index
          %get3A_228 = tpu.vector_load %arg6[%get3A] {strides = array<i32>} : memref<2000xi32, #tpu.memory_space<vmem>>, vector<16xi32>,
          %mul3A_229 = arith.constant 16 : i32
          %mul3A_230 = arith.muli %scan3A_223, %mul3A_229 : i32
          %get3A_231 = arith.index_cast %mul3A_230 : i32 to index
          %get3A_232 = tpu.vector_load %arg7[%get3A_231] {strides = array<i32>} : memref<2000xi32, #tpu.memory_space<vmem>>, vector<16xi32>,
          %sub3A = vector.broadcast %add3A : i32 to vector<16xi32>
          %sub3A_233 = arith.subi %get3A_232, %sub3A : vector<16xi32>
          %lt3A_234 = arith.constant 5120 : i32
          %lt3A_235 = vector.broadcast %lt3A_234 : i32 to vector<16xi32>
          %lt3A_236 = arith.cmpi ult, %sub3A_233, %lt3A_235 : vector<16xi32>
          %jit3A_237 = arith.constant 1 : i32
          %jit3A_238 = arith.constant 0 : i32
          %broadcast_in_dim3A_239 = vector.broadcast %jit3A_237 : i32 to vector<16xi32>
          %broadcast_in_dim3A_240 = vector.broadcast %jit3A_238 : i32 to vector<16xi32>
          %select_n3A_241 = arith.select %lt3A_236, %broadcast_in_dim3A_239, %broadcast_in_dim3A_240 : vector<16xi1>, vector<16xi32>
          %cumsum3A = arith.constant true
          %cumsum3A_242 = vector.broadcast %cumsum3A : i1 to vector<16xi1>
          %cumsum3A_243 = tpu.scan <sum>, %select_n3A_241 masked %cumsum3A_242 : vector<16xi32>, vector<16xi1> -> vector<16xi32>
          %add3A_244 = vector.broadcast %scan3A_224 : i32 to vector<16xi32>
          %add3A_245 = arith.addi %add3A_244, %cumsum3A_243 : vector<16xi32>
          %sub3A_246 = arith.constant 1 : i32
          %sub3A_247 = vector.broadcast %sub3A_246 : i32 to vector<16xi32>
          %sub3A_248 = arith.subi %add3A_245, %sub3A_247 : vector<16xi32>
          %jit3A_249 = arith.constant 144 : i32
          %broadcast_in_dim3A_250 = vector.broadcast %jit3A_249 : i32 to vector<16xi32>
          %select_n3A_251 = arith.select %lt3A_236, %sub3A_248, %broadcast_in_dim3A_250 : vector<16xi1>, vector<16xi32>
          tpu.vector_store_idx %arg10[%select_n3A_251], %get3A_228 : memref<160xi32, #tpu.memory_space<vmem>>[vector<16xi32>], vector<16xi32>,
          tpu.vector_store_idx %arg11[%select_n3A_251], %sub3A_233 : memref<160xi32, #tpu.memory_space<vmem>>[vector<16xi32>], vector<16xi32>,
          %reduce_max3A = arith.constant true
          %reduce_max3A_252 = vector.broadcast %reduce_max3A : i1 to vector<16xi1>
          %reduce_max3A_253 = arith.constant -2147483648 : i32
          %reduce_max3A_254 = vector.broadcast %reduce_max3A_253 : i32 to vector<16xi32>
          %reduce_max3A_255 = arith.xori %cumsum3A_243, %reduce_max3A_254 : vector<16xi32>
          %reduce_max3A_256 = tpu.scan <max>, %reduce_max3A_255 masked %reduce_max3A_252 : vector<16xi32>, vector<16xi1> -> vector<16xi32>
          %reduce_max3A_257 = arith.xori %reduce_max3A_256, %reduce_max3A_254 : vector<16xi32>
          %reduce_max3A_258 = vector.extract %reduce_max3A_257[15] : i32 from vector<16xi32>
          %add3A_259 = arith.addi %scan3A_224, %reduce_max3A_258 : i32
          %ge3A = arith.constant 64 : i32
          %ge3A_260 = arith.cmpi sge, %add3A_259, %ge3A : i32
          %convert_element_type3A_261 = arith.extui %ge3A_260 : i1 to i32
          %cond3A_262 = arith.constant 0 : i32
          %cond3A_263 = arith.cmpi ne, %convert_element_type3A_261, %cond3A_262 : i32
          %cond3A_264:2 = scf.if %cond3A_263 -> (i32, i32) {
            %jit3A_265 = arith.constant 2 : i32
            %eq3A_266 = arith.constant 0 : i32
            %eq3A_267 = arith.cmpi eq, %jit3A_265, %eq3A_266 : i32
            %jit3A_268 = arith.constant 1 : i32
            %select_n3A_269 = arith.select %eq3A_267, %jit3A_268, %jit3A_265 : i32
            %rem3A_270 = arith.remsi %scan3A_225, %select_n3A_269 : i32
            %ne3A_271 = arith.constant 0 : i32
            %ne3A_272 = arith.cmpi ne, %rem3A_270, %ne3A_271 : i32
            %lt3A_273 = arith.constant 0 : i32
            %lt3A_274 = arith.cmpi slt, %rem3A_270, %lt3A_273 : i32
            %lt3A_275 = arith.constant 0 : i32
            %lt3A_276 = arith.cmpi slt, %select_n3A_269, %lt3A_275 : i32
            %ne3A_277 = arith.xori %lt3A_274, %lt3A_276 : i1
            %and3A_278 = arith.andi %ne3A_277, %ne3A_272 : i1
            %add3A_279 = arith.addi %rem3A_270, %select_n3A_269 : i32
            %select_n3A_280 = arith.select %and3A_278, %add3A_279, %rem3A_270 : i32
            %eq3A_281 = arith.constant 0 : i32
            %eq3A_282 = arith.cmpi eq, %select_n3A_280, %eq3A_281 : i32
            %convert_element_type3A_283 = arith.extui %eq3A_282 : i1 to i32
            %cond3A_284 = arith.constant 0 : i32
            %cond3A_285 = arith.cmpi ne, %convert_element_type3A_283, %cond3A_284 : i32
            scf.if %cond3A_285 {
              %dma_wait3A_298 = arith.constant 0 : i32
              %dma_wait3A_299 = arith.constant 0 : i32
              %dma_wait3A_300 = arith.constant 0 : i32
              %dma_wait3A_301 = tpu.memref_slice %arg20[%dma_wait3A_298, %dma_wait3A_299, %dma_wait3A_300] : memref<5136x2x128xf32, #tpu.memory_space<vmem_shared>> -> memref<5136x2x128xf32, #tpu.memory_space<vmem_shared>>
              tpu.wait_indirect_dma semaphore(%arg23 : memref<!tpu.dma_semaphore, #tpu.memory_space<semaphore_mem>>) src(%arg16 : memref<64x2x128xf32, #tpu.memory_space<vmem>>) dst(%dma_wait3A_301 : memref<5136x2x128xf32, #tpu.memory_space<vmem_shared>>)
              %get3A_302 = arith.constant 0 : index
              %get3A_303 = tpu.vector_load %arg10[%get3A_302] {strides = array<i32>} : memref<160xi32, #tpu.memory_space<vmem>>, vector<16xi32>,
              %swap3A_304 = arith.constant 0 : index
              %swap3A_305 = tpu.vector_load %arg12[%swap3A_304] {strides = array<i32>} : memref<64xi32, #tpu.memory_space<vmem>>, vector<16xi32>,
              tpu.vector_store %arg12[%swap3A_304], %get3A_303 {strides = array<i32>} : memref<64xi32, #tpu.memory_space<vmem>>, vector<16xi32>,
              %get3A_306 = arith.constant 0 : index
              %get3A_307 = tpu.vector_load %arg11[%get3A_306] {strides = array<i32>} : memref<160xi32, #tpu.memory_space<vmem>>, vector<16xi32>,
              %swap3A_308 = arith.constant 0 : index
              %swap3A_309 = tpu.vector_load %arg13[%swap3A_308] {strides = array<i32>} : memref<64xi32, #tpu.memory_space<vmem>>, vector<16xi32>,
              tpu.vector_store %arg13[%swap3A_308], %get3A_307 {strides = array<i32>} : memref<64xi32, #tpu.memory_space<vmem>>, vector<16xi32>,
              %get3A_310 = arith.constant 16 : index
              %get3A_311 = tpu.vector_load %arg10[%get3A_310] {strides = array<i32>} : memref<160xi32, #tpu.memory_space<vmem>>, vector<16xi32>,
              %swap3A_312 = arith.constant 16 : index
              %swap3A_313 = tpu.vector_load %arg12[%swap3A_312] {strides = array<i32>} : memref<64xi32, #tpu.memory_space<vmem>>, vector<16xi32>,
              tpu.vector_store %arg12[%swap3A_312], %get3A_311 {strides = array<i32>} : memref<64xi32, #tpu.memory_space<vmem>>, vector<16xi32>,
              %get3A_314 = arith.constant 16 : index
              %get3A_315 = tpu.vector_load %arg11[%get3A_314] {strides = array<i32>} : memref<160xi32, #tpu.memory_space<vmem>>, vector<16xi32>,
              %swap3A_316 = arith.constant 16 : index
              %swap3A_317 = tpu.vector_load %arg13[%swap3A_316] {strides = array<i32>} : memref<64xi32, #tpu.memory_space<vmem>>, vector<16xi32>,
              tpu.vector_store %arg13[%swap3A_316], %get3A_315 {strides = array<i32>} : memref<64xi32, #tpu.memory_space<vmem>>, vector<16xi32>,
              %get3A_318 = arith.constant 32 : index
              %get3A_319 = tpu.vector_load %arg10[%get3A_318] {strides = array<i32>} : memref<160xi32, #tpu.memory_space<vmem>>, vector<16xi32>,
              %swap3A_320 = arith.constant 32 : index
              %swap3A_321 = tpu.vector_load %arg12[%swap3A_320] {strides = array<i32>} : memref<64xi32, #tpu.memory_space<vmem>>, vector<16xi32>,
              tpu.vector_store %arg12[%swap3A_320], %get3A_319 {strides = array<i32>} : memref<64xi32, #tpu.memory_space<vmem>>, vector<16xi32>,
              %get3A_322 = arith.constant 32 : index
              %get3A_323 = tpu.vector_load %arg11[%get3A_322] {strides = array<i32>} : memref<160xi32, #tpu.memory_space<vmem>>, vector<16xi32>,
              %swap3A_324 = arith.constant 32 : index
              %swap3A_325 = tpu.vector_load %arg13[%swap3A_324] {strides = array<i32>} : memref<64xi32, #tpu.memory_space<vmem>>, vector<16xi32>,
              tpu.vector_store %arg13[%swap3A_324], %get3A_323 {strides = array<i32>} : memref<64xi32, #tpu.memory_space<vmem>>, vector<16xi32>,
              %get3A_326 = arith.constant 48 : index
              %get3A_327 = tpu.vector_load %arg10[%get3A_326] {strides = array<i32>} : memref<160xi32, #tpu.memory_space<vmem>>, vector<16xi32>,
              %swap3A_328 = arith.constant 48 : index
              %swap3A_329 = tpu.vector_load %arg12[%swap3A_328] {strides = array<i32>} : memref<64xi32, #tpu.memory_space<vmem>>, vector<16xi32>,
              tpu.vector_store %arg12[%swap3A_328], %get3A_327 {strides = array<i32>} : memref<64xi32, #tpu.memory_space<vmem>>, vector<16xi32>,
              %get3A_330 = arith.constant 48 : index
              %get3A_331 = tpu.vector_load %arg11[%get3A_330] {strides = array<i32>} : memref<160xi32, #tpu.memory_space<vmem>>, vector<16xi32>,
              %swap3A_332 = arith.constant 48 : index
              %swap3A_333 = tpu.vector_load %arg13[%swap3A_332] {strides = array<i32>} : memref<64xi32, #tpu.memory_space<vmem>>, vector<16xi32>,
              tpu.vector_store %arg13[%swap3A_332], %get3A_331 {strides = array<i32>} : memref<64xi32, #tpu.memory_space<vmem>>, vector<16xi32>,
              %dma_wait3A_334 = arith.constant 0 : i32
              %dma_wait3A_335 = arith.constant 0 : i32
              %dma_wait3A_336 = arith.constant 0 : i32
              %dma_wait3A_337 = tpu.memref_slice %arg2[%dma_wait3A_334, %dma_wait3A_335, %dma_wait3A_336] : memref<10000x2x128xf32, #tpu.memory_space<hbm>> -> memref<10000x2x128xf32, #tpu.memory_space<hbm>>
              tpu.wait_indirect_dma semaphore(%arg22 : memref<!tpu.dma_semaphore, #tpu.memory_space<semaphore_mem>>) src(%dma_wait3A_337 : memref<10000x2x128xf32, #tpu.memory_space<hbm>>) dst(%arg17 : memref<64x2x128xf32, #tpu.memory_space<vmem>>)
              %dma_start3A_338 = arith.constant 0 : i32
              %dma_start3A_339 = arith.constant 0 : i32
              %dma_start3A_340 = arith.constant 0 : i32
              %dma_start3A_341 = tpu.memref_slice %arg2[%dma_start3A_338, %dma_start3A_339, %dma_start3A_340] : memref<10000x2x128xf32, #tpu.memory_space<hbm>> -> memref<10000x2x128xf32, #tpu.memory_space<hbm>>
              tpu.enqueue_indirect_dma source(%dma_start3A_341 : memref<10000x2x128xf32, #tpu.memory_space<hbm>>) target(%arg16 : memref<64x2x128xf32, #tpu.memory_space<vmem>>) offsets(%arg12 : memref<64xi32, #tpu.memory_space<vmem>>) semaphore(%arg22 : memref<!tpu.dma_semaphore, #tpu.memory_space<semaphore_mem>>)
              %dma_start3A_342 = arith.constant 0 : i32
              %dma_start3A_343 = arith.constant 0 : i32
              %dma_start3A_344 = arith.constant 0 : i32
              %dma_start3A_345 = tpu.memref_slice %arg20[%dma_start3A_342, %dma_start3A_343, %dma_start3A_344] : memref<5136x2x128xf32, #tpu.memory_space<vmem_shared>> -> memref<5136x2x128xf32, #tpu.memory_space<vmem_shared>>
              tpu.enqueue_indirect_dma source(%arg17 : memref<64x2x128xf32, #tpu.memory_space<vmem>>) target(%dma_start3A_345 : memref<5136x2x128xf32, #tpu.memory_space<vmem_shared>>) offsets(%arg15 : memref<64xi32, #tpu.memory_space<vmem>>) semaphore(%arg24 : memref<!tpu.dma_semaphore, #tpu.memory_space<semaphore_mem>>) {add = true}
            } else {
              %dma_wait3A_298 = arith.constant 0 : i32
              %dma_wait3A_299 = arith.constant 0 : i32
              %dma_wait3A_300 = arith.constant 0 : i32
              %dma_wait3A_301 = tpu.memref_slice %arg20[%dma_wait3A_298, %dma_wait3A_299, %dma_wait3A_300] : memref<5136x2x128xf32, #tpu.memory_space<vmem_shared>> -> memref<5136x2x128xf32, #tpu.memory_space<vmem_shared>>
              tpu.wait_indirect_dma semaphore(%arg24 : memref<!tpu.dma_semaphore, #tpu.memory_space<semaphore_mem>>) src(%arg17 : memref<64x2x128xf32, #tpu.memory_space<vmem>>) dst(%dma_wait3A_301 : memref<5136x2x128xf32, #tpu.memory_space<vmem_shared>>)
              %get3A_302 = arith.constant 0 : index
              %get3A_303 = tpu.vector_load %arg10[%get3A_302] {strides = array<i32>} : memref<160xi32, #tpu.memory_space<vmem>>, vector<16xi32>,
              %swap3A_304 = arith.constant 0 : index
              %swap3A_305 = tpu.vector_load %arg14[%swap3A_304] {strides = array<i32>} : memref<64xi32, #tpu.memory_space<vmem>>, vector<16xi32>,
              tpu.vector_store %arg14[%swap3A_304], %get3A_303 {strides = array<i32>} : memref<64xi32, #tpu.memory_space<vmem>>, vector<16xi32>,
              %get3A_306 = arith.constant 0 : index
              %get3A_307 = tpu.vector_load %arg11[%get3A_306] {strides = array<i32>} : memref<160xi32, #tpu.memory_space<vmem>>, vector<16xi32>,
              %swap3A_308 = arith.constant 0 : index
              %swap3A_309 = tpu.vector_load %arg15[%swap3A_308] {strides = array<i32>} : memref<64xi32, #tpu.memory_space<vmem>>, vector<16xi32>,
              tpu.vector_store %arg15[%swap3A_308], %get3A_307 {strides = array<i32>} : memref<64xi32, #tpu.memory_space<vmem>>, vector<16xi32>,
              %get3A_310 = arith.constant 16 : index
              %get3A_311 = tpu.vector_load %arg10[%get3A_310] {strides = array<i32>} : memref<160xi32, #tpu.memory_space<vmem>>, vector<16xi32>,
              %swap3A_312 = arith.constant 16 : index
              %swap3A_313 = tpu.vector_load %arg14[%swap3A_312] {strides = array<i32>} : memref<64xi32, #tpu.memory_space<vmem>>, vector<16xi32>,
              tpu.vector_store %arg14[%swap3A_312], %get3A_311 {strides = array<i32>} : memref<64xi32, #tpu.memory_space<vmem>>, vector<16xi32>,
              %get3A_314 = arith.constant 16 : index
              %get3A_315 = tpu.vector_load %arg11[%get3A_314] {strides = array<i32>} : memref<160xi32, #tpu.memory_space<vmem>>, vector<16xi32>,
              %swap3A_316 = arith.constant 16 : index
              %swap3A_317 = tpu.vector_load %arg15[%swap3A_316] {strides = array<i32>} : memref<64xi32, #tpu.memory_space<vmem>>, vector<16xi32>,
              tpu.vector_store %arg15[%swap3A_316], %get3A_315 {strides = array<i32>} : memref<64xi32, #tpu.memory_space<vmem>>, vector<16xi32>,
              %get3A_318 = arith.constant 32 : index
              %get3A_319 = tpu.vector_load %arg10[%get3A_318] {strides = array<i32>} : memref<160xi32, #tpu.memory_space<vmem>>, vector<16xi32>,
              %swap3A_320 = arith.constant 32 : index
              %swap3A_321 = tpu.vector_load %arg14[%swap3A_320] {strides = array<i32>} : memref<64xi32, #tpu.memory_space<vmem>>, vector<16xi32>,
              tpu.vector_store %arg14[%swap3A_320], %get3A_319 {strides = array<i32>} : memref<64xi32, #tpu.memory_space<vmem>>, vector<16xi32>,
              %get3A_322 = arith.constant 32 : index
              %get3A_323 = tpu.vector_load %arg11[%get3A_322] {strides = array<i32>} : memref<160xi32, #tpu.memory_space<vmem>>, vector<16xi32>,
              %swap3A_324 = arith.constant 32 : index
              %swap3A_325 = tpu.vector_load %arg15[%swap3A_324] {strides = array<i32>} : memref<64xi32, #tpu.memory_space<vmem>>, vector<16xi32>,
              tpu.vector_store %arg15[%swap3A_324], %get3A_323 {strides = array<i32>} : memref<64xi32, #tpu.memory_space<vmem>>, vector<16xi32>,
              %get3A_326 = arith.constant 48 : index
              %get3A_327 = tpu.vector_load %arg10[%get3A_326] {strides = array<i32>} : memref<160xi32, #tpu.memory_space<vmem>>, vector<16xi32>,
              %swap3A_328 = arith.constant 48 : index
              %swap3A_329 = tpu.vector_load %arg14[%swap3A_328] {strides = array<i32>} : memref<64xi32, #tpu.memory_space<vmem>>, vector<16xi32>,
              tpu.vector_store %arg14[%swap3A_328], %get3A_327 {strides = array<i32>} : memref<64xi32, #tpu.memory_space<vmem>>, vector<16xi32>,
              %get3A_330 = arith.constant 48 : index
              %get3A_331 = tpu.vector_load %arg11[%get3A_330] {strides = array<i32>} : memref<160xi32, #tpu.memory_space<vmem>>, vector<16xi32>,
              %swap3A_332 = arith.constant 48 : index
              %swap3A_333 = tpu.vector_load %arg15[%swap3A_332] {strides = array<i32>} : memref<64xi32, #tpu.memory_space<vmem>>, vector<16xi32>,
              tpu.vector_store %arg15[%swap3A_332], %get3A_331 {strides = array<i32>} : memref<64xi32, #tpu.memory_space<vmem>>, vector<16xi32>,
              %dma_wait3A_334 = arith.constant 0 : i32
              %dma_wait3A_335 = arith.constant 0 : i32
              %dma_wait3A_336 = arith.constant 0 : i32
              %dma_wait3A_337 = tpu.memref_slice %arg2[%dma_wait3A_334, %dma_wait3A_335, %dma_wait3A_336] : memref<10000x2x128xf32, #tpu.memory_space<hbm>> -> memref<10000x2x128xf32, #tpu.memory_space<hbm>>
              tpu.wait_indirect_dma semaphore(%arg22 : memref<!tpu.dma_semaphore, #tpu.memory_space<semaphore_mem>>) src(%dma_wait3A_337 : memref<10000x2x128xf32, #tpu.memory_space<hbm>>) dst(%arg16 : memref<64x2x128xf32, #tpu.memory_space<vmem>>)
              %dma_start3A_338 = arith.constant 0 : i32
              %dma_start3A_339 = arith.constant 0 : i32
              %dma_start3A_340 = arith.constant 0 : i32
              %dma_start3A_341 = tpu.memref_slice %arg2[%dma_start3A_338, %dma_start3A_339, %dma_start3A_340] : memref<10000x2x128xf32, #tpu.memory_space<hbm>> -> memref<10000x2x128xf32, #tpu.memory_space<hbm>>
              tpu.enqueue_indirect_dma source(%dma_start3A_341 : memref<10000x2x128xf32, #tpu.memory_space<hbm>>) target(%arg17 : memref<64x2x128xf32, #tpu.memory_space<vmem>>) offsets(%arg14 : memref<64xi32, #tpu.memory_space<vmem>>) semaphore(%arg22 : memref<!tpu.dma_semaphore, #tpu.memory_space<semaphore_mem>>)
              %dma_start3A_342 = arith.constant 0 : i32
              %dma_start3A_343 = arith.constant 0 : i32
              %dma_start3A_344 = arith.constant 0 : i32
              %dma_start3A_345 = tpu.memref_slice %arg20[%dma_start3A_342, %dma_start3A_343, %dma_start3A_344] : memref<5136x2x128xf32, #tpu.memory_space<vmem_shared>> -> memref<5136x2x128xf32, #tpu.memory_space<vmem_shared>>
              tpu.enqueue_indirect_dma source(%arg16 : memref<64x2x128xf32, #tpu.memory_space<vmem>>) target(%dma_start3A_345 : memref<5136x2x128xf32, #tpu.memory_space<vmem_shared>>) offsets(%arg13 : memref<64xi32, #tpu.memory_space<vmem>>) semaphore(%arg23 : memref<!tpu.dma_semaphore, #tpu.memory_space<semaphore_mem>>) {add = true}
            }
            %get3A_286 = arith.constant 64 : index
            %get3A_287 = tpu.vector_load %arg10[%get3A_286] {strides = array<i32>} : memref<160xi32, #tpu.memory_space<vmem>>, vector<16xi32>,
            %swap3A_288 = arith.constant 0 : index
            %swap3A_289 = tpu.vector_load %arg10[%swap3A_288] {strides = array<i32>} : memref<160xi32, #tpu.memory_space<vmem>>, vector<16xi32>,
            tpu.vector_store %arg10[%swap3A_288], %get3A_287 {strides = array<i32>} : memref<160xi32, #tpu.memory_space<vmem>>, vector<16xi32>,
            %get3A_290 = arith.constant 64 : index
            %get3A_291 = tpu.vector_load %arg11[%get3A_290] {strides = array<i32>} : memref<160xi32, #tpu.memory_space<vmem>>, vector<16xi32>,
            %swap3A_292 = arith.constant 0 : index
            %swap3A_293 = tpu.vector_load %arg11[%swap3A_292] {strides = array<i32>} : memref<160xi32, #tpu.memory_space<vmem>>, vector<16xi32>,
            tpu.vector_store %arg11[%swap3A_292], %get3A_291 {strides = array<i32>} : memref<160xi32, #tpu.memory_space<vmem>>, vector<16xi32>,
            %sub3A_294 = arith.constant 64 : i32
            %sub3A_295 = arith.subi %add3A_259, %sub3A_294 : i32
            %add3A_296 = arith.constant 1 : i32
            %add3A_297 = arith.addi %scan3A_225, %add3A_296 : i32
            scf.yield %sub3A_295, %add3A_297 : i32, i32
          } else {
            scf.yield %add3A_259, %scan3A_225 : i32, i32
          }
          scf.yield %cond3A_264#0, %cond3A_264#1 : i32, i32
        }
        %scan3A_222 = arith.constant 125 : i32
        scf.yield %scan3A_221#0, %scan3A_221#1 : i32, i32
      } else {
        %dma_wait3A_203 = tpu.memref_slice %arg3[%mul3A_0] : memref<320000xi32, #tpu.memory_space<hbm>> -> memref<2000xi32, #tpu.memory_space<hbm>>
        %dma_wait3A_204 = tpu.memref_slice %arg3[%mul3A_0] : memref<320000xi32, #tpu.memory_space<hbm>> -> memref<2000xi32, #tpu.memory_space<hbm>>
        tpu.wait_dma2 semaphore(%arg21 : memref<!tpu.dma_semaphore, #tpu.memory_space<semaphore_mem>>) src(%dma_wait3A_204 : memref<2000xi32, #tpu.memory_space<hbm>>) dst(%arg8 : memref<2000xi32, #tpu.memory_space<vmem>>)
        %dma_wait3A_205 = tpu.memref_slice %arg4[%mul3A_0] : memref<320000xi32, #tpu.memory_space<hbm>> -> memref<2000xi32, #tpu.memory_space<hbm>>
        %dma_wait3A_206 = tpu.memref_slice %arg4[%mul3A_0] : memref<320000xi32, #tpu.memory_space<hbm>> -> memref<2000xi32, #tpu.memory_space<hbm>>
        tpu.wait_dma2 semaphore(%arg21 : memref<!tpu.dma_semaphore, #tpu.memory_space<semaphore_mem>>) src(%dma_wait3A_206 : memref<2000xi32, #tpu.memory_space<hbm>>) dst(%arg9 : memref<2000xi32, #tpu.memory_space<vmem>>)
        %add3A_207 = arith.constant 1 : i32
        %add3A_208 = arith.addi %scan3A_178, %add3A_207 : i32
        %mul3A_209 = arith.constant 2000 : i32
        %mul3A_210 = arith.muli %add3A_208, %mul3A_209 : i32
        %add3A_211 = arith.addi %mul3A_0, %mul3A_210 : i32
        %min3A = arith.constant 318000 : i32
        %min3A_212 = arith.minsi %add3A_211, %min3A : i32
        %dma_start3A_213 = tpu.memref_slice %arg3[%min3A_212] : memref<320000xi32, #tpu.memory_space<hbm>> -> memref<2000xi32, #tpu.memory_space<hbm>>
        %dma_start3A_214 = tpu.memref_slice %arg3[%min3A_212] : memref<320000xi32, #tpu.memory_space<hbm>> -> memref<2000xi32, #tpu.memory_space<hbm>>
        tpu.enqueue_dma source(%dma_start3A_214 : memref<2000xi32, #tpu.memory_space<hbm>>) target(%arg6 : memref<2000xi32, #tpu.memory_space<vmem>>) target_semaphore(%arg21 : memref<!tpu.dma_semaphore, #tpu.memory_space<semaphore_mem>>)
        %dma_start3A_215 = tpu.memref_slice %arg4[%min3A_212] : memref<320000xi32, #tpu.memory_space<hbm>> -> memref<2000xi32, #tpu.memory_space<hbm>>
        %dma_start3A_216 = tpu.memref_slice %arg4[%min3A_212] : memref<320000xi32, #tpu.memory_space<hbm>> -> memref<2000xi32, #tpu.memory_space<hbm>>
        tpu.enqueue_dma source(%dma_start3A_216 : memref<2000xi32, #tpu.memory_space<hbm>>) target(%arg7 : memref<2000xi32, #tpu.memory_space<vmem>>) target_semaphore(%arg21 : memref<!tpu.dma_semaphore, #tpu.memory_space<semaphore_mem>>)
        %scan3A_217 = arith.constant 0 : i32
        %scan3A_218 = arith.constant 125 : i32
        %scan3A_219 = arith.addi %scan3A_217, %scan3A_218 : i32
        %scan3A_220 = arith.constant 1 : i32
        %scan3A_221:2 = scf.for %scan3A_223 = %scan3A_217 to %scan3A_219 step %scan3A_220 iter_args(%scan3A_224 = %scan3A_179, %scan3A_225 = %scan3A_180) -> (i32, i32)  : i32 {
          %mul3A_226 = arith.constant 16 : i32
          %mul3A_227 = arith.muli %scan3A_223, %mul3A_226 : i32
          %get3A = arith.index_cast %mul3A_227 : i32 to index
          %get3A_228 = tpu.vector_load %arg8[%get3A] {strides = array<i32>} : memref<2000xi32, #tpu.memory_space<vmem>>, vector<16xi32>,
          %mul3A_229 = arith.constant 16 : i32
          %mul3A_230 = arith.muli %scan3A_223, %mul3A_229 : i32
          %get3A_231 = arith.index_cast %mul3A_230 : i32 to index
          %get3A_232 = tpu.vector_load %arg9[%get3A_231] {strides = array<i32>} : memref<2000xi32, #tpu.memory_space<vmem>>, vector<16xi32>,
          %sub3A = vector.broadcast %add3A : i32 to vector<16xi32>
          %sub3A_233 = arith.subi %get3A_232, %sub3A : vector<16xi32>
          %lt3A_234 = arith.constant 5120 : i32
          %lt3A_235 = vector.broadcast %lt3A_234 : i32 to vector<16xi32>
          %lt3A_236 = arith.cmpi ult, %sub3A_233, %lt3A_235 : vector<16xi32>
          %jit3A_237 = arith.constant 1 : i32
          %jit3A_238 = arith.constant 0 : i32
          %broadcast_in_dim3A_239 = vector.broadcast %jit3A_237 : i32 to vector<16xi32>
          %broadcast_in_dim3A_240 = vector.broadcast %jit3A_238 : i32 to vector<16xi32>
          %select_n3A_241 = arith.select %lt3A_236, %broadcast_in_dim3A_239, %broadcast_in_dim3A_240 : vector<16xi1>, vector<16xi32>
          %cumsum3A = arith.constant true
          %cumsum3A_242 = vector.broadcast %cumsum3A : i1 to vector<16xi1>
          %cumsum3A_243 = tpu.scan <sum>, %select_n3A_241 masked %cumsum3A_242 : vector<16xi32>, vector<16xi1> -> vector<16xi32>
          %add3A_244 = vector.broadcast %scan3A_224 : i32 to vector<16xi32>
          %add3A_245 = arith.addi %add3A_244, %cumsum3A_243 : vector<16xi32>
          %sub3A_246 = arith.constant 1 : i32
          %sub3A_247 = vector.broadcast %sub3A_246 : i32 to vector<16xi32>
          %sub3A_248 = arith.subi %add3A_245, %sub3A_247 : vector<16xi32>
          %jit3A_249 = arith.constant 144 : i32
          %broadcast_in_dim3A_250 = vector.broadcast %jit3A_249 : i32 to vector<16xi32>
          %select_n3A_251 = arith.select %lt3A_236, %sub3A_248, %broadcast_in_dim3A_250 : vector<16xi1>, vector<16xi32>
          tpu.vector_store_idx %arg10[%select_n3A_251], %get3A_228 : memref<160xi32, #tpu.memory_space<vmem>>[vector<16xi32>], vector<16xi32>,
          tpu.vector_store_idx %arg11[%select_n3A_251], %sub3A_233 : memref<160xi32, #tpu.memory_space<vmem>>[vector<16xi32>], vector<16xi32>,
          %reduce_max3A = arith.constant true
          %reduce_max3A_252 = vector.broadcast %reduce_max3A : i1 to vector<16xi1>
          %reduce_max3A_253 = arith.constant -2147483648 : i32
          %reduce_max3A_254 = vector.broadcast %reduce_max3A_253 : i32 to vector<16xi32>
          %reduce_max3A_255 = arith.xori %cumsum3A_243, %reduce_max3A_254 : vector<16xi32>
          %reduce_max3A_256 = tpu.scan <max>, %reduce_max3A_255 masked %reduce_max3A_252 : vector<16xi32>, vector<16xi1> -> vector<16xi32>
          %reduce_max3A_257 = arith.xori %reduce_max3A_256, %reduce_max3A_254 : vector<16xi32>
          %reduce_max3A_258 = vector.extract %reduce_max3A_257[15] : i32 from vector<16xi32>
          %add3A_259 = arith.addi %scan3A_224, %reduce_max3A_258 : i32
          %ge3A = arith.constant 64 : i32
          %ge3A_260 = arith.cmpi sge, %add3A_259, %ge3A : i32
          %convert_element_type3A_261 = arith.extui %ge3A_260 : i1 to i32
          %cond3A_262 = arith.constant 0 : i32
          %cond3A_263 = arith.cmpi ne, %convert_element_type3A_261, %cond3A_262 : i32
          %cond3A_264:2 = scf.if %cond3A_263 -> (i32, i32) {
            %jit3A_265 = arith.constant 2 : i32
            %eq3A_266 = arith.constant 0 : i32
            %eq3A_267 = arith.cmpi eq, %jit3A_265, %eq3A_266 : i32
            %jit3A_268 = arith.constant 1 : i32
            %select_n3A_269 = arith.select %eq3A_267, %jit3A_268, %jit3A_265 : i32
            %rem3A_270 = arith.remsi %scan3A_225, %select_n3A_269 : i32
            %ne3A_271 = arith.constant 0 : i32
            %ne3A_272 = arith.cmpi ne, %rem3A_270, %ne3A_271 : i32
            %lt3A_273 = arith.constant 0 : i32
            %lt3A_274 = arith.cmpi slt, %rem3A_270, %lt3A_273 : i32
            %lt3A_275 = arith.constant 0 : i32
            %lt3A_276 = arith.cmpi slt, %select_n3A_269, %lt3A_275 : i32
            %ne3A_277 = arith.xori %lt3A_274, %lt3A_276 : i1
            %and3A_278 = arith.andi %ne3A_277, %ne3A_272 : i1
            %add3A_279 = arith.addi %rem3A_270, %select_n3A_269 : i32
            %select_n3A_280 = arith.select %and3A_278, %add3A_279, %rem3A_270 : i32
            %eq3A_281 = arith.constant 0 : i32
            %eq3A_282 = arith.cmpi eq, %select_n3A_280, %eq3A_281 : i32
            %convert_element_type3A_283 = arith.extui %eq3A_282 : i1 to i32
            %cond3A_284 = arith.constant 0 : i32
            %cond3A_285 = arith.cmpi ne, %convert_element_type3A_283, %cond3A_284 : i32
            scf.if %cond3A_285 {
              %dma_wait3A_298 = arith.constant 0 : i32
              %dma_wait3A_299 = arith.constant 0 : i32
              %dma_wait3A_300 = arith.constant 0 : i32
              %dma_wait3A_301 = tpu.memref_slice %arg20[%dma_wait3A_298, %dma_wait3A_299, %dma_wait3A_300] : memref<5136x2x128xf32, #tpu.memory_space<vmem_shared>> -> memref<5136x2x128xf32, #tpu.memory_space<vmem_shared>>
              tpu.wait_indirect_dma semaphore(%arg23 : memref<!tpu.dma_semaphore, #tpu.memory_space<semaphore_mem>>) src(%arg16 : memref<64x2x128xf32, #tpu.memory_space<vmem>>) dst(%dma_wait3A_301 : memref<5136x2x128xf32, #tpu.memory_space<vmem_shared>>)
              %get3A_302 = arith.constant 0 : index
              %get3A_303 = tpu.vector_load %arg10[%get3A_302] {strides = array<i32>} : memref<160xi32, #tpu.memory_space<vmem>>, vector<16xi32>,
              %swap3A_304 = arith.constant 0 : index
              %swap3A_305 = tpu.vector_load %arg12[%swap3A_304] {strides = array<i32>} : memref<64xi32, #tpu.memory_space<vmem>>, vector<16xi32>,
              tpu.vector_store %arg12[%swap3A_304], %get3A_303 {strides = array<i32>} : memref<64xi32, #tpu.memory_space<vmem>>, vector<16xi32>,
              %get3A_306 = arith.constant 0 : index
              %get3A_307 = tpu.vector_load %arg11[%get3A_306] {strides = array<i32>} : memref<160xi32, #tpu.memory_space<vmem>>, vector<16xi32>,
              %swap3A_308 = arith.constant 0 : index
              %swap3A_309 = tpu.vector_load %arg13[%swap3A_308] {strides = array<i32>} : memref<64xi32, #tpu.memory_space<vmem>>, vector<16xi32>,
              tpu.vector_store %arg13[%swap3A_308], %get3A_307 {strides = array<i32>} : memref<64xi32, #tpu.memory_space<vmem>>, vector<16xi32>,
              %get3A_310 = arith.constant 16 : index
              %get3A_311 = tpu.vector_load %arg10[%get3A_310] {strides = array<i32>} : memref<160xi32, #tpu.memory_space<vmem>>, vector<16xi32>,
              %swap3A_312 = arith.constant 16 : index
              %swap3A_313 = tpu.vector_load %arg12[%swap3A_312] {strides = array<i32>} : memref<64xi32, #tpu.memory_space<vmem>>, vector<16xi32>,
              tpu.vector_store %arg12[%swap3A_312], %get3A_311 {strides = array<i32>} : memref<64xi32, #tpu.memory_space<vmem>>, vector<16xi32>,
              %get3A_314 = arith.constant 16 : index
              %get3A_315 = tpu.vector_load %arg11[%get3A_314] {strides = array<i32>} : memref<160xi32, #tpu.memory_space<vmem>>, vector<16xi32>,
              %swap3A_316 = arith.constant 16 : index
              %swap3A_317 = tpu.vector_load %arg13[%swap3A_316] {strides = array<i32>} : memref<64xi32, #tpu.memory_space<vmem>>, vector<16xi32>,
              tpu.vector_store %arg13[%swap3A_316], %get3A_315 {strides = array<i32>} : memref<64xi32, #tpu.memory_space<vmem>>, vector<16xi32>,
              %get3A_318 = arith.constant 32 : index
              %get3A_319 = tpu.vector_load %arg10[%get3A_318] {strides = array<i32>} : memref<160xi32, #tpu.memory_space<vmem>>, vector<16xi32>,
              %swap3A_320 = arith.constant 32 : index
              %swap3A_321 = tpu.vector_load %arg12[%swap3A_320] {strides = array<i32>} : memref<64xi32, #tpu.memory_space<vmem>>, vector<16xi32>,
              tpu.vector_store %arg12[%swap3A_320], %get3A_319 {strides = array<i32>} : memref<64xi32, #tpu.memory_space<vmem>>, vector<16xi32>,
              %get3A_322 = arith.constant 32 : index
              %get3A_323 = tpu.vector_load %arg11[%get3A_322] {strides = array<i32>} : memref<160xi32, #tpu.memory_space<vmem>>, vector<16xi32>,
              %swap3A_324 = arith.constant 32 : index
              %swap3A_325 = tpu.vector_load %arg13[%swap3A_324] {strides = array<i32>} : memref<64xi32, #tpu.memory_space<vmem>>, vector<16xi32>,
              tpu.vector_store %arg13[%swap3A_324], %get3A_323 {strides = array<i32>} : memref<64xi32, #tpu.memory_space<vmem>>, vector<16xi32>,
              %get3A_326 = arith.constant 48 : index
              %get3A_327 = tpu.vector_load %arg10[%get3A_326] {strides = array<i32>} : memref<160xi32, #tpu.memory_space<vmem>>, vector<16xi32>,
              %swap3A_328 = arith.constant 48 : index
              %swap3A_329 = tpu.vector_load %arg12[%swap3A_328] {strides = array<i32>} : memref<64xi32, #tpu.memory_space<vmem>>, vector<16xi32>,
              tpu.vector_store %arg12[%swap3A_328], %get3A_327 {strides = array<i32>} : memref<64xi32, #tpu.memory_space<vmem>>, vector<16xi32>,
              %get3A_330 = arith.constant 48 : index
              %get3A_331 = tpu.vector_load %arg11[%get3A_330] {strides = array<i32>} : memref<160xi32, #tpu.memory_space<vmem>>, vector<16xi32>,
              %swap3A_332 = arith.constant 48 : index
              %swap3A_333 = tpu.vector_load %arg13[%swap3A_332] {strides = array<i32>} : memref<64xi32, #tpu.memory_space<vmem>>, vector<16xi32>,
              tpu.vector_store %arg13[%swap3A_332], %get3A_331 {strides = array<i32>} : memref<64xi32, #tpu.memory_space<vmem>>, vector<16xi32>,
              %dma_wait3A_334 = arith.constant 0 : i32
              %dma_wait3A_335 = arith.constant 0 : i32
              %dma_wait3A_336 = arith.constant 0 : i32
              %dma_wait3A_337 = tpu.memref_slice %arg2[%dma_wait3A_334, %dma_wait3A_335, %dma_wait3A_336] : memref<10000x2x128xf32, #tpu.memory_space<hbm>> -> memref<10000x2x128xf32, #tpu.memory_space<hbm>>
              tpu.wait_indirect_dma semaphore(%arg22 : memref<!tpu.dma_semaphore, #tpu.memory_space<semaphore_mem>>) src(%dma_wait3A_337 : memref<10000x2x128xf32, #tpu.memory_space<hbm>>) dst(%arg17 : memref<64x2x128xf32, #tpu.memory_space<vmem>>)
              %dma_start3A_338 = arith.constant 0 : i32
              %dma_start3A_339 = arith.constant 0 : i32
              %dma_start3A_340 = arith.constant 0 : i32
              %dma_start3A_341 = tpu.memref_slice %arg2[%dma_start3A_338, %dma_start3A_339, %dma_start3A_340] : memref<10000x2x128xf32, #tpu.memory_space<hbm>> -> memref<10000x2x128xf32, #tpu.memory_space<hbm>>
              tpu.enqueue_indirect_dma source(%dma_start3A_341 : memref<10000x2x128xf32, #tpu.memory_space<hbm>>) target(%arg16 : memref<64x2x128xf32, #tpu.memory_space<vmem>>) offsets(%arg12 : memref<64xi32, #tpu.memory_space<vmem>>) semaphore(%arg22 : memref<!tpu.dma_semaphore, #tpu.memory_space<semaphore_mem>>)
              %dma_start3A_342 = arith.constant 0 : i32
              %dma_start3A_343 = arith.constant 0 : i32
              %dma_start3A_344 = arith.constant 0 : i32
              %dma_start3A_345 = tpu.memref_slice %arg20[%dma_start3A_342, %dma_start3A_343, %dma_start3A_344] : memref<5136x2x128xf32, #tpu.memory_space<vmem_shared>> -> memref<5136x2x128xf32, #tpu.memory_space<vmem_shared>>
              tpu.enqueue_indirect_dma source(%arg17 : memref<64x2x128xf32, #tpu.memory_space<vmem>>) target(%dma_start3A_345 : memref<5136x2x128xf32, #tpu.memory_space<vmem_shared>>) offsets(%arg15 : memref<64xi32, #tpu.memory_space<vmem>>) semaphore(%arg24 : memref<!tpu.dma_semaphore, #tpu.memory_space<semaphore_mem>>) {add = true}
            } else {
              %dma_wait3A_298 = arith.constant 0 : i32
              %dma_wait3A_299 = arith.constant 0 : i32
              %dma_wait3A_300 = arith.constant 0 : i32
              %dma_wait3A_301 = tpu.memref_slice %arg20[%dma_wait3A_298, %dma_wait3A_299, %dma_wait3A_300] : memref<5136x2x128xf32, #tpu.memory_space<vmem_shared>> -> memref<5136x2x128xf32, #tpu.memory_space<vmem_shared>>
              tpu.wait_indirect_dma semaphore(%arg24 : memref<!tpu.dma_semaphore, #tpu.memory_space<semaphore_mem>>) src(%arg17 : memref<64x2x128xf32, #tpu.memory_space<vmem>>) dst(%dma_wait3A_301 : memref<5136x2x128xf32, #tpu.memory_space<vmem_shared>>)
              %get3A_302 = arith.constant 0 : index
              %get3A_303 = tpu.vector_load %arg10[%get3A_302] {strides = array<i32>} : memref<160xi32, #tpu.memory_space<vmem>>, vector<16xi32>,
              %swap3A_304 = arith.constant 0 : index
              %swap3A_305 = tpu.vector_load %arg14[%swap3A_304] {strides = array<i32>} : memref<64xi32, #tpu.memory_space<vmem>>, vector<16xi32>,
              tpu.vector_store %arg14[%swap3A_304], %get3A_303 {strides = array<i32>} : memref<64xi32, #tpu.memory_space<vmem>>, vector<16xi32>,
              %get3A_306 = arith.constant 0 : index
              %get3A_307 = tpu.vector_load %arg11[%get3A_306] {strides = array<i32>} : memref<160xi32, #tpu.memory_space<vmem>>, vector<16xi32>,
              %swap3A_308 = arith.constant 0 : index
              %swap3A_309 = tpu.vector_load %arg15[%swap3A_308] {strides = array<i32>} : memref<64xi32, #tpu.memory_space<vmem>>, vector<16xi32>,
              tpu.vector_store %arg15[%swap3A_308], %get3A_307 {strides = array<i32>} : memref<64xi32, #tpu.memory_space<vmem>>, vector<16xi32>,
              %get3A_310 = arith.constant 16 : index
              %get3A_311 = tpu.vector_load %arg10[%get3A_310] {strides = array<i32>} : memref<160xi32, #tpu.memory_space<vmem>>, vector<16xi32>,
              %swap3A_312 = arith.constant 16 : index
              %swap3A_313 = tpu.vector_load %arg14[%swap3A_312] {strides = array<i32>} : memref<64xi32, #tpu.memory_space<vmem>>, vector<16xi32>,
              tpu.vector_store %arg14[%swap3A_312], %get3A_311 {strides = array<i32>} : memref<64xi32, #tpu.memory_space<vmem>>, vector<16xi32>,
              %get3A_314 = arith.constant 16 : index
              %get3A_315 = tpu.vector_load %arg11[%get3A_314] {strides = array<i32>} : memref<160xi32, #tpu.memory_space<vmem>>, vector<16xi32>,
              %swap3A_316 = arith.constant 16 : index
              %swap3A_317 = tpu.vector_load %arg15[%swap3A_316] {strides = array<i32>} : memref<64xi32, #tpu.memory_space<vmem>>, vector<16xi32>,
              tpu.vector_store %arg15[%swap3A_316], %get3A_315 {strides = array<i32>} : memref<64xi32, #tpu.memory_space<vmem>>, vector<16xi32>,
              %get3A_318 = arith.constant 32 : index
              %get3A_319 = tpu.vector_load %arg10[%get3A_318] {strides = array<i32>} : memref<160xi32, #tpu.memory_space<vmem>>, vector<16xi32>,
              %swap3A_320 = arith.constant 32 : index
              %swap3A_321 = tpu.vector_load %arg14[%swap3A_320] {strides = array<i32>} : memref<64xi32, #tpu.memory_space<vmem>>, vector<16xi32>,
              tpu.vector_store %arg14[%swap3A_320], %get3A_319 {strides = array<i32>} : memref<64xi32, #tpu.memory_space<vmem>>, vector<16xi32>,
              %get3A_322 = arith.constant 32 : index
              %get3A_323 = tpu.vector_load %arg11[%get3A_322] {strides = array<i32>} : memref<160xi32, #tpu.memory_space<vmem>>, vector<16xi32>,
              %swap3A_324 = arith.constant 32 : index
              %swap3A_325 = tpu.vector_load %arg15[%swap3A_324] {strides = array<i32>} : memref<64xi32, #tpu.memory_space<vmem>>, vector<16xi32>,
              tpu.vector_store %arg15[%swap3A_324], %get3A_323 {strides = array<i32>} : memref<64xi32, #tpu.memory_space<vmem>>, vector<16xi32>,
              %get3A_326 = arith.constant 48 : index
              %get3A_327 = tpu.vector_load %arg10[%get3A_326] {strides = array<i32>} : memref<160xi32, #tpu.memory_space<vmem>>, vector<16xi32>,
              %swap3A_328 = arith.constant 48 : index
              %swap3A_329 = tpu.vector_load %arg14[%swap3A_328] {strides = array<i32>} : memref<64xi32, #tpu.memory_space<vmem>>, vector<16xi32>,
              tpu.vector_store %arg14[%swap3A_328], %get3A_327 {strides = array<i32>} : memref<64xi32, #tpu.memory_space<vmem>>, vector<16xi32>,
              %get3A_330 = arith.constant 48 : index
              %get3A_331 = tpu.vector_load %arg11[%get3A_330] {strides = array<i32>} : memref<160xi32, #tpu.memory_space<vmem>>, vector<16xi32>,
              %swap3A_332 = arith.constant 48 : index
              %swap3A_333 = tpu.vector_load %arg15[%swap3A_332] {strides = array<i32>} : memref<64xi32, #tpu.memory_space<vmem>>, vector<16xi32>,
              tpu.vector_store %arg15[%swap3A_332], %get3A_331 {strides = array<i32>} : memref<64xi32, #tpu.memory_space<vmem>>, vector<16xi32>,
              %dma_wait3A_334 = arith.constant 0 : i32
              %dma_wait3A_335 = arith.constant 0 : i32
              %dma_wait3A_336 = arith.constant 0 : i32
              %dma_wait3A_337 = tpu.memref_slice %arg2[%dma_wait3A_334, %dma_wait3A_335, %dma_wait3A_336] : memref<10000x2x128xf32, #tpu.memory_space<hbm>> -> memref<10000x2x128xf32, #tpu.memory_space<hbm>>
              tpu.wait_indirect_dma semaphore(%arg22 : memref<!tpu.dma_semaphore, #tpu.memory_space<semaphore_mem>>) src(%dma_wait3A_337 : memref<10000x2x128xf32, #tpu.memory_space<hbm>>) dst(%arg16 : memref<64x2x128xf32, #tpu.memory_space<vmem>>)
              %dma_start3A_338 = arith.constant 0 : i32
              %dma_start3A_339 = arith.constant 0 : i32
              %dma_start3A_340 = arith.constant 0 : i32
              %dma_start3A_341 = tpu.memref_slice %arg2[%dma_start3A_338, %dma_start3A_339, %dma_start3A_340] : memref<10000x2x128xf32, #tpu.memory_space<hbm>> -> memref<10000x2x128xf32, #tpu.memory_space<hbm>>
              tpu.enqueue_indirect_dma source(%dma_start3A_341 : memref<10000x2x128xf32, #tpu.memory_space<hbm>>) target(%arg17 : memref<64x2x128xf32, #tpu.memory_space<vmem>>) offsets(%arg14 : memref<64xi32, #tpu.memory_space<vmem>>) semaphore(%arg22 : memref<!tpu.dma_semaphore, #tpu.memory_space<semaphore_mem>>)
              %dma_start3A_342 = arith.constant 0 : i32
              %dma_start3A_343 = arith.constant 0 : i32
              %dma_start3A_344 = arith.constant 0 : i32
              %dma_start3A_345 = tpu.memref_slice %arg20[%dma_start3A_342, %dma_start3A_343, %dma_start3A_344] : memref<5136x2x128xf32, #tpu.memory_space<vmem_shared>> -> memref<5136x2x128xf32, #tpu.memory_space<vmem_shared>>
              tpu.enqueue_indirect_dma source(%arg16 : memref<64x2x128xf32, #tpu.memory_space<vmem>>) target(%dma_start3A_345 : memref<5136x2x128xf32, #tpu.memory_space<vmem_shared>>) offsets(%arg13 : memref<64xi32, #tpu.memory_space<vmem>>) semaphore(%arg23 : memref<!tpu.dma_semaphore, #tpu.memory_space<semaphore_mem>>) {add = true}
            }
            %get3A_286 = arith.constant 64 : index
            %get3A_287 = tpu.vector_load %arg10[%get3A_286] {strides = array<i32>} : memref<160xi32, #tpu.memory_space<vmem>>, vector<16xi32>,
            %swap3A_288 = arith.constant 0 : index
            %swap3A_289 = tpu.vector_load %arg10[%swap3A_288] {strides = array<i32>} : memref<160xi32, #tpu.memory_space<vmem>>, vector<16xi32>,
            tpu.vector_store %arg10[%swap3A_288], %get3A_287 {strides = array<i32>} : memref<160xi32, #tpu.memory_space<vmem>>, vector<16xi32>,
            %get3A_290 = arith.constant 64 : index
            %get3A_291 = tpu.vector_load %arg11[%get3A_290] {strides = array<i32>} : memref<160xi32, #tpu.memory_space<vmem>>, vector<16xi32>,
            %swap3A_292 = arith.constant 0 : index
            %swap3A_293 = tpu.vector_load %arg11[%swap3A_292] {strides = array<i32>} : memref<160xi32, #tpu.memory_space<vmem>>, vector<16xi32>,
            tpu.vector_store %arg11[%swap3A_292], %get3A_291 {strides = array<i32>} : memref<160xi32, #tpu.memory_space<vmem>>, vector<16xi32>,
            %sub3A_294 = arith.constant 64 : i32
            %sub3A_295 = arith.subi %add3A_259, %sub3A_294 : i32
            %add3A_296 = arith.constant 1 : i32
            %add3A_297 = arith.addi %scan3A_225, %add3A_296 : i32
            scf.yield %sub3A_295, %add3A_297 : i32, i32
          } else {
            scf.yield %add3A_259, %scan3A_225 : i32, i32
          }
          scf.yield %cond3A_264#0, %cond3A_264#1 : i32, i32
        }
        %scan3A_222 = arith.constant 125 : i32
        scf.yield %scan3A_221#0, %scan3A_221#1 : i32, i32
      }
      scf.yield %cond3A_202#0, %cond3A_202#1 : i32, i32
    }
    %scan3A_76 = arith.constant 10 : i32
    %dma_wait3A = tpu.memref_slice %arg3[%mul3A_0] : memref<320000xi32, #tpu.memory_space<hbm>> -> memref<2000xi32, #tpu.memory_space<hbm>>
    %dma_wait3A_77 = tpu.memref_slice %arg3[%mul3A_0] : memref<320000xi32, #tpu.memory_space<hbm>> -> memref<2000xi32, #tpu.memory_space<hbm>>
    tpu.wait_dma2 semaphore(%arg21 : memref<!tpu.dma_semaphore, #tpu.memory_space<semaphore_mem>>) src(%dma_wait3A_77 : memref<2000xi32, #tpu.memory_space<hbm>>) dst(%arg6 : memref<2000xi32, #tpu.memory_space<vmem>>)
    %dma_wait3A_78 = tpu.memref_slice %arg4[%mul3A_0] : memref<320000xi32, #tpu.memory_space<hbm>> -> memref<2000xi32, #tpu.memory_space<hbm>>
    %dma_wait3A_79 = tpu.memref_slice %arg4[%mul3A_0] : memref<320000xi32, #tpu.memory_space<hbm>> -> memref<2000xi32, #tpu.memory_space<hbm>>
    tpu.wait_dma2 semaphore(%arg21 : memref<!tpu.dma_semaphore, #tpu.memory_space<semaphore_mem>>) src(%dma_wait3A_79 : memref<2000xi32, #tpu.memory_space<hbm>>) dst(%arg7 : memref<2000xi32, #tpu.memory_space<vmem>>)
    %broadcast_in_dim3A_80 = arith.constant 0 : i32
    %broadcast_in_dim3A_81 = vector.broadcast %broadcast_in_dim3A_80 : i32 to vector<16xi32>
    %add3A_82 = arith.constant 0 : i32
    %add3A_83 = arith.addi %scan3A_75#0, %add3A_82 : i32
    %swap3A_84 = arith.index_cast %add3A_83 : i32 to index
    %swap3A_85 = tpu.vector_load %arg10[%swap3A_84] {strides = array<i32>} : memref<160xi32, #tpu.memory_space<vmem>>, vector<16xi32>,
    tpu.vector_store %arg10[%swap3A_84], %broadcast_in_dim3A_81 {strides = array<i32>} : memref<160xi32, #tpu.memory_space<vmem>>, vector<16xi32>,
    %broadcast_in_dim3A_86 = arith.constant 5120 : i32
    %broadcast_in_dim3A_87 = vector.broadcast %broadcast_in_dim3A_86 : i32 to vector<16xi32>
    %add3A_88 = arith.constant 0 : i32
    %add3A_89 = arith.addi %scan3A_75#0, %add3A_88 : i32
    %swap3A_90 = arith.index_cast %add3A_89 : i32 to index
    %swap3A_91 = tpu.vector_load %arg11[%swap3A_90] {strides = array<i32>} : memref<160xi32, #tpu.memory_space<vmem>>, vector<16xi32>,
    tpu.vector_store %arg11[%swap3A_90], %broadcast_in_dim3A_87 {strides = array<i32>} : memref<160xi32, #tpu.memory_space<vmem>>, vector<16xi32>,
    %broadcast_in_dim3A_92 = arith.constant 0 : i32
    %broadcast_in_dim3A_93 = vector.broadcast %broadcast_in_dim3A_92 : i32 to vector<16xi32>
    %add3A_94 = arith.constant 16 : i32
    %add3A_95 = arith.addi %scan3A_75#0, %add3A_94 : i32
    %swap3A_96 = arith.index_cast %add3A_95 : i32 to index
    %swap3A_97 = tpu.vector_load %arg10[%swap3A_96] {strides = array<i32>} : memref<160xi32, #tpu.memory_space<vmem>>, vector<16xi32>,
    tpu.vector_store %arg10[%swap3A_96], %broadcast_in_dim3A_93 {strides = array<i32>} : memref<160xi32, #tpu.memory_space<vmem>>, vector<16xi32>,
    %broadcast_in_dim3A_98 = arith.constant 5120 : i32
    %broadcast_in_dim3A_99 = vector.broadcast %broadcast_in_dim3A_98 : i32 to vector<16xi32>
    %add3A_100 = arith.constant 16 : i32
    %add3A_101 = arith.addi %scan3A_75#0, %add3A_100 : i32
    %swap3A_102 = arith.index_cast %add3A_101 : i32 to index
    %swap3A_103 = tpu.vector_load %arg11[%swap3A_102] {strides = array<i32>} : memref<160xi32, #tpu.memory_space<vmem>>, vector<16xi32>,
    tpu.vector_store %arg11[%swap3A_102], %broadcast_in_dim3A_99 {strides = array<i32>} : memref<160xi32, #tpu.memory_space<vmem>>, vector<16xi32>,
    %broadcast_in_dim3A_104 = arith.constant 0 : i32
    %broadcast_in_dim3A_105 = vector.broadcast %broadcast_in_dim3A_104 : i32 to vector<16xi32>
    %add3A_106 = arith.constant 32 : i32
    %add3A_107 = arith.addi %scan3A_75#0, %add3A_106 : i32
    %swap3A_108 = arith.index_cast %add3A_107 : i32 to index
    %swap3A_109 = tpu.vector_load %arg10[%swap3A_108] {strides = array<i32>} : memref<160xi32, #tpu.memory_space<vmem>>, vector<16xi32>,
    tpu.vector_store %arg10[%swap3A_108], %broadcast_in_dim3A_105 {strides = array<i32>} : memref<160xi32, #tpu.memory_space<vmem>>, vector<16xi32>,
    %broadcast_in_dim3A_110 = arith.constant 5120 : i32
    %broadcast_in_dim3A_111 = vector.broadcast %broadcast_in_dim3A_110 : i32 to vector<16xi32>
    %add3A_112 = arith.constant 32 : i32
    %add3A_113 = arith.addi %scan3A_75#0, %add3A_112 : i32
    %swap3A_114 = arith.index_cast %add3A_113 : i32 to index
    %swap3A_115 = tpu.vector_load %arg11[%swap3A_114] {strides = array<i32>} : memref<160xi32, #tpu.memory_space<vmem>>, vector<16xi32>,
    tpu.vector_store %arg11[%swap3A_114], %broadcast_in_dim3A_111 {strides = array<i32>} : memref<160xi32, #tpu.memory_space<vmem>>, vector<16xi32>,
    %broadcast_in_dim3A_116 = arith.constant 0 : i32
    %broadcast_in_dim3A_117 = vector.broadcast %broadcast_in_dim3A_116 : i32 to vector<16xi32>
    %add3A_118 = arith.constant 48 : i32
    %add3A_119 = arith.addi %scan3A_75#0, %add3A_118 : i32
    %swap3A_120 = arith.index_cast %add3A_119 : i32 to index
    %swap3A_121 = tpu.vector_load %arg10[%swap3A_120] {strides = array<i32>} : memref<160xi32, #tpu.memory_space<vmem>>, vector<16xi32>,
    tpu.vector_store %arg10[%swap3A_120], %broadcast_in_dim3A_117 {strides = array<i32>} : memref<160xi32, #tpu.memory_space<vmem>>, vector<16xi32>,
    %broadcast_in_dim3A_122 = arith.constant 5120 : i32
    %broadcast_in_dim3A_123 = vector.broadcast %broadcast_in_dim3A_122 : i32 to vector<16xi32>
    %add3A_124 = arith.constant 48 : i32
    %add3A_125 = arith.addi %scan3A_75#0, %add3A_124 : i32
    %swap3A_126 = arith.index_cast %add3A_125 : i32 to index
    %swap3A_127 = tpu.vector_load %arg11[%swap3A_126] {strides = array<i32>} : memref<160xi32, #tpu.memory_space<vmem>>, vector<16xi32>,
    tpu.vector_store %arg11[%swap3A_126], %broadcast_in_dim3A_123 {strides = array<i32>} : memref<160xi32, #tpu.memory_space<vmem>>, vector<16xi32>,
    %jit3A = arith.constant 2 : i32
    %eq3A = arith.constant 0 : i32
    %eq3A_128 = arith.cmpi eq, %jit3A, %eq3A : i32
    %jit3A_129 = arith.constant 1 : i32
    %select_n3A = arith.select %eq3A_128, %jit3A_129, %jit3A : i32
    %rem3A = arith.remsi %scan3A_75#1, %select_n3A : i32
    %ne3A = arith.constant 0 : i32
    %ne3A_130 = arith.cmpi ne, %rem3A, %ne3A : i32
    %lt3A = arith.constant 0 : i32
    %lt3A_131 = arith.cmpi slt, %rem3A, %lt3A : i32
    %lt3A_132 = arith.constant 0 : i32
    %lt3A_133 = arith.cmpi slt, %select_n3A, %lt3A_132 : i32
    %ne3A_134 = arith.xori %lt3A_131, %lt3A_133 : i1
    %and3A = arith.andi %ne3A_134, %ne3A_130 : i1
    %add3A_135 = arith.addi %rem3A, %select_n3A : i32
    %select_n3A_136 = arith.select %and3A, %add3A_135, %rem3A : i32
    %eq3A_137 = arith.constant 0 : i32
    %eq3A_138 = arith.cmpi eq, %select_n3A_136, %eq3A_137 : i32
    %convert_element_type3A = arith.extui %eq3A_138 : i1 to i32
    %cond3A = arith.constant 0 : i32
    %cond3A_139 = arith.cmpi ne, %convert_element_type3A, %cond3A : i32
    scf.if %cond3A_139 {
      %dma_wait3A_178 = arith.constant 0 : i32
      %dma_wait3A_179 = arith.constant 0 : i32
      %dma_wait3A_180 = arith.constant 0 : i32
      %dma_wait3A_181 = tpu.memref_slice %arg20[%dma_wait3A_178, %dma_wait3A_179, %dma_wait3A_180] : memref<5136x2x128xf32, #tpu.memory_space<vmem_shared>> -> memref<5136x2x128xf32, #tpu.memory_space<vmem_shared>>
      tpu.wait_indirect_dma semaphore(%arg23 : memref<!tpu.dma_semaphore, #tpu.memory_space<semaphore_mem>>) src(%arg16 : memref<64x2x128xf32, #tpu.memory_space<vmem>>) dst(%dma_wait3A_181 : memref<5136x2x128xf32, #tpu.memory_space<vmem_shared>>)
      %get3A = arith.constant 0 : index
      %get3A_182 = tpu.vector_load %arg10[%get3A] {strides = array<i32>} : memref<160xi32, #tpu.memory_space<vmem>>, vector<16xi32>,
      %swap3A_183 = arith.constant 0 : index
      %swap3A_184 = tpu.vector_load %arg12[%swap3A_183] {strides = array<i32>} : memref<64xi32, #tpu.memory_space<vmem>>, vector<16xi32>,
      tpu.vector_store %arg12[%swap3A_183], %get3A_182 {strides = array<i32>} : memref<64xi32, #tpu.memory_space<vmem>>, vector<16xi32>,
      %get3A_185 = arith.constant 0 : index
      %get3A_186 = tpu.vector_load %arg11[%get3A_185] {strides = array<i32>} : memref<160xi32, #tpu.memory_space<vmem>>, vector<16xi32>,
      %swap3A_187 = arith.constant 0 : index
      %swap3A_188 = tpu.vector_load %arg13[%swap3A_187] {strides = array<i32>} : memref<64xi32, #tpu.memory_space<vmem>>, vector<16xi32>,
      tpu.vector_store %arg13[%swap3A_187], %get3A_186 {strides = array<i32>} : memref<64xi32, #tpu.memory_space<vmem>>, vector<16xi32>,
      %get3A_189 = arith.constant 16 : index
      %get3A_190 = tpu.vector_load %arg10[%get3A_189] {strides = array<i32>} : memref<160xi32, #tpu.memory_space<vmem>>, vector<16xi32>,
      %swap3A_191 = arith.constant 16 : index
      %swap3A_192 = tpu.vector_load %arg12[%swap3A_191] {strides = array<i32>} : memref<64xi32, #tpu.memory_space<vmem>>, vector<16xi32>,
      tpu.vector_store %arg12[%swap3A_191], %get3A_190 {strides = array<i32>} : memref<64xi32, #tpu.memory_space<vmem>>, vector<16xi32>,
      %get3A_193 = arith.constant 16 : index
      %get3A_194 = tpu.vector_load %arg11[%get3A_193] {strides = array<i32>} : memref<160xi32, #tpu.memory_space<vmem>>, vector<16xi32>,
      %swap3A_195 = arith.constant 16 : index
      %swap3A_196 = tpu.vector_load %arg13[%swap3A_195] {strides = array<i32>} : memref<64xi32, #tpu.memory_space<vmem>>, vector<16xi32>,
      tpu.vector_store %arg13[%swap3A_195], %get3A_194 {strides = array<i32>} : memref<64xi32, #tpu.memory_space<vmem>>, vector<16xi32>,
      %get3A_197 = arith.constant 32 : index
      %get3A_198 = tpu.vector_load %arg10[%get3A_197] {strides = array<i32>} : memref<160xi32, #tpu.memory_space<vmem>>, vector<16xi32>,
      %swap3A_199 = arith.constant 32 : index
      %swap3A_200 = tpu.vector_load %arg12[%swap3A_199] {strides = array<i32>} : memref<64xi32, #tpu.memory_space<vmem>>, vector<16xi32>,
      tpu.vector_store %arg12[%swap3A_199], %get3A_198 {strides = array<i32>} : memref<64xi32, #tpu.memory_space<vmem>>, vector<16xi32>,
      %get3A_201 = arith.constant 32 : index
      %get3A_202 = tpu.vector_load %arg11[%get3A_201] {strides = array<i32>} : memref<160xi32, #tpu.memory_space<vmem>>, vector<16xi32>,
      %swap3A_203 = arith.constant 32 : index
      %swap3A_204 = tpu.vector_load %arg13[%swap3A_203] {strides = array<i32>} : memref<64xi32, #tpu.memory_space<vmem>>, vector<16xi32>,
      tpu.vector_store %arg13[%swap3A_203], %get3A_202 {strides = array<i32>} : memref<64xi32, #tpu.memory_space<vmem>>, vector<16xi32>,
      %get3A_205 = arith.constant 48 : index
      %get3A_206 = tpu.vector_load %arg10[%get3A_205] {strides = array<i32>} : memref<160xi32, #tpu.memory_space<vmem>>, vector<16xi32>,
      %swap3A_207 = arith.constant 48 : index
      %swap3A_208 = tpu.vector_load %arg12[%swap3A_207] {strides = array<i32>} : memref<64xi32, #tpu.memory_space<vmem>>, vector<16xi32>,
      tpu.vector_store %arg12[%swap3A_207], %get3A_206 {strides = array<i32>} : memref<64xi32, #tpu.memory_space<vmem>>, vector<16xi32>,
      %get3A_209 = arith.constant 48 : index
      %get3A_210 = tpu.vector_load %arg11[%get3A_209] {strides = array<i32>} : memref<160xi32, #tpu.memory_space<vmem>>, vector<16xi32>,
      %swap3A_211 = arith.constant 48 : index
      %swap3A_212 = tpu.vector_load %arg13[%swap3A_211] {strides = array<i32>} : memref<64xi32, #tpu.memory_space<vmem>>, vector<16xi32>,
      tpu.vector_store %arg13[%swap3A_211], %get3A_210 {strides = array<i32>} : memref<64xi32, #tpu.memory_space<vmem>>, vector<16xi32>,
      %dma_wait3A_213 = arith.constant 0 : i32
      %dma_wait3A_214 = arith.constant 0 : i32
      %dma_wait3A_215 = arith.constant 0 : i32
      %dma_wait3A_216 = tpu.memref_slice %arg2[%dma_wait3A_213, %dma_wait3A_214, %dma_wait3A_215] : memref<10000x2x128xf32, #tpu.memory_space<hbm>> -> memref<10000x2x128xf32, #tpu.memory_space<hbm>>
      tpu.wait_indirect_dma semaphore(%arg22 : memref<!tpu.dma_semaphore, #tpu.memory_space<semaphore_mem>>) src(%dma_wait3A_216 : memref<10000x2x128xf32, #tpu.memory_space<hbm>>) dst(%arg17 : memref<64x2x128xf32, #tpu.memory_space<vmem>>)
      %dma_start3A_217 = arith.constant 0 : i32
      %dma_start3A_218 = arith.constant 0 : i32
      %dma_start3A_219 = arith.constant 0 : i32
      %dma_start3A_220 = tpu.memref_slice %arg2[%dma_start3A_217, %dma_start3A_218, %dma_start3A_219] : memref<10000x2x128xf32, #tpu.memory_space<hbm>> -> memref<10000x2x128xf32, #tpu.memory_space<hbm>>
      tpu.enqueue_indirect_dma source(%dma_start3A_220 : memref<10000x2x128xf32, #tpu.memory_space<hbm>>) target(%arg16 : memref<64x2x128xf32, #tpu.memory_space<vmem>>) offsets(%arg12 : memref<64xi32, #tpu.memory_space<vmem>>) semaphore(%arg22 : memref<!tpu.dma_semaphore, #tpu.memory_space<semaphore_mem>>)
      %dma_start3A_221 = arith.constant 0 : i32
      %dma_start3A_222 = arith.constant 0 : i32
      %dma_start3A_223 = arith.constant 0 : i32
      %dma_start3A_224 = tpu.memref_slice %arg20[%dma_start3A_221, %dma_start3A_222, %dma_start3A_223] : memref<5136x2x128xf32, #tpu.memory_space<vmem_shared>> -> memref<5136x2x128xf32, #tpu.memory_space<vmem_shared>>
      tpu.enqueue_indirect_dma source(%arg17 : memref<64x2x128xf32, #tpu.memory_space<vmem>>) target(%dma_start3A_224 : memref<5136x2x128xf32, #tpu.memory_space<vmem_shared>>) offsets(%arg15 : memref<64xi32, #tpu.memory_space<vmem>>) semaphore(%arg24 : memref<!tpu.dma_semaphore, #tpu.memory_space<semaphore_mem>>) {add = true}
    } else {
      %dma_wait3A_178 = arith.constant 0 : i32
      %dma_wait3A_179 = arith.constant 0 : i32
      %dma_wait3A_180 = arith.constant 0 : i32
      %dma_wait3A_181 = tpu.memref_slice %arg20[%dma_wait3A_178, %dma_wait3A_179, %dma_wait3A_180] : memref<5136x2x128xf32, #tpu.memory_space<vmem_shared>> -> memref<5136x2x128xf32, #tpu.memory_space<vmem_shared>>
      tpu.wait_indirect_dma semaphore(%arg24 : memref<!tpu.dma_semaphore, #tpu.memory_space<semaphore_mem>>) src(%arg17 : memref<64x2x128xf32, #tpu.memory_space<vmem>>) dst(%dma_wait3A_181 : memref<5136x2x128xf32, #tpu.memory_space<vmem_shared>>)
      %get3A = arith.constant 0 : index
      %get3A_182 = tpu.vector_load %arg10[%get3A] {strides = array<i32>} : memref<160xi32, #tpu.memory_space<vmem>>, vector<16xi32>,
      %swap3A_183 = arith.constant 0 : index
      %swap3A_184 = tpu.vector_load %arg14[%swap3A_183] {strides = array<i32>} : memref<64xi32, #tpu.memory_space<vmem>>, vector<16xi32>,
      tpu.vector_store %arg14[%swap3A_183], %get3A_182 {strides = array<i32>} : memref<64xi32, #tpu.memory_space<vmem>>, vector<16xi32>,
      %get3A_185 = arith.constant 0 : index
      %get3A_186 = tpu.vector_load %arg11[%get3A_185] {strides = array<i32>} : memref<160xi32, #tpu.memory_space<vmem>>, vector<16xi32>,
      %swap3A_187 = arith.constant 0 : index
      %swap3A_188 = tpu.vector_load %arg15[%swap3A_187] {strides = array<i32>} : memref<64xi32, #tpu.memory_space<vmem>>, vector<16xi32>,
      tpu.vector_store %arg15[%swap3A_187], %get3A_186 {strides = array<i32>} : memref<64xi32, #tpu.memory_space<vmem>>, vector<16xi32>,
      %get3A_189 = arith.constant 16 : index
      %get3A_190 = tpu.vector_load %arg10[%get3A_189] {strides = array<i32>} : memref<160xi32, #tpu.memory_space<vmem>>, vector<16xi32>,
      %swap3A_191 = arith.constant 16 : index
      %swap3A_192 = tpu.vector_load %arg14[%swap3A_191] {strides = array<i32>} : memref<64xi32, #tpu.memory_space<vmem>>, vector<16xi32>,
      tpu.vector_store %arg14[%swap3A_191], %get3A_190 {strides = array<i32>} : memref<64xi32, #tpu.memory_space<vmem>>, vector<16xi32>,
      %get3A_193 = arith.constant 16 : index
      %get3A_194 = tpu.vector_load %arg11[%get3A_193] {strides = array<i32>} : memref<160xi32, #tpu.memory_space<vmem>>, vector<16xi32>,
      %swap3A_195 = arith.constant 16 : index
      %swap3A_196 = tpu.vector_load %arg15[%swap3A_195] {strides = array<i32>} : memref<64xi32, #tpu.memory_space<vmem>>, vector<16xi32>,
      tpu.vector_store %arg15[%swap3A_195], %get3A_194 {strides = array<i32>} : memref<64xi32, #tpu.memory_space<vmem>>, vector<16xi32>,
      %get3A_197 = arith.constant 32 : index
      %get3A_198 = tpu.vector_load %arg10[%get3A_197] {strides = array<i32>} : memref<160xi32, #tpu.memory_space<vmem>>, vector<16xi32>,
      %swap3A_199 = arith.constant 32 : index
      %swap3A_200 = tpu.vector_load %arg14[%swap3A_199] {strides = array<i32>} : memref<64xi32, #tpu.memory_space<vmem>>, vector<16xi32>,
      tpu.vector_store %arg14[%swap3A_199], %get3A_198 {strides = array<i32>} : memref<64xi32, #tpu.memory_space<vmem>>, vector<16xi32>,
      %get3A_201 = arith.constant 32 : index
      %get3A_202 = tpu.vector_load %arg11[%get3A_201] {strides = array<i32>} : memref<160xi32, #tpu.memory_space<vmem>>, vector<16xi32>,
      %swap3A_203 = arith.constant 32 : index
      %swap3A_204 = tpu.vector_load %arg15[%swap3A_203] {strides = array<i32>} : memref<64xi32, #tpu.memory_space<vmem>>, vector<16xi32>,
      tpu.vector_store %arg15[%swap3A_203], %get3A_202 {strides = array<i32>} : memref<64xi32, #tpu.memory_space<vmem>>, vector<16xi32>,
      %get3A_205 = arith.constant 48 : index
      %get3A_206 = tpu.vector_load %arg10[%get3A_205] {strides = array<i32>} : memref<160xi32, #tpu.memory_space<vmem>>, vector<16xi32>,
      %swap3A_207 = arith.constant 48 : index
      %swap3A_208 = tpu.vector_load %arg14[%swap3A_207] {strides = array<i32>} : memref<64xi32, #tpu.memory_space<vmem>>, vector<16xi32>,
      tpu.vector_store %arg14[%swap3A_207], %get3A_206 {strides = array<i32>} : memref<64xi32, #tpu.memory_space<vmem>>, vector<16xi32>,
      %get3A_209 = arith.constant 48 : index
      %get3A_210 = tpu.vector_load %arg11[%get3A_209] {strides = array<i32>} : memref<160xi32, #tpu.memory_space<vmem>>, vector<16xi32>,
      %swap3A_211 = arith.constant 48 : index
      %swap3A_212 = tpu.vector_load %arg15[%swap3A_211] {strides = array<i32>} : memref<64xi32, #tpu.memory_space<vmem>>, vector<16xi32>,
      tpu.vector_store %arg15[%swap3A_211], %get3A_210 {strides = array<i32>} : memref<64xi32, #tpu.memory_space<vmem>>, vector<16xi32>,
      %dma_wait3A_213 = arith.constant 0 : i32
      %dma_wait3A_214 = arith.constant 0 : i32
      %dma_wait3A_215 = arith.constant 0 : i32
      %dma_wait3A_216 = tpu.memref_slice %arg2[%dma_wait3A_213, %dma_wait3A_214, %dma_wait3A_215] : memref<10000x2x128xf32, #tpu.memory_space<hbm>> -> memref<10000x2x128xf32, #tpu.memory_space<hbm>>
      tpu.wait_indirect_dma semaphore(%arg22 : memref<!tpu.dma_semaphore, #tpu.memory_space<semaphore_mem>>) src(%dma_wait3A_216 : memref<10000x2x128xf32, #tpu.memory_space<hbm>>) dst(%arg16 : memref<64x2x128xf32, #tpu.memory_space<vmem>>)
      %dma_start3A_217 = arith.constant 0 : i32
      %dma_start3A_218 = arith.constant 0 : i32
      %dma_start3A_219 = arith.constant 0 : i32
      %dma_start3A_220 = tpu.memref_slice %arg2[%dma_start3A_217, %dma_start3A_218, %dma_start3A_219] : memref<10000x2x128xf32, #tpu.memory_space<hbm>> -> memref<10000x2x128xf32, #tpu.memory_space<hbm>>
      tpu.enqueue_indirect_dma source(%dma_start3A_220 : memref<10000x2x128xf32, #tpu.memory_space<hbm>>) target(%arg17 : memref<64x2x128xf32, #tpu.memory_space<vmem>>) offsets(%arg14 : memref<64xi32, #tpu.memory_space<vmem>>) semaphore(%arg22 : memref<!tpu.dma_semaphore, #tpu.memory_space<semaphore_mem>>)
      %dma_start3A_221 = arith.constant 0 : i32
      %dma_start3A_222 = arith.constant 0 : i32
      %dma_start3A_223 = arith.constant 0 : i32
      %dma_start3A_224 = tpu.memref_slice %arg20[%dma_start3A_221, %dma_start3A_222, %dma_start3A_223] : memref<5136x2x128xf32, #tpu.memory_space<vmem_shared>> -> memref<5136x2x128xf32, #tpu.memory_space<vmem_shared>>
      tpu.enqueue_indirect_dma source(%arg16 : memref<64x2x128xf32, #tpu.memory_space<vmem>>) target(%dma_start3A_224 : memref<5136x2x128xf32, #tpu.memory_space<vmem_shared>>) offsets(%arg13 : memref<64xi32, #tpu.memory_space<vmem>>) semaphore(%arg23 : memref<!tpu.dma_semaphore, #tpu.memory_space<semaphore_mem>>) {add = true}
    }
    %jit3A_140 = arith.constant 2 : i32
    %eq3A_141 = arith.constant 0 : i32
    %eq3A_142 = arith.cmpi eq, %jit3A_140, %eq3A_141 : i32
    %jit3A_143 = arith.constant 1 : i32
    %select_n3A_144 = arith.select %eq3A_142, %jit3A_143, %jit3A_140 : i32
    %rem3A_145 = arith.remsi %scan3A_75#1, %select_n3A_144 : i32
    %ne3A_146 = arith.constant 0 : i32
    %ne3A_147 = arith.cmpi ne, %rem3A_145, %ne3A_146 : i32
    %lt3A_148 = arith.constant 0 : i32
    %lt3A_149 = arith.cmpi slt, %rem3A_145, %lt3A_148 : i32
    %lt3A_150 = arith.constant 0 : i32
    %lt3A_151 = arith.cmpi slt, %select_n3A_144, %lt3A_150 : i32
    %ne3A_152 = arith.xori %lt3A_149, %lt3A_151 : i1
    %and3A_153 = arith.andi %ne3A_152, %ne3A_147 : i1
    %add3A_154 = arith.addi %rem3A_145, %select_n3A_144 : i32
    %select_n3A_155 = arith.select %and3A_153, %add3A_154, %rem3A_145 : i32
    %eq3A_156 = arith.constant 0 : i32
    %eq3A_157 = arith.cmpi eq, %select_n3A_155, %eq3A_156 : i32
    %convert_element_type3A_158 = arith.extui %eq3A_157 : i1 to i32
    %cond3A_159 = arith.constant 0 : i32
    %cond3A_160 = arith.cmpi ne, %convert_element_type3A_158, %cond3A_159 : i32
    scf.if %cond3A_160 {
      %dma_wait3A_178 = arith.constant 0 : i32
      %dma_wait3A_179 = arith.constant 0 : i32
      %dma_wait3A_180 = arith.constant 0 : i32
      %dma_wait3A_181 = tpu.memref_slice %arg2[%dma_wait3A_178, %dma_wait3A_179, %dma_wait3A_180] : memref<10000x2x128xf32, #tpu.memory_space<hbm>> -> memref<10000x2x128xf32, #tpu.memory_space<hbm>>
      tpu.wait_indirect_dma semaphore(%arg22 : memref<!tpu.dma_semaphore, #tpu.memory_space<semaphore_mem>>) src(%dma_wait3A_181 : memref<10000x2x128xf32, #tpu.memory_space<hbm>>) dst(%arg16 : memref<64x2x128xf32, #tpu.memory_space<vmem>>)
      %dma_start3A_182 = arith.constant 0 : i32
      %dma_start3A_183 = arith.constant 0 : i32
      %dma_start3A_184 = arith.constant 0 : i32
      %dma_start3A_185 = tpu.memref_slice %arg20[%dma_start3A_182, %dma_start3A_183, %dma_start3A_184] : memref<5136x2x128xf32, #tpu.memory_space<vmem_shared>> -> memref<5136x2x128xf32, #tpu.memory_space<vmem_shared>>
      tpu.enqueue_indirect_dma source(%arg16 : memref<64x2x128xf32, #tpu.memory_space<vmem>>) target(%dma_start3A_185 : memref<5136x2x128xf32, #tpu.memory_space<vmem_shared>>) offsets(%arg13 : memref<64xi32, #tpu.memory_space<vmem>>) semaphore(%arg23 : memref<!tpu.dma_semaphore, #tpu.memory_space<semaphore_mem>>) {add = true}
    } else {
      %dma_wait3A_178 = arith.constant 0 : i32
      %dma_wait3A_179 = arith.constant 0 : i32
      %dma_wait3A_180 = arith.constant 0 : i32
      %dma_wait3A_181 = tpu.memref_slice %arg2[%dma_wait3A_178, %dma_wait3A_179, %dma_wait3A_180] : memref<10000x2x128xf32, #tpu.memory_space<hbm>> -> memref<10000x2x128xf32, #tpu.memory_space<hbm>>
      tpu.wait_indirect_dma semaphore(%arg22 : memref<!tpu.dma_semaphore, #tpu.memory_space<semaphore_mem>>) src(%dma_wait3A_181 : memref<10000x2x128xf32, #tpu.memory_space<hbm>>) dst(%arg17 : memref<64x2x128xf32, #tpu.memory_space<vmem>>)
      %dma_start3A_182 = arith.constant 0 : i32
      %dma_start3A_183 = arith.constant 0 : i32
      %dma_start3A_184 = arith.constant 0 : i32
      %dma_start3A_185 = tpu.memref_slice %arg20[%dma_start3A_182, %dma_start3A_183, %dma_start3A_184] : memref<5136x2x128xf32, #tpu.memory_space<vmem_shared>> -> memref<5136x2x128xf32, #tpu.memory_space<vmem_shared>>
      tpu.enqueue_indirect_dma source(%arg17 : memref<64x2x128xf32, #tpu.memory_space<vmem>>) target(%dma_start3A_185 : memref<5136x2x128xf32, #tpu.memory_space<vmem_shared>>) offsets(%arg15 : memref<64xi32, #tpu.memory_space<vmem>>) semaphore(%arg24 : memref<!tpu.dma_semaphore, #tpu.memory_space<semaphore_mem>>) {add = true}
    }
    %dma_wait3A_161 = arith.constant 0 : i32
    %dma_wait3A_162 = arith.constant 0 : i32
    %dma_wait3A_163 = arith.constant 0 : i32
    %dma_wait3A_164 = tpu.memref_slice %arg20[%dma_wait3A_161, %dma_wait3A_162, %dma_wait3A_163] : memref<5136x2x128xf32, #tpu.memory_space<vmem_shared>> -> memref<5136x2x128xf32, #tpu.memory_space<vmem_shared>>
    tpu.wait_indirect_dma semaphore(%arg23 : memref<!tpu.dma_semaphore, #tpu.memory_space<semaphore_mem>>) src(%arg16 : memref<64x2x128xf32, #tpu.memory_space<vmem>>) dst(%dma_wait3A_164 : memref<5136x2x128xf32, #tpu.memory_space<vmem_shared>>)
    %dma_wait3A_165 = arith.constant 0 : i32
    %dma_wait3A_166 = arith.constant 0 : i32
    %dma_wait3A_167 = arith.constant 0 : i32
    %dma_wait3A_168 = tpu.memref_slice %arg20[%dma_wait3A_165, %dma_wait3A_166, %dma_wait3A_167] : memref<5136x2x128xf32, #tpu.memory_space<vmem_shared>> -> memref<5136x2x128xf32, #tpu.memory_space<vmem_shared>>
    tpu.wait_indirect_dma semaphore(%arg24 : memref<!tpu.dma_semaphore, #tpu.memory_space<semaphore_mem>>) src(%arg17 : memref<64x2x128xf32, #tpu.memory_space<vmem>>) dst(%dma_wait3A_168 : memref<5136x2x128xf32, #tpu.memory_space<vmem_shared>>)
    %barrier3A_169 = arith.constant 0 : index
    tpu.barrier barrier_id(%barrier3A_169)
    %mul3A_170 = arith.constant 320 : i32
    %mul3A_171 = arith.muli %arg1, %mul3A_170 : i32
    %mul3A_172 = arith.constant 320 : i32
    %mul3A_173 = arith.muli %arg1, %mul3A_172 : i32
    %add3A_174 = arith.addi %add3A, %mul3A_173 : i32
    "tpu.region"() ({
      %run_scoped3A = tpu.sem_alloc : memref<!tpu.dma_semaphore, #tpu.memory_space<semaphore_mem>>
      %dma_start3A_178 = arith.constant 0 : i32
      %dma_start3A_179 = arith.constant 0 : i32
      %dma_start3A_180 = tpu.memref_slice %arg5[%add3A_174, %dma_start3A_178, %dma_start3A_179] : memref<10240x2x128xf32, #tpu.memory_space<hbm>> -> memref<320x2x128xf32, #tpu.memory_space<hbm>>
      %dma_start3A_181 = arith.constant 0 : i32
      %dma_start3A_182 = arith.constant 0 : i32
      %dma_start3A_183 = tpu.memref_slice %arg20[%mul3A_171, %dma_start3A_181, %dma_start3A_182] : memref<5136x2x128xf32, #tpu.memory_space<vmem_shared>> -> memref<320x2x128xf32, #tpu.memory_space<vmem_shared>>
      tpu.enqueue_dma source(%dma_start3A_183 : memref<320x2x128xf32, #tpu.memory_space<vmem_shared>>) target(%dma_start3A_180 : memref<320x2x128xf32, #tpu.memory_space<hbm>>) target_semaphore(%run_scoped3A : memref<!tpu.dma_semaphore, #tpu.memory_space<semaphore_mem>>)
      %dma_wait3A_184 = arith.constant 0 : i32
      %dma_wait3A_185 = arith.constant 0 : i32
      %dma_wait3A_186 = tpu.memref_slice %arg5[%add3A_174, %dma_wait3A_184, %dma_wait3A_185] : memref<10240x2x128xf32, #tpu.memory_space<hbm>> -> memref<320x2x128xf32, #tpu.memory_space<hbm>>
      %dma_wait3A_187 = arith.constant 0 : i32
      %dma_wait3A_188 = arith.constant 0 : i32
      %dma_wait3A_189 = tpu.memref_slice %arg20[%mul3A_171, %dma_wait3A_187, %dma_wait3A_188] : memref<5136x2x128xf32, #tpu.memory_space<vmem_shared>> -> memref<320x2x128xf32, #tpu.memory_space<vmem_shared>>
      tpu.wait_dma2 semaphore(%run_scoped3A : memref<!tpu.dma_semaphore, #tpu.memory_space<semaphore_mem>>) src(%dma_wait3A_189 : memref<320x2x128xf32, #tpu.memory_space<vmem_shared>>) dst(%dma_wait3A_186 : memref<320x2x128xf32, #tpu.memory_space<hbm>>)
      tpu.yield
    }) : () -> ()
    %barrier3A_175 = arith.constant 0 : index
    tpu.barrier barrier_id(%barrier3A_175)
    %scan3A_176 = arith.constant 0 : i32
    %scan3A_177 = arith.constant 1 : i32
    return
  }
}

#map = affine_map<(d0, d1) -> (0, 0, 0)>
#map1 = affine_map<(d0, d1) -> (0)>
module attributes {stable_mosaic.version = 14 : i64} {
  func.func @segsum(%arg0: i32, %arg1: i32, %arg2: memref<10000x8x128xf32, #tpu.memory_space<hbm>>, %arg3: memref<320000xi32, #tpu.memory_space<hbm>>, %arg4: memref<320000xi32, #tpu.memory_space<hbm>>, %arg5: memref<10240x8x128xf32, #tpu.memory_space<hbm>>, %arg6: memref<2000xi32, #tpu.memory_space<vmem>>, %arg7: memref<2000xi32, #tpu.memory_space<vmem>>, %arg8: memref<2000xi32, #tpu.memory_space<vmem>>, %arg9: memref<2000xi32, #tpu.memory_space<vmem>>, %arg10: memref<64xi32, #tpu.memory_space<vmem>>, %arg11: memref<64xi32, #tpu.memory_space<vmem>>, %arg12: memref<16xi32, #tpu.memory_space<vmem>>, %arg13: memref<16xi32, #tpu.memory_space<vmem>>, %arg14: memref<16xi32, #tpu.memory_space<vmem>>, %arg15: memref<16xi32, #tpu.memory_space<vmem>>, %arg16: memref<16x8x128xf32, #tpu.memory_space<vmem>>, %arg17: memref<16x8x128xf32, #tpu.memory_space<vmem>>, %arg18: memref<1x8x128xf32, #tpu.memory_space<vmem>>, %arg19: memref<16xi32, #tpu.memory_space<vmem>>, %arg20: memref<1296x8x128xf32, #tpu.memory_space<vmem_shared>>, %arg21: memref<!tpu.dma_semaphore, #tpu.memory_space<semaphore_mem>>, %arg22: memref<!tpu.dma_semaphore, #tpu.memory_space<semaphore_mem>>, %arg23: memref<!tpu.dma_semaphore, #tpu.memory_space<semaphore_mem>>, %arg24: memref<!tpu.dma_semaphore, #tpu.memory_space<semaphore_mem>>) attributes {dimension_semantics = [#tpu.dimension_semantics<core_parallel>, #tpu.dimension_semantics<subcore_parallel>], iteration_bounds = array<i64: 2, 16>, scalar_prefetch = 0 : i64, scratch_operands = 19 : i64, tpu.core_type = #tpu.core_type<sc_vector_subcore>, window_params = [{transform_indices = #map}, {transform_indices = #map1}, {transform_indices = #map1}, {transform_indices = #map}]} {
    %mul3A = arith.constant 20000 : i32
    %mul3A_0 = arith.muli %arg1, %mul3A : i32
    %scan3A = arith.constant 0 : i32
    %scan3A_1 = arith.constant 0 : i32
    %scan3A_2 = arith.constant 64 : i32
    %scan3A_3 = arith.addi %scan3A_1, %scan3A_2 : i32
    %scan3A_4 = arith.constant 1 : i32
    %scan3A_5 = scf.for %scan3A_14 = %scan3A_1 to %scan3A_3 step %scan3A_4 iter_args(%scan3A_15 = %scan3A) -> (i32)  : i32 {
      %broadcast_in_dim3A = arith.constant 0.000000e+00 : f32
      %broadcast_in_dim3A_16 = vector.broadcast %broadcast_in_dim3A : f32 to vector<16xf32>
      %jit3A = arith.constant 8 : i32
      %div3A = arith.divsi %scan3A_14, %jit3A : i32
      %sign3A = arith.constant 0 : i32
      %sign3A_17 = arith.cmpi sgt, %scan3A_14, %sign3A : i32
      %sign3A_18 = arith.extui %sign3A_17 : i1 to i32
      %sign3A_19 = arith.constant 0 : i32
      %sign3A_20 = arith.cmpi slt, %scan3A_14, %sign3A_19 : i32
      %sign3A_21 = arith.extui %sign3A_20 : i1 to i32
      %sign3A_22 = arith.subi %sign3A_18, %sign3A_21 : i32
      %sign3A_23 = arith.constant 0 : i32
      %sign3A_24 = arith.cmpi sgt, %jit3A, %sign3A_23 : i32
      %sign3A_25 = arith.extui %sign3A_24 : i1 to i32
      %sign3A_26 = arith.constant 0 : i32
      %sign3A_27 = arith.cmpi slt, %jit3A, %sign3A_26 : i32
      %sign3A_28 = arith.extui %sign3A_27 : i1 to i32
      %sign3A_29 = arith.subi %sign3A_25, %sign3A_28 : i32
      %ne3A = arith.cmpi ne, %sign3A_22, %sign3A_29 : i32
      %rem3A = arith.remsi %scan3A_14, %jit3A : i32
      %ne3A_30 = arith.constant 0 : i32
      %ne3A_31 = arith.cmpi ne, %rem3A, %ne3A_30 : i32
      %and3A = arith.andi %ne3A, %ne3A_31 : i1
      %sub3A = arith.constant 1 : i32
      %sub3A_32 = arith.subi %div3A, %sub3A : i32
      %select_n3A = arith.select %and3A, %sub3A_32, %div3A : i32
      %jit3A_33 = arith.constant 8 : i32
      %eq3A = arith.constant 0 : i32
      %eq3A_34 = arith.cmpi eq, %jit3A_33, %eq3A : i32
      %jit3A_35 = arith.constant 1 : i32
      %select_n3A_36 = arith.select %eq3A_34, %jit3A_35, %jit3A_33 : i32
      %rem3A_37 = arith.remsi %scan3A_14, %select_n3A_36 : i32
      %ne3A_38 = arith.constant 0 : i32
      %ne3A_39 = arith.cmpi ne, %rem3A_37, %ne3A_38 : i32
      %lt3A = arith.constant 0 : i32
      %lt3A_40 = arith.cmpi slt, %rem3A_37, %lt3A : i32
      %lt3A_41 = arith.constant 0 : i32
      %lt3A_42 = arith.cmpi slt, %select_n3A_36, %lt3A_41 : i32
      %ne3A_43 = arith.xori %lt3A_40, %lt3A_42 : i1
      %and3A_44 = arith.andi %ne3A_43, %ne3A_39 : i1
      %add3A = arith.addi %rem3A_37, %select_n3A_36 : i32
      %select_n3A_45 = arith.select %and3A_44, %add3A, %rem3A_37 : i32
      %mul3A_46 = arith.constant 16 : i32
      %mul3A_47 = arith.muli %select_n3A_45, %mul3A_46 : i32
      %swap3A = arith.constant 0 : i32
      %swap3A_48 = arith.index_cast %swap3A : i32 to index
      %swap3A_49 = arith.index_cast %select_n3A : i32 to index
      %swap3A_50 = arith.index_cast %mul3A_47 : i32 to index
      %swap3A_51 = tpu.vector_load %arg18[%swap3A_48, %swap3A_49, %swap3A_50] {strides = array<i32>} : memref<1x8x128xf32, #tpu.memory_space<vmem>>, vector<16xf32>,
      tpu.vector_store %arg18[%swap3A_48, %swap3A_49, %swap3A_50], %broadcast_in_dim3A_16 {strides = array<i32>} : memref<1x8x128xf32, #tpu.memory_space<vmem>>, vector<16xf32>,
      %scan3A_52 = arith.constant 0 : i32
      scf.yield %scan3A_52 : i32
    }
    %scan3A_6 = arith.constant 64 : i32
    %scan3A_7 = arith.constant 0 : i32
    %scan3A_8 = arith.constant 0 : i32
    %scan3A_9 = arith.constant 4 : i32
    %scan3A_10 = arith.addi %scan3A_8, %scan3A_9 : i32
    %scan3A_11 = arith.constant 1 : i32
    %scan3A_12 = scf.for %scan3A_14 = %scan3A_8 to %scan3A_10 step %scan3A_11 iter_args(%scan3A_15 = %scan3A_7) -> (i32)  : i32 {
      %mul3A_16 = arith.constant 5120 : i32
      %mul3A_17 = arith.muli %arg0, %mul3A_16 : i32
      %mul3A_18 = arith.constant 1280 : i32
      %mul3A_19 = arith.muli %scan3A_14, %mul3A_18 : i32
      %add3A = arith.addi %mul3A_17, %mul3A_19 : i32
      %scan3A_20 = arith.constant 0 : i32
      %scan3A_21 = arith.constant 0 : i32
      %scan3A_22 = arith.constant 81 : i32
      %scan3A_23 = arith.addi %scan3A_21, %scan3A_22 : i32
      %scan3A_24 = arith.constant 1 : i32
      %scan3A_25 = scf.for %scan3A_118 = %scan3A_21 to %scan3A_23 step %scan3A_24 iter_args(%scan3A_119 = %scan3A_20) -> (i32)  : i32 {
        %mul3A_120 = arith.constant 81 : i32
        %mul3A_121 = arith.muli %arg1, %mul3A_120 : i32
        %add3A_122 = arith.addi %mul3A_121, %scan3A_118 : i32
        "tpu.region"() ({
          %run_scoped3A = tpu.sem_alloc : memref<!tpu.dma_semaphore, #tpu.memory_space<semaphore_mem>>
          %dma_start3A_124 = arith.constant 0 : i32
          %dma_start3A_125 = arith.constant 0 : i32
          %dma_start3A_126 = tpu.memref_slice %arg20[%add3A_122, %dma_start3A_124, %dma_start3A_125] : memref<1296x8x128xf32, #tpu.memory_space<vmem_shared>> -> memref<1x8x128xf32, #tpu.memory_space<vmem_shared>>
          %dma_start3A_127 = arith.constant 0 : i32
          %dma_start3A_128 = arith.constant 0 : i32
          %dma_start3A_129 = tpu.memref_slice %arg20[%add3A_122, %dma_start3A_127, %dma_start3A_128] : memref<1296x8x128xf32, #tpu.memory_space<vmem_shared>> -> memref<1x8x128xf32, #tpu.memory_space<vmem_shared>>
          tpu.enqueue_dma source(%arg18 : memref<1x8x128xf32, #tpu.memory_space<vmem>>) target(%dma_start3A_129 : memref<1x8x128xf32, #tpu.memory_space<vmem_shared>>) target_semaphore(%run_scoped3A : memref<!tpu.dma_semaphore, #tpu.memory_space<semaphore_mem>>)
          %dma_wait3A_130 = arith.constant 0 : i32
          %dma_wait3A_131 = arith.constant 0 : i32
          %dma_wait3A_132 = tpu.memref_slice %arg20[%add3A_122, %dma_wait3A_130, %dma_wait3A_131] : memref<1296x8x128xf32, #tpu.memory_space<vmem_shared>> -> memref<1x8x128xf32, #tpu.memory_space<vmem_shared>>
          %dma_wait3A_133 = arith.constant 0 : i32
          %dma_wait3A_134 = arith.constant 0 : i32
          %dma_wait3A_135 = tpu.memref_slice %arg20[%add3A_122, %dma_wait3A_133, %dma_wait3A_134] : memref<1296x8x128xf32, #tpu.memory_space<vmem_shared>> -> memref<1x8x128xf32, #tpu.memory_space<vmem_shared>>
          tpu.wait_dma2 semaphore(%run_scoped3A : memref<!tpu.dma_semaphore, #tpu.memory_space<semaphore_mem>>) src(%arg18 : memref<1x8x128xf32, #tpu.memory_space<vmem>>) dst(%dma_wait3A_135 : memref<1x8x128xf32, #tpu.memory_space<vmem_shared>>)
          tpu.yield
        }) : () -> ()
        %scan3A_123 = arith.constant 0 : i32
        scf.yield %scan3A_123 : i32
      }
      %scan3A_26 = arith.constant 81 : i32
      %barrier3A = arith.constant 0 : index
      tpu.barrier barrier_id(%barrier3A)
      %broadcast_in_dim3A = arith.constant 0 : i32
      %broadcast_in_dim3A_27 = vector.broadcast %broadcast_in_dim3A : i32 to vector<16xi32>
      %broadcast_in_dim3A_28 = arith.constant 1280 : i32
      %broadcast_in_dim3A_29 = vector.broadcast %broadcast_in_dim3A_28 : i32 to vector<16xi32>
      %swap3A = arith.constant 0 : index
      %swap3A_30 = tpu.vector_load %arg14[%swap3A] {strides = array<i32>} : memref<16xi32, #tpu.memory_space<vmem>>, vector<16xi32>,
      tpu.vector_store %arg14[%swap3A], %broadcast_in_dim3A_27 {strides = array<i32>} : memref<16xi32, #tpu.memory_space<vmem>>, vector<16xi32>,
      %swap3A_31 = arith.constant 0 : index
      %swap3A_32 = tpu.vector_load %arg15[%swap3A_31] {strides = array<i32>} : memref<16xi32, #tpu.memory_space<vmem>>, vector<16xi32>,
      tpu.vector_store %arg15[%swap3A_31], %broadcast_in_dim3A_29 {strides = array<i32>} : memref<16xi32, #tpu.memory_space<vmem>>, vector<16xi32>,
      %swap3A_33 = arith.constant 0 : index
      %swap3A_34 = tpu.vector_load %arg19[%swap3A_33] {strides = array<i32>} : memref<16xi32, #tpu.memory_space<vmem>>, vector<16xi32>,
      tpu.vector_store %arg19[%swap3A_33], %broadcast_in_dim3A_29 {strides = array<i32>} : memref<16xi32, #tpu.memory_space<vmem>>, vector<16xi32>,
      %dma_start3A = arith.constant 0 : i32
      %dma_start3A_35 = arith.constant 0 : i32
      %dma_start3A_36 = arith.constant 0 : i32
      %dma_start3A_37 = tpu.memref_slice %arg2[%dma_start3A, %dma_start3A_35, %dma_start3A_36] : memref<10000x8x128xf32, #tpu.memory_space<hbm>> -> memref<10000x8x128xf32, #tpu.memory_space<hbm>>
      tpu.enqueue_indirect_dma source(%dma_start3A_37 : memref<10000x8x128xf32, #tpu.memory_space<hbm>>) target(%arg17 : memref<16x8x128xf32, #tpu.memory_space<vmem>>) offsets(%arg14 : memref<16xi32, #tpu.memory_space<vmem>>) semaphore(%arg22 : memref<!tpu.dma_semaphore, #tpu.memory_space<semaphore_mem>>)
      %dma_start3A_38 = arith.constant 0 : i32
      %dma_start3A_39 = arith.constant 0 : i32
      %dma_start3A_40 = arith.constant 0 : i32
      %dma_start3A_41 = tpu.memref_slice %arg20[%dma_start3A_38, %dma_start3A_39, %dma_start3A_40] : memref<1296x8x128xf32, #tpu.memory_space<vmem_shared>> -> memref<1296x8x128xf32, #tpu.memory_space<vmem_shared>>
      tpu.enqueue_indirect_dma source(%arg16 : memref<16x8x128xf32, #tpu.memory_space<vmem>>) target(%dma_start3A_41 : memref<1296x8x128xf32, #tpu.memory_space<vmem_shared>>) offsets(%arg19 : memref<16xi32, #tpu.memory_space<vmem>>) semaphore(%arg23 : memref<!tpu.dma_semaphore, #tpu.memory_space<semaphore_mem>>) {add = true}
      %dma_start3A_42 = tpu.memref_slice %arg3[%mul3A_0] : memref<320000xi32, #tpu.memory_space<hbm>> -> memref<2000xi32, #tpu.memory_space<hbm>>
      %dma_start3A_43 = tpu.memref_slice %arg3[%mul3A_0] : memref<320000xi32, #tpu.memory_space<hbm>> -> memref<2000xi32, #tpu.memory_space<hbm>>
      tpu.enqueue_dma source(%dma_start3A_43 : memref<2000xi32, #tpu.memory_space<hbm>>) target(%arg6 : memref<2000xi32, #tpu.memory_space<vmem>>) target_semaphore(%arg21 : memref<!tpu.dma_semaphore, #tpu.memory_space<semaphore_mem>>)
      %dma_start3A_44 = tpu.memref_slice %arg4[%mul3A_0] : memref<320000xi32, #tpu.memory_space<hbm>> -> memref<2000xi32, #tpu.memory_space<hbm>>
      %dma_start3A_45 = tpu.memref_slice %arg4[%mul3A_0] : memref<320000xi32, #tpu.memory_space<hbm>> -> memref<2000xi32, #tpu.memory_space<hbm>>
      tpu.enqueue_dma source(%dma_start3A_45 : memref<2000xi32, #tpu.memory_space<hbm>>) target(%arg7 : memref<2000xi32, #tpu.memory_space<vmem>>) target_semaphore(%arg21 : memref<!tpu.dma_semaphore, #tpu.memory_space<semaphore_mem>>)
      %scan3A_46 = arith.constant 0 : i32
      %scan3A_47 = arith.constant 0 : i32
      %scan3A_48 = arith.constant 0 : i32
      %scan3A_49 = arith.constant 10 : i32
      %scan3A_50 = arith.addi %scan3A_48, %scan3A_49 : i32
      %scan3A_51 = arith.constant 1 : i32
      %scan3A_52:2 = scf.for %scan3A_118 = %scan3A_48 to %scan3A_50 step %scan3A_51 iter_args(%scan3A_119 = %scan3A_46, %scan3A_120 = %scan3A_47) -> (i32, i32)  : i32 {
        %jit3A_121 = arith.constant 2 : i32
        %eq3A_122 = arith.constant 0 : i32
        %eq3A_123 = arith.cmpi eq, %jit3A_121, %eq3A_122 : i32
        %jit3A_124 = arith.constant 1 : i32
        %select_n3A_125 = arith.select %eq3A_123, %jit3A_124, %jit3A_121 : i32
        %rem3A_126 = arith.remsi %scan3A_118, %select_n3A_125 : i32
        %ne3A_127 = arith.constant 0 : i32
        %ne3A_128 = arith.cmpi ne, %rem3A_126, %ne3A_127 : i32
        %lt3A_129 = arith.constant 0 : i32
        %lt3A_130 = arith.cmpi slt, %rem3A_126, %lt3A_129 : i32
        %lt3A_131 = arith.constant 0 : i32
        %lt3A_132 = arith.cmpi slt, %select_n3A_125, %lt3A_131 : i32
        %ne3A_133 = arith.xori %lt3A_130, %lt3A_132 : i1
        %and3A_134 = arith.andi %ne3A_133, %ne3A_128 : i1
        %add3A_135 = arith.addi %rem3A_126, %select_n3A_125 : i32
        %select_n3A_136 = arith.select %and3A_134, %add3A_135, %rem3A_126 : i32
        %eq3A_137 = arith.constant 0 : i32
        %eq3A_138 = arith.cmpi eq, %select_n3A_136, %eq3A_137 : i32
        %convert_element_type3A_139 = arith.extui %eq3A_138 : i1 to i32
        %cond3A_140 = arith.constant 0 : i32
        %cond3A_141 = arith.cmpi ne, %convert_element_type3A_139, %cond3A_140 : i32
        %cond3A_142:2 = scf.if %cond3A_141 -> (i32, i32) {
          %dma_wait3A_143 = tpu.memref_slice %arg3[%mul3A_0] : memref<320000xi32, #tpu.memory_space<hbm>> -> memref<2000xi32, #tpu.memory_space<hbm>>
          %dma_wait3A_144 = tpu.memref_slice %arg3[%mul3A_0] : memref<320000xi32, #tpu.memory_space<hbm>> -> memref<2000xi32, #tpu.memory_space<hbm>>
          tpu.wait_dma2 semaphore(%arg21 : memref<!tpu.dma_semaphore, #tpu.memory_space<semaphore_mem>>) src(%dma_wait3A_144 : memref<2000xi32, #tpu.memory_space<hbm>>) dst(%arg6 : memref<2000xi32, #tpu.memory_space<vmem>>)
          %dma_wait3A_145 = tpu.memref_slice %arg4[%mul3A_0] : memref<320000xi32, #tpu.memory_space<hbm>> -> memref<2000xi32, #tpu.memory_space<hbm>>
          %dma_wait3A_146 = tpu.memref_slice %arg4[%mul3A_0] : memref<320000xi32, #tpu.memory_space<hbm>> -> memref<2000xi32, #tpu.memory_space<hbm>>
          tpu.wait_dma2 semaphore(%arg21 : memref<!tpu.dma_semaphore, #tpu.memory_space<semaphore_mem>>) src(%dma_wait3A_146 : memref<2000xi32, #tpu.memory_space<hbm>>) dst(%arg7 : memref<2000xi32, #tpu.memory_space<vmem>>)
          %add3A_147 = arith.constant 1 : i32
          %add3A_148 = arith.addi %scan3A_118, %add3A_147 : i32
          %mul3A_149 = arith.constant 2000 : i32
          %mul3A_150 = arith.muli %add3A_148, %mul3A_149 : i32
          %add3A_151 = arith.addi %mul3A_0, %mul3A_150 : i32
          %min3A = arith.constant 318000 : i32
          %min3A_152 = arith.minsi %add3A_151, %min3A : i32
          %dma_start3A_153 = tpu.memref_slice %arg3[%min3A_152] : memref<320000xi32, #tpu.memory_space<hbm>> -> memref<2000xi32, #tpu.memory_space<hbm>>
          %dma_start3A_154 = tpu.memref_slice %arg3[%min3A_152] : memref<320000xi32, #tpu.memory_space<hbm>> -> memref<2000xi32, #tpu.memory_space<hbm>>
          tpu.enqueue_dma source(%dma_start3A_154 : memref<2000xi32, #tpu.memory_space<hbm>>) target(%arg8 : memref<2000xi32, #tpu.memory_space<vmem>>) target_semaphore(%arg21 : memref<!tpu.dma_semaphore, #tpu.memory_space<semaphore_mem>>)
          %dma_start3A_155 = tpu.memref_slice %arg4[%min3A_152] : memref<320000xi32, #tpu.memory_space<hbm>> -> memref<2000xi32, #tpu.memory_space<hbm>>
          %dma_start3A_156 = tpu.memref_slice %arg4[%min3A_152] : memref<320000xi32, #tpu.memory_space<hbm>> -> memref<2000xi32, #tpu.memory_space<hbm>>
          tpu.enqueue_dma source(%dma_start3A_156 : memref<2000xi32, #tpu.memory_space<hbm>>) target(%arg9 : memref<2000xi32, #tpu.memory_space<vmem>>) target_semaphore(%arg21 : memref<!tpu.dma_semaphore, #tpu.memory_space<semaphore_mem>>)
          %scan3A_157 = arith.constant 0 : i32
          %scan3A_158 = arith.constant 125 : i32
          %scan3A_159 = arith.addi %scan3A_157, %scan3A_158 : i32
          %scan3A_160 = arith.constant 1 : i32
          %scan3A_161:2 = scf.for %scan3A_163 = %scan3A_157 to %scan3A_159 step %scan3A_160 iter_args(%scan3A_164 = %scan3A_119, %scan3A_165 = %scan3A_120) -> (i32, i32)  : i32 {
            %mul3A_166 = arith.constant 16 : i32
            %mul3A_167 = arith.muli %scan3A_163, %mul3A_166 : i32
            %get3A = arith.index_cast %mul3A_167 : i32 to index
            %get3A_168 = tpu.vector_load %arg6[%get3A] {strides = array<i32>} : memref<2000xi32, #tpu.memory_space<vmem>>, vector<16xi32>,
            %mul3A_169 = arith.constant 16 : i32
            %mul3A_170 = arith.muli %scan3A_163, %mul3A_169 : i32
            %get3A_171 = arith.index_cast %mul3A_170 : i32 to index
            %get3A_172 = tpu.vector_load %arg7[%get3A_171] {strides = array<i32>} : memref<2000xi32, #tpu.memory_space<vmem>>, vector<16xi32>,
            %sub3A = vector.broadcast %add3A : i32 to vector<16xi32>
            %sub3A_173 = arith.subi %get3A_172, %sub3A : vector<16xi32>
            %lt3A_174 = arith.constant 1280 : i32
            %lt3A_175 = vector.broadcast %lt3A_174 : i32 to vector<16xi32>
            %lt3A_176 = arith.cmpi ult, %sub3A_173, %lt3A_175 : vector<16xi32>
            %jit3A_177 = arith.constant 1 : i32
            %jit3A_178 = arith.constant 0 : i32
            %broadcast_in_dim3A_179 = vector.broadcast %jit3A_177 : i32 to vector<16xi32>
            %broadcast_in_dim3A_180 = vector.broadcast %jit3A_178 : i32 to vector<16xi32>
            %select_n3A_181 = arith.select %lt3A_176, %broadcast_in_dim3A_179, %broadcast_in_dim3A_180 : vector<16xi1>, vector<16xi32>
            %cumsum3A = arith.constant true
            %cumsum3A_182 = vector.broadcast %cumsum3A : i1 to vector<16xi1>
            %cumsum3A_183 = tpu.scan <sum>, %select_n3A_181 masked %cumsum3A_182 : vector<16xi32>, vector<16xi1> -> vector<16xi32>
            %add3A_184 = vector.broadcast %scan3A_164 : i32 to vector<16xi32>
            %add3A_185 = arith.addi %add3A_184, %cumsum3A_183 : vector<16xi32>
            %sub3A_186 = arith.constant 1 : i32
            %sub3A_187 = vector.broadcast %sub3A_186 : i32 to vector<16xi32>
            %sub3A_188 = arith.subi %add3A_185, %sub3A_187 : vector<16xi32>
            %jit3A_189 = arith.constant 48 : i32
            %broadcast_in_dim3A_190 = vector.broadcast %jit3A_189 : i32 to vector<16xi32>
            %select_n3A_191 = arith.select %lt3A_176, %sub3A_188, %broadcast_in_dim3A_190 : vector<16xi1>, vector<16xi32>
            tpu.vector_store_idx %arg10[%select_n3A_191], %get3A_168 : memref<64xi32, #tpu.memory_space<vmem>>[vector<16xi32>], vector<16xi32>,
            tpu.vector_store_idx %arg11[%select_n3A_191], %sub3A_173 : memref<64xi32, #tpu.memory_space<vmem>>[vector<16xi32>], vector<16xi32>,
            %reduce_max3A = arith.constant true
            %reduce_max3A_192 = vector.broadcast %reduce_max3A : i1 to vector<16xi1>
            %reduce_max3A_193 = arith.constant -2147483648 : i32
            %reduce_max3A_194 = vector.broadcast %reduce_max3A_193 : i32 to vector<16xi32>
            %reduce_max3A_195 = arith.xori %cumsum3A_183, %reduce_max3A_194 : vector<16xi32>
            %reduce_max3A_196 = tpu.scan <max>, %reduce_max3A_195 masked %reduce_max3A_192 : vector<16xi32>, vector<16xi1> -> vector<16xi32>
            %reduce_max3A_197 = arith.xori %reduce_max3A_196, %reduce_max3A_194 : vector<16xi32>
            %reduce_max3A_198 = vector.extract %reduce_max3A_197[15] : i32 from vector<16xi32>
            %add3A_199 = arith.addi %scan3A_164, %reduce_max3A_198 : i32
            %ge3A = arith.constant 16 : i32
            %ge3A_200 = arith.cmpi sge, %add3A_199, %ge3A : i32
            %convert_element_type3A_201 = arith.extui %ge3A_200 : i1 to i32
            %cond3A_202 = arith.constant 0 : i32
            %cond3A_203 = arith.cmpi ne, %convert_element_type3A_201, %cond3A_202 : i32
            %cond3A_204:2 = scf.if %cond3A_203 -> (i32, i32) {
              %jit3A_205 = arith.constant 2 : i32
              %eq3A_206 = arith.constant 0 : i32
              %eq3A_207 = arith.cmpi eq, %jit3A_205, %eq3A_206 : i32
              %jit3A_208 = arith.constant 1 : i32
              %select_n3A_209 = arith.select %eq3A_207, %jit3A_208, %jit3A_205 : i32
              %rem3A_210 = arith.remsi %scan3A_165, %select_n3A_209 : i32
              %ne3A_211 = arith.constant 0 : i32
              %ne3A_212 = arith.cmpi ne, %rem3A_210, %ne3A_211 : i32
              %lt3A_213 = arith.constant 0 : i32
              %lt3A_214 = arith.cmpi slt, %rem3A_210, %lt3A_213 : i32
              %lt3A_215 = arith.constant 0 : i32
              %lt3A_216 = arith.cmpi slt, %select_n3A_209, %lt3A_215 : i32
              %ne3A_217 = arith.xori %lt3A_214, %lt3A_216 : i1
              %and3A_218 = arith.andi %ne3A_217, %ne3A_212 : i1
              %add3A_219 = arith.addi %rem3A_210, %select_n3A_209 : i32
              %select_n3A_220 = arith.select %and3A_218, %add3A_219, %rem3A_210 : i32
              %eq3A_221 = arith.constant 0 : i32
              %eq3A_222 = arith.cmpi eq, %select_n3A_220, %eq3A_221 : i32
              %convert_element_type3A_223 = arith.extui %eq3A_222 : i1 to i32
              %cond3A_224 = arith.constant 0 : i32
              %cond3A_225 = arith.cmpi ne, %convert_element_type3A_223, %cond3A_224 : i32
              scf.if %cond3A_225 {
                %dma_wait3A_238 = arith.constant 0 : i32
                %dma_wait3A_239 = arith.constant 0 : i32
                %dma_wait3A_240 = arith.constant 0 : i32
                %dma_wait3A_241 = tpu.memref_slice %arg20[%dma_wait3A_238, %dma_wait3A_239, %dma_wait3A_240] : memref<1296x8x128xf32, #tpu.memory_space<vmem_shared>> -> memref<1296x8x128xf32, #tpu.memory_space<vmem_shared>>
                tpu.wait_indirect_dma semaphore(%arg23 : memref<!tpu.dma_semaphore, #tpu.memory_space<semaphore_mem>>) src(%arg16 : memref<16x8x128xf32, #tpu.memory_space<vmem>>) dst(%dma_wait3A_241 : memref<1296x8x128xf32, #tpu.memory_space<vmem_shared>>)
                %get3A_242 = arith.constant 0 : index
                %get3A_243 = tpu.vector_load %arg10[%get3A_242] {strides = array<i32>} : memref<64xi32, #tpu.memory_space<vmem>>, vector<16xi32>,
                %swap3A_244 = arith.constant 0 : index
                %swap3A_245 = tpu.vector_load %arg12[%swap3A_244] {strides = array<i32>} : memref<16xi32, #tpu.memory_space<vmem>>, vector<16xi32>,
                tpu.vector_store %arg12[%swap3A_244], %get3A_243 {strides = array<i32>} : memref<16xi32, #tpu.memory_space<vmem>>, vector<16xi32>,
                %get3A_246 = arith.constant 0 : index
                %get3A_247 = tpu.vector_load %arg11[%get3A_246] {strides = array<i32>} : memref<64xi32, #tpu.memory_space<vmem>>, vector<16xi32>,
                %swap3A_248 = arith.constant 0 : index
                %swap3A_249 = tpu.vector_load %arg13[%swap3A_248] {strides = array<i32>} : memref<16xi32, #tpu.memory_space<vmem>>, vector<16xi32>,
                tpu.vector_store %arg13[%swap3A_248], %get3A_247 {strides = array<i32>} : memref<16xi32, #tpu.memory_space<vmem>>, vector<16xi32>,
                %dma_wait3A_250 = arith.constant 0 : i32
                %dma_wait3A_251 = arith.constant 0 : i32
                %dma_wait3A_252 = arith.constant 0 : i32
                %dma_wait3A_253 = tpu.memref_slice %arg2[%dma_wait3A_250, %dma_wait3A_251, %dma_wait3A_252] : memref<10000x8x128xf32, #tpu.memory_space<hbm>> -> memref<10000x8x128xf32, #tpu.memory_space<hbm>>
                tpu.wait_indirect_dma semaphore(%arg22 : memref<!tpu.dma_semaphore, #tpu.memory_space<semaphore_mem>>) src(%dma_wait3A_253 : memref<10000x8x128xf32, #tpu.memory_space<hbm>>) dst(%arg17 : memref<16x8x128xf32, #tpu.memory_space<vmem>>)
                %dma_start3A_254 = arith.constant 0 : i32
                %dma_start3A_255 = arith.constant 0 : i32
                %dma_start3A_256 = arith.constant 0 : i32
                %dma_start3A_257 = tpu.memref_slice %arg2[%dma_start3A_254, %dma_start3A_255, %dma_start3A_256] : memref<10000x8x128xf32, #tpu.memory_space<hbm>> -> memref<10000x8x128xf32, #tpu.memory_space<hbm>>
                tpu.enqueue_indirect_dma source(%dma_start3A_257 : memref<10000x8x128xf32, #tpu.memory_space<hbm>>) target(%arg16 : memref<16x8x128xf32, #tpu.memory_space<vmem>>) offsets(%arg12 : memref<16xi32, #tpu.memory_space<vmem>>) semaphore(%arg22 : memref<!tpu.dma_semaphore, #tpu.memory_space<semaphore_mem>>)
                %dma_start3A_258 = arith.constant 0 : i32
                %dma_start3A_259 = arith.constant 0 : i32
                %dma_start3A_260 = arith.constant 0 : i32
                %dma_start3A_261 = tpu.memref_slice %arg20[%dma_start3A_258, %dma_start3A_259, %dma_start3A_260] : memref<1296x8x128xf32, #tpu.memory_space<vmem_shared>> -> memref<1296x8x128xf32, #tpu.memory_space<vmem_shared>>
                tpu.enqueue_indirect_dma source(%arg17 : memref<16x8x128xf32, #tpu.memory_space<vmem>>) target(%dma_start3A_261 : memref<1296x8x128xf32, #tpu.memory_space<vmem_shared>>) offsets(%arg15 : memref<16xi32, #tpu.memory_space<vmem>>) semaphore(%arg24 : memref<!tpu.dma_semaphore, #tpu.memory_space<semaphore_mem>>) {add = true}
              } else {
                %dma_wait3A_238 = arith.constant 0 : i32
                %dma_wait3A_239 = arith.constant 0 : i32
                %dma_wait3A_240 = arith.constant 0 : i32
                %dma_wait3A_241 = tpu.memref_slice %arg20[%dma_wait3A_238, %dma_wait3A_239, %dma_wait3A_240] : memref<1296x8x128xf32, #tpu.memory_space<vmem_shared>> -> memref<1296x8x128xf32, #tpu.memory_space<vmem_shared>>
                tpu.wait_indirect_dma semaphore(%arg24 : memref<!tpu.dma_semaphore, #tpu.memory_space<semaphore_mem>>) src(%arg17 : memref<16x8x128xf32, #tpu.memory_space<vmem>>) dst(%dma_wait3A_241 : memref<1296x8x128xf32, #tpu.memory_space<vmem_shared>>)
                %get3A_242 = arith.constant 0 : index
                %get3A_243 = tpu.vector_load %arg10[%get3A_242] {strides = array<i32>} : memref<64xi32, #tpu.memory_space<vmem>>, vector<16xi32>,
                %swap3A_244 = arith.constant 0 : index
                %swap3A_245 = tpu.vector_load %arg14[%swap3A_244] {strides = array<i32>} : memref<16xi32, #tpu.memory_space<vmem>>, vector<16xi32>,
                tpu.vector_store %arg14[%swap3A_244], %get3A_243 {strides = array<i32>} : memref<16xi32, #tpu.memory_space<vmem>>, vector<16xi32>,
                %get3A_246 = arith.constant 0 : index
                %get3A_247 = tpu.vector_load %arg11[%get3A_246] {strides = array<i32>} : memref<64xi32, #tpu.memory_space<vmem>>, vector<16xi32>,
                %swap3A_248 = arith.constant 0 : index
                %swap3A_249 = tpu.vector_load %arg15[%swap3A_248] {strides = array<i32>} : memref<16xi32, #tpu.memory_space<vmem>>, vector<16xi32>,
                tpu.vector_store %arg15[%swap3A_248], %get3A_247 {strides = array<i32>} : memref<16xi32, #tpu.memory_space<vmem>>, vector<16xi32>,
                %dma_wait3A_250 = arith.constant 0 : i32
                %dma_wait3A_251 = arith.constant 0 : i32
                %dma_wait3A_252 = arith.constant 0 : i32
                %dma_wait3A_253 = tpu.memref_slice %arg2[%dma_wait3A_250, %dma_wait3A_251, %dma_wait3A_252] : memref<10000x8x128xf32, #tpu.memory_space<hbm>> -> memref<10000x8x128xf32, #tpu.memory_space<hbm>>
                tpu.wait_indirect_dma semaphore(%arg22 : memref<!tpu.dma_semaphore, #tpu.memory_space<semaphore_mem>>) src(%dma_wait3A_253 : memref<10000x8x128xf32, #tpu.memory_space<hbm>>) dst(%arg16 : memref<16x8x128xf32, #tpu.memory_space<vmem>>)
                %dma_start3A_254 = arith.constant 0 : i32
                %dma_start3A_255 = arith.constant 0 : i32
                %dma_start3A_256 = arith.constant 0 : i32
                %dma_start3A_257 = tpu.memref_slice %arg2[%dma_start3A_254, %dma_start3A_255, %dma_start3A_256] : memref<10000x8x128xf32, #tpu.memory_space<hbm>> -> memref<10000x8x128xf32, #tpu.memory_space<hbm>>
                tpu.enqueue_indirect_dma source(%dma_start3A_257 : memref<10000x8x128xf32, #tpu.memory_space<hbm>>) target(%arg17 : memref<16x8x128xf32, #tpu.memory_space<vmem>>) offsets(%arg14 : memref<16xi32, #tpu.memory_space<vmem>>) semaphore(%arg22 : memref<!tpu.dma_semaphore, #tpu.memory_space<semaphore_mem>>)
                %dma_start3A_258 = arith.constant 0 : i32
                %dma_start3A_259 = arith.constant 0 : i32
                %dma_start3A_260 = arith.constant 0 : i32
                %dma_start3A_261 = tpu.memref_slice %arg20[%dma_start3A_258, %dma_start3A_259, %dma_start3A_260] : memref<1296x8x128xf32, #tpu.memory_space<vmem_shared>> -> memref<1296x8x128xf32, #tpu.memory_space<vmem_shared>>
                tpu.enqueue_indirect_dma source(%arg16 : memref<16x8x128xf32, #tpu.memory_space<vmem>>) target(%dma_start3A_261 : memref<1296x8x128xf32, #tpu.memory_space<vmem_shared>>) offsets(%arg13 : memref<16xi32, #tpu.memory_space<vmem>>) semaphore(%arg23 : memref<!tpu.dma_semaphore, #tpu.memory_space<semaphore_mem>>) {add = true}
              }
              %get3A_226 = arith.constant 16 : index
              %get3A_227 = tpu.vector_load %arg10[%get3A_226] {strides = array<i32>} : memref<64xi32, #tpu.memory_space<vmem>>, vector<16xi32>,
              %swap3A_228 = arith.constant 0 : index
              %swap3A_229 = tpu.vector_load %arg10[%swap3A_228] {strides = array<i32>} : memref<64xi32, #tpu.memory_space<vmem>>, vector<16xi32>,
              tpu.vector_store %arg10[%swap3A_228], %get3A_227 {strides = array<i32>} : memref<64xi32, #tpu.memory_space<vmem>>, vector<16xi32>,
              %get3A_230 = arith.constant 16 : index
              %get3A_231 = tpu.vector_load %arg11[%get3A_230] {strides = array<i32>} : memref<64xi32, #tpu.memory_space<vmem>>, vector<16xi32>,
              %swap3A_232 = arith.constant 0 : index
              %swap3A_233 = tpu.vector_load %arg11[%swap3A_232] {strides = array<i32>} : memref<64xi32, #tpu.memory_space<vmem>>, vector<16xi32>,
              tpu.vector_store %arg11[%swap3A_232], %get3A_231 {strides = array<i32>} : memref<64xi32, #tpu.memory_space<vmem>>, vector<16xi32>,
              %sub3A_234 = arith.constant 16 : i32
              %sub3A_235 = arith.subi %add3A_199, %sub3A_234 : i32
              %add3A_236 = arith.constant 1 : i32
              %add3A_237 = arith.addi %scan3A_165, %add3A_236 : i32
              scf.yield %sub3A_235, %add3A_237 : i32, i32
            } else {
              scf.yield %add3A_199, %scan3A_165 : i32, i32
            }
            scf.yield %cond3A_204#0, %cond3A_204#1 : i32, i32
          }
          %scan3A_162 = arith.constant 125 : i32
          scf.yield %scan3A_161#0, %scan3A_161#1 : i32, i32
        } else {
          %dma_wait3A_143 = tpu.memref_slice %arg3[%mul3A_0] : memref<320000xi32, #tpu.memory_space<hbm>> -> memref<2000xi32, #tpu.memory_space<hbm>>
          %dma_wait3A_144 = tpu.memref_slice %arg3[%mul3A_0] : memref<320000xi32, #tpu.memory_space<hbm>> -> memref<2000xi32, #tpu.memory_space<hbm>>
          tpu.wait_dma2 semaphore(%arg21 : memref<!tpu.dma_semaphore, #tpu.memory_space<semaphore_mem>>) src(%dma_wait3A_144 : memref<2000xi32, #tpu.memory_space<hbm>>) dst(%arg8 : memref<2000xi32, #tpu.memory_space<vmem>>)
          %dma_wait3A_145 = tpu.memref_slice %arg4[%mul3A_0] : memref<320000xi32, #tpu.memory_space<hbm>> -> memref<2000xi32, #tpu.memory_space<hbm>>
          %dma_wait3A_146 = tpu.memref_slice %arg4[%mul3A_0] : memref<320000xi32, #tpu.memory_space<hbm>> -> memref<2000xi32, #tpu.memory_space<hbm>>
          tpu.wait_dma2 semaphore(%arg21 : memref<!tpu.dma_semaphore, #tpu.memory_space<semaphore_mem>>) src(%dma_wait3A_146 : memref<2000xi32, #tpu.memory_space<hbm>>) dst(%arg9 : memref<2000xi32, #tpu.memory_space<vmem>>)
          %add3A_147 = arith.constant 1 : i32
          %add3A_148 = arith.addi %scan3A_118, %add3A_147 : i32
          %mul3A_149 = arith.constant 2000 : i32
          %mul3A_150 = arith.muli %add3A_148, %mul3A_149 : i32
          %add3A_151 = arith.addi %mul3A_0, %mul3A_150 : i32
          %min3A = arith.constant 318000 : i32
          %min3A_152 = arith.minsi %add3A_151, %min3A : i32
          %dma_start3A_153 = tpu.memref_slice %arg3[%min3A_152] : memref<320000xi32, #tpu.memory_space<hbm>> -> memref<2000xi32, #tpu.memory_space<hbm>>
          %dma_start3A_154 = tpu.memref_slice %arg3[%min3A_152] : memref<320000xi32, #tpu.memory_space<hbm>> -> memref<2000xi32, #tpu.memory_space<hbm>>
          tpu.enqueue_dma source(%dma_start3A_154 : memref<2000xi32, #tpu.memory_space<hbm>>) target(%arg6 : memref<2000xi32, #tpu.memory_space<vmem>>) target_semaphore(%arg21 : memref<!tpu.dma_semaphore, #tpu.memory_space<semaphore_mem>>)
          %dma_start3A_155 = tpu.memref_slice %arg4[%min3A_152] : memref<320000xi32, #tpu.memory_space<hbm>> -> memref<2000xi32, #tpu.memory_space<hbm>>
          %dma_start3A_156 = tpu.memref_slice %arg4[%min3A_152] : memref<320000xi32, #tpu.memory_space<hbm>> -> memref<2000xi32, #tpu.memory_space<hbm>>
          tpu.enqueue_dma source(%dma_start3A_156 : memref<2000xi32, #tpu.memory_space<hbm>>) target(%arg7 : memref<2000xi32, #tpu.memory_space<vmem>>) target_semaphore(%arg21 : memref<!tpu.dma_semaphore, #tpu.memory_space<semaphore_mem>>)
          %scan3A_157 = arith.constant 0 : i32
          %scan3A_158 = arith.constant 125 : i32
          %scan3A_159 = arith.addi %scan3A_157, %scan3A_158 : i32
          %scan3A_160 = arith.constant 1 : i32
          %scan3A_161:2 = scf.for %scan3A_163 = %scan3A_157 to %scan3A_159 step %scan3A_160 iter_args(%scan3A_164 = %scan3A_119, %scan3A_165 = %scan3A_120) -> (i32, i32)  : i32 {
            %mul3A_166 = arith.constant 16 : i32
            %mul3A_167 = arith.muli %scan3A_163, %mul3A_166 : i32
            %get3A = arith.index_cast %mul3A_167 : i32 to index
            %get3A_168 = tpu.vector_load %arg8[%get3A] {strides = array<i32>} : memref<2000xi32, #tpu.memory_space<vmem>>, vector<16xi32>,
            %mul3A_169 = arith.constant 16 : i32
            %mul3A_170 = arith.muli %scan3A_163, %mul3A_169 : i32
            %get3A_171 = arith.index_cast %mul3A_170 : i32 to index
            %get3A_172 = tpu.vector_load %arg9[%get3A_171] {strides = array<i32>} : memref<2000xi32, #tpu.memory_space<vmem>>, vector<16xi32>,
            %sub3A = vector.broadcast %add3A : i32 to vector<16xi32>
            %sub3A_173 = arith.subi %get3A_172, %sub3A : vector<16xi32>
            %lt3A_174 = arith.constant 1280 : i32
            %lt3A_175 = vector.broadcast %lt3A_174 : i32 to vector<16xi32>
            %lt3A_176 = arith.cmpi ult, %sub3A_173, %lt3A_175 : vector<16xi32>
            %jit3A_177 = arith.constant 1 : i32
            %jit3A_178 = arith.constant 0 : i32
            %broadcast_in_dim3A_179 = vector.broadcast %jit3A_177 : i32 to vector<16xi32>
            %broadcast_in_dim3A_180 = vector.broadcast %jit3A_178 : i32 to vector<16xi32>
            %select_n3A_181 = arith.select %lt3A_176, %broadcast_in_dim3A_179, %broadcast_in_dim3A_180 : vector<16xi1>, vector<16xi32>
            %cumsum3A = arith.constant true
            %cumsum3A_182 = vector.broadcast %cumsum3A : i1 to vector<16xi1>
            %cumsum3A_183 = tpu.scan <sum>, %select_n3A_181 masked %cumsum3A_182 : vector<16xi32>, vector<16xi1> -> vector<16xi32>
            %add3A_184 = vector.broadcast %scan3A_164 : i32 to vector<16xi32>
            %add3A_185 = arith.addi %add3A_184, %cumsum3A_183 : vector<16xi32>
            %sub3A_186 = arith.constant 1 : i32
            %sub3A_187 = vector.broadcast %sub3A_186 : i32 to vector<16xi32>
            %sub3A_188 = arith.subi %add3A_185, %sub3A_187 : vector<16xi32>
            %jit3A_189 = arith.constant 48 : i32
            %broadcast_in_dim3A_190 = vector.broadcast %jit3A_189 : i32 to vector<16xi32>
            %select_n3A_191 = arith.select %lt3A_176, %sub3A_188, %broadcast_in_dim3A_190 : vector<16xi1>, vector<16xi32>
            tpu.vector_store_idx %arg10[%select_n3A_191], %get3A_168 : memref<64xi32, #tpu.memory_space<vmem>>[vector<16xi32>], vector<16xi32>,
            tpu.vector_store_idx %arg11[%select_n3A_191], %sub3A_173 : memref<64xi32, #tpu.memory_space<vmem>>[vector<16xi32>], vector<16xi32>,
            %reduce_max3A = arith.constant true
            %reduce_max3A_192 = vector.broadcast %reduce_max3A : i1 to vector<16xi1>
            %reduce_max3A_193 = arith.constant -2147483648 : i32
            %reduce_max3A_194 = vector.broadcast %reduce_max3A_193 : i32 to vector<16xi32>
            %reduce_max3A_195 = arith.xori %cumsum3A_183, %reduce_max3A_194 : vector<16xi32>
            %reduce_max3A_196 = tpu.scan <max>, %reduce_max3A_195 masked %reduce_max3A_192 : vector<16xi32>, vector<16xi1> -> vector<16xi32>
            %reduce_max3A_197 = arith.xori %reduce_max3A_196, %reduce_max3A_194 : vector<16xi32>
            %reduce_max3A_198 = vector.extract %reduce_max3A_197[15] : i32 from vector<16xi32>
            %add3A_199 = arith.addi %scan3A_164, %reduce_max3A_198 : i32
            %ge3A = arith.constant 16 : i32
            %ge3A_200 = arith.cmpi sge, %add3A_199, %ge3A : i32
            %convert_element_type3A_201 = arith.extui %ge3A_200 : i1 to i32
            %cond3A_202 = arith.constant 0 : i32
            %cond3A_203 = arith.cmpi ne, %convert_element_type3A_201, %cond3A_202 : i32
            %cond3A_204:2 = scf.if %cond3A_203 -> (i32, i32) {
              %jit3A_205 = arith.constant 2 : i32
              %eq3A_206 = arith.constant 0 : i32
              %eq3A_207 = arith.cmpi eq, %jit3A_205, %eq3A_206 : i32
              %jit3A_208 = arith.constant 1 : i32
              %select_n3A_209 = arith.select %eq3A_207, %jit3A_208, %jit3A_205 : i32
              %rem3A_210 = arith.remsi %scan3A_165, %select_n3A_209 : i32
              %ne3A_211 = arith.constant 0 : i32
              %ne3A_212 = arith.cmpi ne, %rem3A_210, %ne3A_211 : i32
              %lt3A_213 = arith.constant 0 : i32
              %lt3A_214 = arith.cmpi slt, %rem3A_210, %lt3A_213 : i32
              %lt3A_215 = arith.constant 0 : i32
              %lt3A_216 = arith.cmpi slt, %select_n3A_209, %lt3A_215 : i32
              %ne3A_217 = arith.xori %lt3A_214, %lt3A_216 : i1
              %and3A_218 = arith.andi %ne3A_217, %ne3A_212 : i1
              %add3A_219 = arith.addi %rem3A_210, %select_n3A_209 : i32
              %select_n3A_220 = arith.select %and3A_218, %add3A_219, %rem3A_210 : i32
              %eq3A_221 = arith.constant 0 : i32
              %eq3A_222 = arith.cmpi eq, %select_n3A_220, %eq3A_221 : i32
              %convert_element_type3A_223 = arith.extui %eq3A_222 : i1 to i32
              %cond3A_224 = arith.constant 0 : i32
              %cond3A_225 = arith.cmpi ne, %convert_element_type3A_223, %cond3A_224 : i32
              scf.if %cond3A_225 {
                %dma_wait3A_238 = arith.constant 0 : i32
                %dma_wait3A_239 = arith.constant 0 : i32
                %dma_wait3A_240 = arith.constant 0 : i32
                %dma_wait3A_241 = tpu.memref_slice %arg20[%dma_wait3A_238, %dma_wait3A_239, %dma_wait3A_240] : memref<1296x8x128xf32, #tpu.memory_space<vmem_shared>> -> memref<1296x8x128xf32, #tpu.memory_space<vmem_shared>>
                tpu.wait_indirect_dma semaphore(%arg23 : memref<!tpu.dma_semaphore, #tpu.memory_space<semaphore_mem>>) src(%arg16 : memref<16x8x128xf32, #tpu.memory_space<vmem>>) dst(%dma_wait3A_241 : memref<1296x8x128xf32, #tpu.memory_space<vmem_shared>>)
                %get3A_242 = arith.constant 0 : index
                %get3A_243 = tpu.vector_load %arg10[%get3A_242] {strides = array<i32>} : memref<64xi32, #tpu.memory_space<vmem>>, vector<16xi32>,
                %swap3A_244 = arith.constant 0 : index
                %swap3A_245 = tpu.vector_load %arg12[%swap3A_244] {strides = array<i32>} : memref<16xi32, #tpu.memory_space<vmem>>, vector<16xi32>,
                tpu.vector_store %arg12[%swap3A_244], %get3A_243 {strides = array<i32>} : memref<16xi32, #tpu.memory_space<vmem>>, vector<16xi32>,
                %get3A_246 = arith.constant 0 : index
                %get3A_247 = tpu.vector_load %arg11[%get3A_246] {strides = array<i32>} : memref<64xi32, #tpu.memory_space<vmem>>, vector<16xi32>,
                %swap3A_248 = arith.constant 0 : index
                %swap3A_249 = tpu.vector_load %arg13[%swap3A_248] {strides = array<i32>} : memref<16xi32, #tpu.memory_space<vmem>>, vector<16xi32>,
                tpu.vector_store %arg13[%swap3A_248], %get3A_247 {strides = array<i32>} : memref<16xi32, #tpu.memory_space<vmem>>, vector<16xi32>,
                %dma_wait3A_250 = arith.constant 0 : i32
                %dma_wait3A_251 = arith.constant 0 : i32
                %dma_wait3A_252 = arith.constant 0 : i32
                %dma_wait3A_253 = tpu.memref_slice %arg2[%dma_wait3A_250, %dma_wait3A_251, %dma_wait3A_252] : memref<10000x8x128xf32, #tpu.memory_space<hbm>> -> memref<10000x8x128xf32, #tpu.memory_space<hbm>>
                tpu.wait_indirect_dma semaphore(%arg22 : memref<!tpu.dma_semaphore, #tpu.memory_space<semaphore_mem>>) src(%dma_wait3A_253 : memref<10000x8x128xf32, #tpu.memory_space<hbm>>) dst(%arg17 : memref<16x8x128xf32, #tpu.memory_space<vmem>>)
                %dma_start3A_254 = arith.constant 0 : i32
                %dma_start3A_255 = arith.constant 0 : i32
                %dma_start3A_256 = arith.constant 0 : i32
                %dma_start3A_257 = tpu.memref_slice %arg2[%dma_start3A_254, %dma_start3A_255, %dma_start3A_256] : memref<10000x8x128xf32, #tpu.memory_space<hbm>> -> memref<10000x8x128xf32, #tpu.memory_space<hbm>>
                tpu.enqueue_indirect_dma source(%dma_start3A_257 : memref<10000x8x128xf32, #tpu.memory_space<hbm>>) target(%arg16 : memref<16x8x128xf32, #tpu.memory_space<vmem>>) offsets(%arg12 : memref<16xi32, #tpu.memory_space<vmem>>) semaphore(%arg22 : memref<!tpu.dma_semaphore, #tpu.memory_space<semaphore_mem>>)
                %dma_start3A_258 = arith.constant 0 : i32
                %dma_start3A_259 = arith.constant 0 : i32
                %dma_start3A_260 = arith.constant 0 : i32
                %dma_start3A_261 = tpu.memref_slice %arg20[%dma_start3A_258, %dma_start3A_259, %dma_start3A_260] : memref<1296x8x128xf32, #tpu.memory_space<vmem_shared>> -> memref<1296x8x128xf32, #tpu.memory_space<vmem_shared>>
                tpu.enqueue_indirect_dma source(%arg17 : memref<16x8x128xf32, #tpu.memory_space<vmem>>) target(%dma_start3A_261 : memref<1296x8x128xf32, #tpu.memory_space<vmem_shared>>) offsets(%arg15 : memref<16xi32, #tpu.memory_space<vmem>>) semaphore(%arg24 : memref<!tpu.dma_semaphore, #tpu.memory_space<semaphore_mem>>) {add = true}
              } else {
                %dma_wait3A_238 = arith.constant 0 : i32
                %dma_wait3A_239 = arith.constant 0 : i32
                %dma_wait3A_240 = arith.constant 0 : i32
                %dma_wait3A_241 = tpu.memref_slice %arg20[%dma_wait3A_238, %dma_wait3A_239, %dma_wait3A_240] : memref<1296x8x128xf32, #tpu.memory_space<vmem_shared>> -> memref<1296x8x128xf32, #tpu.memory_space<vmem_shared>>
                tpu.wait_indirect_dma semaphore(%arg24 : memref<!tpu.dma_semaphore, #tpu.memory_space<semaphore_mem>>) src(%arg17 : memref<16x8x128xf32, #tpu.memory_space<vmem>>) dst(%dma_wait3A_241 : memref<1296x8x128xf32, #tpu.memory_space<vmem_shared>>)
                %get3A_242 = arith.constant 0 : index
                %get3A_243 = tpu.vector_load %arg10[%get3A_242] {strides = array<i32>} : memref<64xi32, #tpu.memory_space<vmem>>, vector<16xi32>,
                %swap3A_244 = arith.constant 0 : index
                %swap3A_245 = tpu.vector_load %arg14[%swap3A_244] {strides = array<i32>} : memref<16xi32, #tpu.memory_space<vmem>>, vector<16xi32>,
                tpu.vector_store %arg14[%swap3A_244], %get3A_243 {strides = array<i32>} : memref<16xi32, #tpu.memory_space<vmem>>, vector<16xi32>,
                %get3A_246 = arith.constant 0 : index
                %get3A_247 = tpu.vector_load %arg11[%get3A_246] {strides = array<i32>} : memref<64xi32, #tpu.memory_space<vmem>>, vector<16xi32>,
                %swap3A_248 = arith.constant 0 : index
                %swap3A_249 = tpu.vector_load %arg15[%swap3A_248] {strides = array<i32>} : memref<16xi32, #tpu.memory_space<vmem>>, vector<16xi32>,
                tpu.vector_store %arg15[%swap3A_248], %get3A_247 {strides = array<i32>} : memref<16xi32, #tpu.memory_space<vmem>>, vector<16xi32>,
                %dma_wait3A_250 = arith.constant 0 : i32
                %dma_wait3A_251 = arith.constant 0 : i32
                %dma_wait3A_252 = arith.constant 0 : i32
                %dma_wait3A_253 = tpu.memref_slice %arg2[%dma_wait3A_250, %dma_wait3A_251, %dma_wait3A_252] : memref<10000x8x128xf32, #tpu.memory_space<hbm>> -> memref<10000x8x128xf32, #tpu.memory_space<hbm>>
                tpu.wait_indirect_dma semaphore(%arg22 : memref<!tpu.dma_semaphore, #tpu.memory_space<semaphore_mem>>) src(%dma_wait3A_253 : memref<10000x8x128xf32, #tpu.memory_space<hbm>>) dst(%arg16 : memref<16x8x128xf32, #tpu.memory_space<vmem>>)
                %dma_start3A_254 = arith.constant 0 : i32
                %dma_start3A_255 = arith.constant 0 : i32
                %dma_start3A_256 = arith.constant 0 : i32
                %dma_start3A_257 = tpu.memref_slice %arg2[%dma_start3A_254, %dma_start3A_255, %dma_start3A_256] : memref<10000x8x128xf32, #tpu.memory_space<hbm>> -> memref<10000x8x128xf32, #tpu.memory_space<hbm>>
                tpu.enqueue_indirect_dma source(%dma_start3A_257 : memref<10000x8x128xf32, #tpu.memory_space<hbm>>) target(%arg17 : memref<16x8x128xf32, #tpu.memory_space<vmem>>) offsets(%arg14 : memref<16xi32, #tpu.memory_space<vmem>>) semaphore(%arg22 : memref<!tpu.dma_semaphore, #tpu.memory_space<semaphore_mem>>)
                %dma_start3A_258 = arith.constant 0 : i32
                %dma_start3A_259 = arith.constant 0 : i32
                %dma_start3A_260 = arith.constant 0 : i32
                %dma_start3A_261 = tpu.memref_slice %arg20[%dma_start3A_258, %dma_start3A_259, %dma_start3A_260] : memref<1296x8x128xf32, #tpu.memory_space<vmem_shared>> -> memref<1296x8x128xf32, #tpu.memory_space<vmem_shared>>
                tpu.enqueue_indirect_dma source(%arg16 : memref<16x8x128xf32, #tpu.memory_space<vmem>>) target(%dma_start3A_261 : memref<1296x8x128xf32, #tpu.memory_space<vmem_shared>>) offsets(%arg13 : memref<16xi32, #tpu.memory_space<vmem>>) semaphore(%arg23 : memref<!tpu.dma_semaphore, #tpu.memory_space<semaphore_mem>>) {add = true}
              }
              %get3A_226 = arith.constant 16 : index
              %get3A_227 = tpu.vector_load %arg10[%get3A_226] {strides = array<i32>} : memref<64xi32, #tpu.memory_space<vmem>>, vector<16xi32>,
              %swap3A_228 = arith.constant 0 : index
              %swap3A_229 = tpu.vector_load %arg10[%swap3A_228] {strides = array<i32>} : memref<64xi32, #tpu.memory_space<vmem>>, vector<16xi32>,
              tpu.vector_store %arg10[%swap3A_228], %get3A_227 {strides = array<i32>} : memref<64xi32, #tpu.memory_space<vmem>>, vector<16xi32>,
              %get3A_230 = arith.constant 16 : index
              %get3A_231 = tpu.vector_load %arg11[%get3A_230] {strides = array<i32>} : memref<64xi32, #tpu.memory_space<vmem>>, vector<16xi32>,
              %swap3A_232 = arith.constant 0 : index
              %swap3A_233 = tpu.vector_load %arg11[%swap3A_232] {strides = array<i32>} : memref<64xi32, #tpu.memory_space<vmem>>, vector<16xi32>,
              tpu.vector_store %arg11[%swap3A_232], %get3A_231 {strides = array<i32>} : memref<64xi32, #tpu.memory_space<vmem>>, vector<16xi32>,
              %sub3A_234 = arith.constant 16 : i32
              %sub3A_235 = arith.subi %add3A_199, %sub3A_234 : i32
              %add3A_236 = arith.constant 1 : i32
              %add3A_237 = arith.addi %scan3A_165, %add3A_236 : i32
              scf.yield %sub3A_235, %add3A_237 : i32, i32
            } else {
              scf.yield %add3A_199, %scan3A_165 : i32, i32
            }
            scf.yield %cond3A_204#0, %cond3A_204#1 : i32, i32
          }
          %scan3A_162 = arith.constant 125 : i32
          scf.yield %scan3A_161#0, %scan3A_161#1 : i32, i32
        }
        scf.yield %cond3A_142#0, %cond3A_142#1 : i32, i32
      }
      %scan3A_53 = arith.constant 10 : i32
      %dma_wait3A = tpu.memref_slice %arg3[%mul3A_0] : memref<320000xi32, #tpu.memory_space<hbm>> -> memref<2000xi32, #tpu.memory_space<hbm>>
      %dma_wait3A_54 = tpu.memref_slice %arg3[%mul3A_0] : memref<320000xi32, #tpu.memory_space<hbm>> -> memref<2000xi32, #tpu.memory_space<hbm>>
      tpu.wait_dma2 semaphore(%arg21 : memref<!tpu.dma_semaphore, #tpu.memory_space<semaphore_mem>>) src(%dma_wait3A_54 : memref<2000xi32, #tpu.memory_space<hbm>>) dst(%arg6 : memref<2000xi32, #tpu.memory_space<vmem>>)
      %dma_wait3A_55 = tpu.memref_slice %arg4[%mul3A_0] : memref<320000xi32, #tpu.memory_space<hbm>> -> memref<2000xi32, #tpu.memory_space<hbm>>
      %dma_wait3A_56 = tpu.memref_slice %arg4[%mul3A_0] : memref<320000xi32, #tpu.memory_space<hbm>> -> memref<2000xi32, #tpu.memory_space<hbm>>
      tpu.wait_dma2 semaphore(%arg21 : memref<!tpu.dma_semaphore, #tpu.memory_space<semaphore_mem>>) src(%dma_wait3A_56 : memref<2000xi32, #tpu.memory_space<hbm>>) dst(%arg7 : memref<2000xi32, #tpu.memory_space<vmem>>)
      %broadcast_in_dim3A_57 = arith.constant 0 : i32
      %broadcast_in_dim3A_58 = vector.broadcast %broadcast_in_dim3A_57 : i32 to vector<16xi32>
      %add3A_59 = arith.constant 0 : i32
      %add3A_60 = arith.addi %scan3A_52#0, %add3A_59 : i32
      %swap3A_61 = arith.index_cast %add3A_60 : i32 to index
      %swap3A_62 = tpu.vector_load %arg10[%swap3A_61] {strides = array<i32>} : memref<64xi32, #tpu.memory_space<vmem>>, vector<16xi32>,
      tpu.vector_store %arg10[%swap3A_61], %broadcast_in_dim3A_58 {strides = array<i32>} : memref<64xi32, #tpu.memory_space<vmem>>, vector<16xi32>,
      %broadcast_in_dim3A_63 = arith.constant 1280 : i32
      %broadcast_in_dim3A_64 = vector.broadcast %broadcast_in_dim3A_63 : i32 to vector<16xi32>
      %add3A_65 = arith.constant 0 : i32
      %add3A_66 = arith.addi %scan3A_52#0, %add3A_65 : i32
      %swap3A_67 = arith.index_cast %add3A_66 : i32 to index
      %swap3A_68 = tpu.vector_load %arg11[%swap3A_67] {strides = array<i32>} : memref<64xi32, #tpu.memory_space<vmem>>, vector<16xi32>,
      tpu.vector_store %arg11[%swap3A_67], %broadcast_in_dim3A_64 {strides = array<i32>} : memref<64xi32, #tpu.memory_space<vmem>>, vector<16xi32>,
      %jit3A = arith.constant 2 : i32
      %eq3A = arith.constant 0 : i32
      %eq3A_69 = arith.cmpi eq, %jit3A, %eq3A : i32
      %jit3A_70 = arith.constant 1 : i32
      %select_n3A = arith.select %eq3A_69, %jit3A_70, %jit3A : i32
      %rem3A = arith.remsi %scan3A_52#1, %select_n3A : i32
      %ne3A = arith.constant 0 : i32
      %ne3A_71 = arith.cmpi ne, %rem3A, %ne3A : i32
      %lt3A = arith.constant 0 : i32
      %lt3A_72 = arith.cmpi slt, %rem3A, %lt3A : i32
      %lt3A_73 = arith.constant 0 : i32
      %lt3A_74 = arith.cmpi slt, %select_n3A, %lt3A_73 : i32
      %ne3A_75 = arith.xori %lt3A_72, %lt3A_74 : i1
      %and3A = arith.andi %ne3A_75, %ne3A_71 : i1
      %add3A_76 = arith.addi %rem3A, %select_n3A : i32
      %select_n3A_77 = arith.select %and3A, %add3A_76, %rem3A : i32
      %eq3A_78 = arith.constant 0 : i32
      %eq3A_79 = arith.cmpi eq, %select_n3A_77, %eq3A_78 : i32
      %convert_element_type3A = arith.extui %eq3A_79 : i1 to i32
      %cond3A = arith.constant 0 : i32
      %cond3A_80 = arith.cmpi ne, %convert_element_type3A, %cond3A : i32
      scf.if %cond3A_80 {
        %dma_wait3A_118 = arith.constant 0 : i32
        %dma_wait3A_119 = arith.constant 0 : i32
        %dma_wait3A_120 = arith.constant 0 : i32
        %dma_wait3A_121 = tpu.memref_slice %arg20[%dma_wait3A_118, %dma_wait3A_119, %dma_wait3A_120] : memref<1296x8x128xf32, #tpu.memory_space<vmem_shared>> -> memref<1296x8x128xf32, #tpu.memory_space<vmem_shared>>
        tpu.wait_indirect_dma semaphore(%arg23 : memref<!tpu.dma_semaphore, #tpu.memory_space<semaphore_mem>>) src(%arg16 : memref<16x8x128xf32, #tpu.memory_space<vmem>>) dst(%dma_wait3A_121 : memref<1296x8x128xf32, #tpu.memory_space<vmem_shared>>)
        %get3A = arith.constant 0 : index
        %get3A_122 = tpu.vector_load %arg10[%get3A] {strides = array<i32>} : memref<64xi32, #tpu.memory_space<vmem>>, vector<16xi32>,
        %swap3A_123 = arith.constant 0 : index
        %swap3A_124 = tpu.vector_load %arg12[%swap3A_123] {strides = array<i32>} : memref<16xi32, #tpu.memory_space<vmem>>, vector<16xi32>,
        tpu.vector_store %arg12[%swap3A_123], %get3A_122 {strides = array<i32>} : memref<16xi32, #tpu.memory_space<vmem>>, vector<16xi32>,
        %get3A_125 = arith.constant 0 : index
        %get3A_126 = tpu.vector_load %arg11[%get3A_125] {strides = array<i32>} : memref<64xi32, #tpu.memory_space<vmem>>, vector<16xi32>,
        %swap3A_127 = arith.constant 0 : index
        %swap3A_128 = tpu.vector_load %arg13[%swap3A_127] {strides = array<i32>} : memref<16xi32, #tpu.memory_space<vmem>>, vector<16xi32>,
        tpu.vector_store %arg13[%swap3A_127], %get3A_126 {strides = array<i32>} : memref<16xi32, #tpu.memory_space<vmem>>, vector<16xi32>,
        %dma_wait3A_129 = arith.constant 0 : i32
        %dma_wait3A_130 = arith.constant 0 : i32
        %dma_wait3A_131 = arith.constant 0 : i32
        %dma_wait3A_132 = tpu.memref_slice %arg2[%dma_wait3A_129, %dma_wait3A_130, %dma_wait3A_131] : memref<10000x8x128xf32, #tpu.memory_space<hbm>> -> memref<10000x8x128xf32, #tpu.memory_space<hbm>>
        tpu.wait_indirect_dma semaphore(%arg22 : memref<!tpu.dma_semaphore, #tpu.memory_space<semaphore_mem>>) src(%dma_wait3A_132 : memref<10000x8x128xf32, #tpu.memory_space<hbm>>) dst(%arg17 : memref<16x8x128xf32, #tpu.memory_space<vmem>>)
        %dma_start3A_133 = arith.constant 0 : i32
        %dma_start3A_134 = arith.constant 0 : i32
        %dma_start3A_135 = arith.constant 0 : i32
        %dma_start3A_136 = tpu.memref_slice %arg2[%dma_start3A_133, %dma_start3A_134, %dma_start3A_135] : memref<10000x8x128xf32, #tpu.memory_space<hbm>> -> memref<10000x8x128xf32, #tpu.memory_space<hbm>>
        tpu.enqueue_indirect_dma source(%dma_start3A_136 : memref<10000x8x128xf32, #tpu.memory_space<hbm>>) target(%arg16 : memref<16x8x128xf32, #tpu.memory_space<vmem>>) offsets(%arg12 : memref<16xi32, #tpu.memory_space<vmem>>) semaphore(%arg22 : memref<!tpu.dma_semaphore, #tpu.memory_space<semaphore_mem>>)
        %dma_start3A_137 = arith.constant 0 : i32
        %dma_start3A_138 = arith.constant 0 : i32
        %dma_start3A_139 = arith.constant 0 : i32
        %dma_start3A_140 = tpu.memref_slice %arg20[%dma_start3A_137, %dma_start3A_138, %dma_start3A_139] : memref<1296x8x128xf32, #tpu.memory_space<vmem_shared>> -> memref<1296x8x128xf32, #tpu.memory_space<vmem_shared>>
        tpu.enqueue_indirect_dma source(%arg17 : memref<16x8x128xf32, #tpu.memory_space<vmem>>) target(%dma_start3A_140 : memref<1296x8x128xf32, #tpu.memory_space<vmem_shared>>) offsets(%arg15 : memref<16xi32, #tpu.memory_space<vmem>>) semaphore(%arg24 : memref<!tpu.dma_semaphore, #tpu.memory_space<semaphore_mem>>) {add = true}
      } else {
        %dma_wait3A_118 = arith.constant 0 : i32
        %dma_wait3A_119 = arith.constant 0 : i32
        %dma_wait3A_120 = arith.constant 0 : i32
        %dma_wait3A_121 = tpu.memref_slice %arg20[%dma_wait3A_118, %dma_wait3A_119, %dma_wait3A_120] : memref<1296x8x128xf32, #tpu.memory_space<vmem_shared>> -> memref<1296x8x128xf32, #tpu.memory_space<vmem_shared>>
        tpu.wait_indirect_dma semaphore(%arg24 : memref<!tpu.dma_semaphore, #tpu.memory_space<semaphore_mem>>) src(%arg17 : memref<16x8x128xf32, #tpu.memory_space<vmem>>) dst(%dma_wait3A_121 : memref<1296x8x128xf32, #tpu.memory_space<vmem_shared>>)
        %get3A = arith.constant 0 : index
        %get3A_122 = tpu.vector_load %arg10[%get3A] {strides = array<i32>} : memref<64xi32, #tpu.memory_space<vmem>>, vector<16xi32>,
        %swap3A_123 = arith.constant 0 : index
        %swap3A_124 = tpu.vector_load %arg14[%swap3A_123] {strides = array<i32>} : memref<16xi32, #tpu.memory_space<vmem>>, vector<16xi32>,
        tpu.vector_store %arg14[%swap3A_123], %get3A_122 {strides = array<i32>} : memref<16xi32, #tpu.memory_space<vmem>>, vector<16xi32>,
        %get3A_125 = arith.constant 0 : index
        %get3A_126 = tpu.vector_load %arg11[%get3A_125] {strides = array<i32>} : memref<64xi32, #tpu.memory_space<vmem>>, vector<16xi32>,
        %swap3A_127 = arith.constant 0 : index
        %swap3A_128 = tpu.vector_load %arg15[%swap3A_127] {strides = array<i32>} : memref<16xi32, #tpu.memory_space<vmem>>, vector<16xi32>,
        tpu.vector_store %arg15[%swap3A_127], %get3A_126 {strides = array<i32>} : memref<16xi32, #tpu.memory_space<vmem>>, vector<16xi32>,
        %dma_wait3A_129 = arith.constant 0 : i32
        %dma_wait3A_130 = arith.constant 0 : i32
        %dma_wait3A_131 = arith.constant 0 : i32
        %dma_wait3A_132 = tpu.memref_slice %arg2[%dma_wait3A_129, %dma_wait3A_130, %dma_wait3A_131] : memref<10000x8x128xf32, #tpu.memory_space<hbm>> -> memref<10000x8x128xf32, #tpu.memory_space<hbm>>
        tpu.wait_indirect_dma semaphore(%arg22 : memref<!tpu.dma_semaphore, #tpu.memory_space<semaphore_mem>>) src(%dma_wait3A_132 : memref<10000x8x128xf32, #tpu.memory_space<hbm>>) dst(%arg16 : memref<16x8x128xf32, #tpu.memory_space<vmem>>)
        %dma_start3A_133 = arith.constant 0 : i32
        %dma_start3A_134 = arith.constant 0 : i32
        %dma_start3A_135 = arith.constant 0 : i32
        %dma_start3A_136 = tpu.memref_slice %arg2[%dma_start3A_133, %dma_start3A_134, %dma_start3A_135] : memref<10000x8x128xf32, #tpu.memory_space<hbm>> -> memref<10000x8x128xf32, #tpu.memory_space<hbm>>
        tpu.enqueue_indirect_dma source(%dma_start3A_136 : memref<10000x8x128xf32, #tpu.memory_space<hbm>>) target(%arg17 : memref<16x8x128xf32, #tpu.memory_space<vmem>>) offsets(%arg14 : memref<16xi32, #tpu.memory_space<vmem>>) semaphore(%arg22 : memref<!tpu.dma_semaphore, #tpu.memory_space<semaphore_mem>>)
        %dma_start3A_137 = arith.constant 0 : i32
        %dma_start3A_138 = arith.constant 0 : i32
        %dma_start3A_139 = arith.constant 0 : i32
        %dma_start3A_140 = tpu.memref_slice %arg20[%dma_start3A_137, %dma_start3A_138, %dma_start3A_139] : memref<1296x8x128xf32, #tpu.memory_space<vmem_shared>> -> memref<1296x8x128xf32, #tpu.memory_space<vmem_shared>>
        tpu.enqueue_indirect_dma source(%arg16 : memref<16x8x128xf32, #tpu.memory_space<vmem>>) target(%dma_start3A_140 : memref<1296x8x128xf32, #tpu.memory_space<vmem_shared>>) offsets(%arg13 : memref<16xi32, #tpu.memory_space<vmem>>) semaphore(%arg23 : memref<!tpu.dma_semaphore, #tpu.memory_space<semaphore_mem>>) {add = true}
      }
      %jit3A_81 = arith.constant 2 : i32
      %eq3A_82 = arith.constant 0 : i32
      %eq3A_83 = arith.cmpi eq, %jit3A_81, %eq3A_82 : i32
      %jit3A_84 = arith.constant 1 : i32
      %select_n3A_85 = arith.select %eq3A_83, %jit3A_84, %jit3A_81 : i32
      %rem3A_86 = arith.remsi %scan3A_52#1, %select_n3A_85 : i32
      %ne3A_87 = arith.constant 0 : i32
      %ne3A_88 = arith.cmpi ne, %rem3A_86, %ne3A_87 : i32
      %lt3A_89 = arith.constant 0 : i32
      %lt3A_90 = arith.cmpi slt, %rem3A_86, %lt3A_89 : i32
      %lt3A_91 = arith.constant 0 : i32
      %lt3A_92 = arith.cmpi slt, %select_n3A_85, %lt3A_91 : i32
      %ne3A_93 = arith.xori %lt3A_90, %lt3A_92 : i1
      %and3A_94 = arith.andi %ne3A_93, %ne3A_88 : i1
      %add3A_95 = arith.addi %rem3A_86, %select_n3A_85 : i32
      %select_n3A_96 = arith.select %and3A_94, %add3A_95, %rem3A_86 : i32
      %eq3A_97 = arith.constant 0 : i32
      %eq3A_98 = arith.cmpi eq, %select_n3A_96, %eq3A_97 : i32
      %convert_element_type3A_99 = arith.extui %eq3A_98 : i1 to i32
      %cond3A_100 = arith.constant 0 : i32
      %cond3A_101 = arith.cmpi ne, %convert_element_type3A_99, %cond3A_100 : i32
      scf.if %cond3A_101 {
        %dma_wait3A_118 = arith.constant 0 : i32
        %dma_wait3A_119 = arith.constant 0 : i32
        %dma_wait3A_120 = arith.constant 0 : i32
        %dma_wait3A_121 = tpu.memref_slice %arg2[%dma_wait3A_118, %dma_wait3A_119, %dma_wait3A_120] : memref<10000x8x128xf32, #tpu.memory_space<hbm>> -> memref<10000x8x128xf32, #tpu.memory_space<hbm>>
        tpu.wait_indirect_dma semaphore(%arg22 : memref<!tpu.dma_semaphore, #tpu.memory_space<semaphore_mem>>) src(%dma_wait3A_121 : memref<10000x8x128xf32, #tpu.memory_space<hbm>>) dst(%arg16 : memref<16x8x128xf32, #tpu.memory_space<vmem>>)
        %dma_start3A_122 = arith.constant 0 : i32
        %dma_start3A_123 = arith.constant 0 : i32
        %dma_start3A_124 = arith.constant 0 : i32
        %dma_start3A_125 = tpu.memref_slice %arg20[%dma_start3A_122, %dma_start3A_123, %dma_start3A_124] : memref<1296x8x128xf32, #tpu.memory_space<vmem_shared>> -> memref<1296x8x128xf32, #tpu.memory_space<vmem_shared>>
        tpu.enqueue_indirect_dma source(%arg16 : memref<16x8x128xf32, #tpu.memory_space<vmem>>) target(%dma_start3A_125 : memref<1296x8x128xf32, #tpu.memory_space<vmem_shared>>) offsets(%arg13 : memref<16xi32, #tpu.memory_space<vmem>>) semaphore(%arg23 : memref<!tpu.dma_semaphore, #tpu.memory_space<semaphore_mem>>) {add = true}
      } else {
        %dma_wait3A_118 = arith.constant 0 : i32
        %dma_wait3A_119 = arith.constant 0 : i32
        %dma_wait3A_120 = arith.constant 0 : i32
        %dma_wait3A_121 = tpu.memref_slice %arg2[%dma_wait3A_118, %dma_wait3A_119, %dma_wait3A_120] : memref<10000x8x128xf32, #tpu.memory_space<hbm>> -> memref<10000x8x128xf32, #tpu.memory_space<hbm>>
        tpu.wait_indirect_dma semaphore(%arg22 : memref<!tpu.dma_semaphore, #tpu.memory_space<semaphore_mem>>) src(%dma_wait3A_121 : memref<10000x8x128xf32, #tpu.memory_space<hbm>>) dst(%arg17 : memref<16x8x128xf32, #tpu.memory_space<vmem>>)
        %dma_start3A_122 = arith.constant 0 : i32
        %dma_start3A_123 = arith.constant 0 : i32
        %dma_start3A_124 = arith.constant 0 : i32
        %dma_start3A_125 = tpu.memref_slice %arg20[%dma_start3A_122, %dma_start3A_123, %dma_start3A_124] : memref<1296x8x128xf32, #tpu.memory_space<vmem_shared>> -> memref<1296x8x128xf32, #tpu.memory_space<vmem_shared>>
        tpu.enqueue_indirect_dma source(%arg17 : memref<16x8x128xf32, #tpu.memory_space<vmem>>) target(%dma_start3A_125 : memref<1296x8x128xf32, #tpu.memory_space<vmem_shared>>) offsets(%arg15 : memref<16xi32, #tpu.memory_space<vmem>>) semaphore(%arg24 : memref<!tpu.dma_semaphore, #tpu.memory_space<semaphore_mem>>) {add = true}
      }
      %dma_wait3A_102 = arith.constant 0 : i32
      %dma_wait3A_103 = arith.constant 0 : i32
      %dma_wait3A_104 = arith.constant 0 : i32
      %dma_wait3A_105 = tpu.memref_slice %arg20[%dma_wait3A_102, %dma_wait3A_103, %dma_wait3A_104] : memref<1296x8x128xf32, #tpu.memory_space<vmem_shared>> -> memref<1296x8x128xf32, #tpu.memory_space<vmem_shared>>
      tpu.wait_indirect_dma semaphore(%arg23 : memref<!tpu.dma_semaphore, #tpu.memory_space<semaphore_mem>>) src(%arg16 : memref<16x8x128xf32, #tpu.memory_space<vmem>>) dst(%dma_wait3A_105 : memref<1296x8x128xf32, #tpu.memory_space<vmem_shared>>)
      %dma_wait3A_106 = arith.constant 0 : i32
      %dma_wait3A_107 = arith.constant 0 : i32
      %dma_wait3A_108 = arith.constant 0 : i32
      %dma_wait3A_109 = tpu.memref_slice %arg20[%dma_wait3A_106, %dma_wait3A_107, %dma_wait3A_108] : memref<1296x8x128xf32, #tpu.memory_space<vmem_shared>> -> memref<1296x8x128xf32, #tpu.memory_space<vmem_shared>>
      tpu.wait_indirect_dma semaphore(%arg24 : memref<!tpu.dma_semaphore, #tpu.memory_space<semaphore_mem>>) src(%arg17 : memref<16x8x128xf32, #tpu.memory_space<vmem>>) dst(%dma_wait3A_109 : memref<1296x8x128xf32, #tpu.memory_space<vmem_shared>>)
      %barrier3A_110 = arith.constant 0 : index
      tpu.barrier barrier_id(%barrier3A_110)
      %mul3A_111 = arith.constant 80 : i32
      %mul3A_112 = arith.muli %arg1, %mul3A_111 : i32
      %mul3A_113 = arith.constant 80 : i32
      %mul3A_114 = arith.muli %arg1, %mul3A_113 : i32
      %add3A_115 = arith.addi %add3A, %mul3A_114 : i32
      "tpu.region"() ({
        %run_scoped3A = tpu.sem_alloc : memref<!tpu.dma_semaphore, #tpu.memory_space<semaphore_mem>>
        %dma_start3A_118 = arith.constant 0 : i32
        %dma_start3A_119 = arith.constant 0 : i32
        %dma_start3A_120 = tpu.memref_slice %arg5[%add3A_115, %dma_start3A_118, %dma_start3A_119] : memref<10240x8x128xf32, #tpu.memory_space<hbm>> -> memref<80x8x128xf32, #tpu.memory_space<hbm>>
        %dma_start3A_121 = arith.constant 0 : i32
        %dma_start3A_122 = arith.constant 0 : i32
        %dma_start3A_123 = tpu.memref_slice %arg20[%mul3A_112, %dma_start3A_121, %dma_start3A_122] : memref<1296x8x128xf32, #tpu.memory_space<vmem_shared>> -> memref<80x8x128xf32, #tpu.memory_space<vmem_shared>>
        tpu.enqueue_dma source(%dma_start3A_123 : memref<80x8x128xf32, #tpu.memory_space<vmem_shared>>) target(%dma_start3A_120 : memref<80x8x128xf32, #tpu.memory_space<hbm>>) target_semaphore(%run_scoped3A : memref<!tpu.dma_semaphore, #tpu.memory_space<semaphore_mem>>)
        %dma_wait3A_124 = arith.constant 0 : i32
        %dma_wait3A_125 = arith.constant 0 : i32
        %dma_wait3A_126 = tpu.memref_slice %arg5[%add3A_115, %dma_wait3A_124, %dma_wait3A_125] : memref<10240x8x128xf32, #tpu.memory_space<hbm>> -> memref<80x8x128xf32, #tpu.memory_space<hbm>>
        %dma_wait3A_127 = arith.constant 0 : i32
        %dma_wait3A_128 = arith.constant 0 : i32
        %dma_wait3A_129 = tpu.memref_slice %arg20[%mul3A_112, %dma_wait3A_127, %dma_wait3A_128] : memref<1296x8x128xf32, #tpu.memory_space<vmem_shared>> -> memref<80x8x128xf32, #tpu.memory_space<vmem_shared>>
        tpu.wait_dma2 semaphore(%run_scoped3A : memref<!tpu.dma_semaphore, #tpu.memory_space<semaphore_mem>>) src(%dma_wait3A_129 : memref<80x8x128xf32, #tpu.memory_space<vmem_shared>>) dst(%dma_wait3A_126 : memref<80x8x128xf32, #tpu.memory_space<hbm>>)
        tpu.yield
      }) : () -> ()
      %barrier3A_116 = arith.constant 0 : index
      tpu.barrier barrier_id(%barrier3A_116)
      %scan3A_117 = arith.constant 0 : i32
      scf.yield %scan3A_117 : i32
    }
    %scan3A_13 = arith.constant 4 : i32
    return
  }
}

module attributes {stable_mosaic.version = 14 : i64} {
  func.func @_tc1_body(%arg0: i32, %arg1: memref<400x256xf32, #tpu.memory_space<vmem>>, %arg2: memref<400x128xf32, #tpu.memory_space<vmem>>, %arg3: memref<128x1024xf32, #tpu.memory_space<vmem>>, %arg4: memref<1x1024xf32, #tpu.memory_space<vmem>>, %arg5: memref<128x1024xf32, #tpu.memory_space<vmem>>, %arg6: memref<400x1024xf32, #tpu.memory_space<vmem>>) attributes {dimension_semantics = [#tpu.dimension_semantics<arbitrary>], iteration_bounds = array<i64: 25>, scalar_prefetch = 0 : i64, scratch_operands = 0 : i64, tpu.core_type = #tpu.core_type<tc>, window_params = [{transform_indices = @transform_0, window_bounds = array<i64: 400, 256>}, {transform_indices = @transform_1, window_bounds = array<i64: 400, 128>}, {pipeline_mode = #tpu.pipeline_mode<synchronous>, transform_indices = @transform_2, window_bounds = array<i64: 128, 1024>}, {pipeline_mode = #tpu.pipeline_mode<synchronous>, transform_indices = @transform_3, window_bounds = array<i64: 1, 1024>}, {pipeline_mode = #tpu.pipeline_mode<synchronous>, transform_indices = @transform_4, window_bounds = array<i64: 128, 1024>}, {transform_indices = @transform_5, window_bounds = array<i64: 400, 1024>}]} {
    %get3A = arith.constant 0 : index
    %get3A_0 = arith.constant 0 : index
    %get3A_1 = vector.load %arg1[%get3A, %get3A_0] : memref<400x256xf32, #tpu.memory_space<vmem>>, vector<400x256xf32>
    %slice3A = vector.extract_strided_slice %get3A_1 {offsets = [0, 128], sizes = [400, 1], strides = [1, 1]} : vector<400x256xf32> to vector<400x1xf32>
    %max3A = arith.constant 1.000000e+00 : f32
    %max3A_2 = vector.broadcast %max3A : f32 to vector<400x1xf32>
    %max3A_3 = arith.maximumf %slice3A, %max3A_2 : vector<400x1xf32>
    %div3A = arith.constant 1.000000e+00 : f32
    %div3A_4 = vector.broadcast %div3A : f32 to vector<400x1xf32>
    %div3A_5 = arith.divf %div3A_4, %max3A_3 : vector<400x1xf32>
    %slice3A_6 = vector.extract_strided_slice %get3A_1 {offsets = [0, 0], sizes = [400, 128], strides = [1, 1]} : vector<400x256xf32> to vector<400x128xf32>
    %mul3A = vector.broadcast %div3A_5 : vector<400x1xf32> to vector<400x128xf32>
    %mul3A_7 = arith.mulf %slice3A_6, %mul3A : vector<400x128xf32>
    %get3A_8 = arith.constant 0 : index
    %get3A_9 = arith.constant 0 : index
    %get3A_10 = vector.load %arg3[%get3A_8, %get3A_9] : memref<128x1024xf32, #tpu.memory_space<vmem>>, vector<128x1024xf32>
    %convert_element_type3A = arith.truncf %mul3A_7 : vector<400x128xf32> to vector<400x128xbf16>
    %convert_element_type3A_11 = arith.truncf %get3A_10 : vector<128x1024xf32> to vector<128x1024xbf16>
    %dot_general3A = arith.constant dense<0.000000e+00> : vector<400x1024xf32>
    %dot_general3A_12 = tpu.matmul %convert_element_type3A, %convert_element_type3A_11, %dot_general3A {dimension_numbers = #tpu.dot_dimension_numbers<[1], [0], [0], [1], [0, 0, 1, 1], [], []>, transpose_lhs_hint = false} : vector<400x128xbf16>, vector<128x1024xbf16>, vector<400x1024xf32> -> vector<400x1024xf32>
    %get3A_13 = arith.constant 0 : index
    %get3A_14 = arith.constant 0 : index
    %get3A_15 = vector.load %arg4[%get3A_13, %get3A_14] : memref<1x1024xf32, #tpu.memory_space<vmem>>, vector<1x1024xf32>
    %add3A = vector.broadcast %get3A_15 : vector<1x1024xf32> to vector<400x1024xf32>
    %add3A_16 = arith.addf %dot_general3A_12, %add3A : vector<400x1024xf32>
    %get3A_17 = arith.constant 0 : index
    %get3A_18 = arith.constant 0 : index
    %get3A_19 = vector.load %arg2[%get3A_17, %get3A_18] : memref<400x128xf32, #tpu.memory_space<vmem>>, vector<400x128xf32>
    %get3A_20 = arith.constant 0 : index
    %get3A_21 = arith.constant 0 : index
    %get3A_22 = vector.load %arg5[%get3A_20, %get3A_21] : memref<128x1024xf32, #tpu.memory_space<vmem>>, vector<128x1024xf32>
    %convert_element_type3A_23 = arith.truncf %get3A_19 : vector<400x128xf32> to vector<400x128xbf16>
    %convert_element_type3A_24 = arith.truncf %get3A_22 : vector<128x1024xf32> to vector<128x1024xbf16>
    %dot_general3A_25 = arith.constant dense<0.000000e+00> : vector<400x1024xf32>
    %dot_general3A_26 = tpu.matmul %convert_element_type3A_23, %convert_element_type3A_24, %dot_general3A_25 {dimension_numbers = #tpu.dot_dimension_numbers<[1], [0], [0], [1], [0, 0, 1, 1], [], []>, transpose_lhs_hint = false} : vector<400x128xbf16>, vector<128x1024xbf16>, vector<400x1024xf32> -> vector<400x1024xf32>
    %add3A_27 = arith.addf %add3A_16, %dot_general3A_26 : vector<400x1024xf32>
    %gt3A = arith.constant 0.000000e+00 : f32
    %gt3A_28 = vector.broadcast %gt3A : f32 to vector<400x1024xf32>
    %gt3A_29 = arith.cmpf ogt, %add3A_27, %gt3A_28 : vector<400x1024xf32>
    %min3A = arith.constant 0.000000e+00 : f32
    %min3A_30 = vector.broadcast %min3A : f32 to vector<400x1024xf32>
    %min3A_31 = arith.minimumf %add3A_27, %min3A_30 : vector<400x1024xf32>
    %exp3A = math.exp %min3A_31 : vector<400x1024xf32>
    %sub3A = arith.constant 1.000000e+00 : f32
    %sub3A_32 = vector.broadcast %sub3A : f32 to vector<400x1024xf32>
    %sub3A_33 = arith.subf %exp3A, %sub3A_32 : vector<400x1024xf32>
    %select_n3A = arith.select %gt3A_29, %add3A_27, %sub3A_33 : vector<400x1024xi1>, vector<400x1024xf32>
    %swap3A = arith.constant 0 : index
    %swap3A_34 = arith.constant 0 : index
    %swap3A_35 = vector.load %arg6[%swap3A, %swap3A_34] : memref<400x1024xf32, #tpu.memory_space<vmem>>, vector<400x1024xf32>
    tpu.vector_store %arg6[%swap3A, %swap3A_34], %select_n3A {strides = array<i32>} : memref<400x1024xf32, #tpu.memory_space<vmem>>, vector<400x1024xf32>,
    return
  }
  func.func @transform_0(%arg0: i32) -> (i32, i32) {
    %c0_i32 = arith.constant 0 : i32
    %c0_i32_0 = arith.constant 0 : i32
    return %arg0, %c0_i32 : i32, i32
  }
  func.func @transform_1(%arg0: i32) -> (i32, i32) {
    %c0_i32 = arith.constant 0 : i32
    %c0_i32_0 = arith.constant 0 : i32
    return %arg0, %c0_i32 : i32, i32
  }
  func.func @transform_2(%arg0: i32) -> (i32, i32) {
    %c0_i32 = arith.constant 0 : i32
    %c0_i32_0 = arith.constant 0 : i32
    %c0_i32_1 = arith.constant 0 : i32
    return %c0_i32, %c0_i32_0 : i32, i32
  }
  func.func @transform_3(%arg0: i32) -> (i32, i32) {
    %c0_i32 = arith.constant 0 : i32
    %c0_i32_0 = arith.constant 0 : i32
    %c0_i32_1 = arith.constant 0 : i32
    return %c0_i32, %c0_i32_0 : i32, i32
  }
  func.func @transform_4(%arg0: i32) -> (i32, i32) {
    %c0_i32 = arith.constant 0 : i32
    %c0_i32_0 = arith.constant 0 : i32
    %c0_i32_1 = arith.constant 0 : i32
    return %c0_i32, %c0_i32_0 : i32, i32
  }
  func.func @transform_5(%arg0: i32) -> (i32, i32) {
    %c0_i32 = arith.constant 0 : i32
    %c0_i32_0 = arith.constant 0 : i32
    return %arg0, %c0_i32 : i32, i32
  }
}

module attributes {stable_mosaic.version = 14 : i64} {
  func.func @_tc2_body(%arg0: i32, %arg1: memref<400x1024xf32, #tpu.memory_space<vmem>>, %arg2: memref<400x256xf32, #tpu.memory_space<vmem>>, %arg3: memref<400x1024xf32, #tpu.memory_space<vmem>>, %arg4: memref<1024x1024xf32, #tpu.memory_space<vmem>>, %arg5: memref<1x1024xf32, #tpu.memory_space<vmem>>, %arg6: memref<1024x1024xf32, #tpu.memory_space<vmem>>, %arg7: memref<1024x256xf32, #tpu.memory_space<vmem>>, %arg8: memref<1x256xf32, #tpu.memory_space<vmem>>, %arg9: memref<400x256xf32, #tpu.memory_space<vmem>>) attributes {dimension_semantics = [#tpu.dimension_semantics<arbitrary>], iteration_bounds = array<i64: 25>, scalar_prefetch = 0 : i64, scratch_operands = 0 : i64, tpu.core_type = #tpu.core_type<tc>, window_params = [{transform_indices = @transform_0, window_bounds = array<i64: 400, 1024>}, {transform_indices = @transform_1, window_bounds = array<i64: 400, 256>}, {transform_indices = @transform_2, window_bounds = array<i64: 400, 1024>}, {pipeline_mode = #tpu.pipeline_mode<synchronous>, transform_indices = @transform_3, window_bounds = array<i64: 1024, 1024>}, {pipeline_mode = #tpu.pipeline_mode<synchronous>, transform_indices = @transform_4, window_bounds = array<i64: 1, 1024>}, {pipeline_mode = #tpu.pipeline_mode<synchronous>, transform_indices = @transform_5, window_bounds = array<i64: 1024, 1024>}, {pipeline_mode = #tpu.pipeline_mode<synchronous>, transform_indices = @transform_6, window_bounds = array<i64: 1024, 256>}, {pipeline_mode = #tpu.pipeline_mode<synchronous>, transform_indices = @transform_7, window_bounds = array<i64: 1, 256>}, {transform_indices = @transform_8, window_bounds = array<i64: 400, 256>}]} {
    %get3A = arith.constant 0 : index
    %get3A_0 = arith.constant 128 : index
    %get3A_1 = vector.load %arg2[%get3A, %get3A_0] : memref<400x256xf32, #tpu.memory_space<vmem>>, vector<400x1xf32>
    %max3A = arith.constant 1.000000e+00 : f32
    %max3A_2 = vector.broadcast %max3A : f32 to vector<400x1xf32>
    %max3A_3 = arith.maximumf %get3A_1, %max3A_2 : vector<400x1xf32>
    %div3A = arith.constant 1.000000e+00 : f32
    %div3A_4 = vector.broadcast %div3A : f32 to vector<400x1xf32>
    %div3A_5 = arith.divf %div3A_4, %max3A_3 : vector<400x1xf32>
    %get3A_6 = arith.constant 0 : index
    %get3A_7 = arith.constant 0 : index
    %get3A_8 = vector.load %arg1[%get3A_6, %get3A_7] : memref<400x1024xf32, #tpu.memory_space<vmem>>, vector<400x1024xf32>
    %mul3A = vector.broadcast %div3A_5 : vector<400x1xf32> to vector<400x1024xf32>
    %mul3A_9 = arith.mulf %get3A_8, %mul3A : vector<400x1024xf32>
    %get3A_10 = arith.constant 0 : index
    %get3A_11 = arith.constant 0 : index
    %get3A_12 = vector.load %arg4[%get3A_10, %get3A_11] : memref<1024x1024xf32, #tpu.memory_space<vmem>>, vector<1024x1024xf32>
    %convert_element_type3A = arith.truncf %mul3A_9 : vector<400x1024xf32> to vector<400x1024xbf16>
    %convert_element_type3A_13 = arith.truncf %get3A_12 : vector<1024x1024xf32> to vector<1024x1024xbf16>
    %dot_general3A = arith.constant dense<0.000000e+00> : vector<400x1024xf32>
    %dot_general3A_14 = tpu.matmul %convert_element_type3A, %convert_element_type3A_13, %dot_general3A {dimension_numbers = #tpu.dot_dimension_numbers<[1], [0], [0], [1], [0, 0, 1, 1], [], []>, transpose_lhs_hint = false} : vector<400x1024xbf16>, vector<1024x1024xbf16>, vector<400x1024xf32> -> vector<400x1024xf32>
    %get3A_15 = arith.constant 0 : index
    %get3A_16 = arith.constant 0 : index
    %get3A_17 = vector.load %arg5[%get3A_15, %get3A_16] : memref<1x1024xf32, #tpu.memory_space<vmem>>, vector<1x1024xf32>
    %add3A = vector.broadcast %get3A_17 : vector<1x1024xf32> to vector<400x1024xf32>
    %add3A_18 = arith.addf %dot_general3A_14, %add3A : vector<400x1024xf32>
    %get3A_19 = arith.constant 0 : index
    %get3A_20 = arith.constant 0 : index
    %get3A_21 = vector.load %arg3[%get3A_19, %get3A_20] : memref<400x1024xf32, #tpu.memory_space<vmem>>, vector<400x1024xf32>
    %get3A_22 = arith.constant 0 : index
    %get3A_23 = arith.constant 0 : index
    %get3A_24 = vector.load %arg6[%get3A_22, %get3A_23] : memref<1024x1024xf32, #tpu.memory_space<vmem>>, vector<1024x1024xf32>
    %convert_element_type3A_25 = arith.truncf %get3A_21 : vector<400x1024xf32> to vector<400x1024xbf16>
    %convert_element_type3A_26 = arith.truncf %get3A_24 : vector<1024x1024xf32> to vector<1024x1024xbf16>
    %dot_general3A_27 = arith.constant dense<0.000000e+00> : vector<400x1024xf32>
    %dot_general3A_28 = tpu.matmul %convert_element_type3A_25, %convert_element_type3A_26, %dot_general3A_27 {dimension_numbers = #tpu.dot_dimension_numbers<[1], [0], [0], [1], [0, 0, 1, 1], [], []>, transpose_lhs_hint = false} : vector<400x1024xbf16>, vector<1024x1024xbf16>, vector<400x1024xf32> -> vector<400x1024xf32>
    %add3A_29 = arith.addf %add3A_18, %dot_general3A_28 : vector<400x1024xf32>
    %gt3A = arith.constant 0.000000e+00 : f32
    %gt3A_30 = vector.broadcast %gt3A : f32 to vector<400x1024xf32>
    %gt3A_31 = arith.cmpf ogt, %add3A_29, %gt3A_30 : vector<400x1024xf32>
    %min3A = arith.constant 0.000000e+00 : f32
    %min3A_32 = vector.broadcast %min3A : f32 to vector<400x1024xf32>
    %min3A_33 = arith.minimumf %add3A_29, %min3A_32 : vector<400x1024xf32>
    %exp3A = math.exp %min3A_33 : vector<400x1024xf32>
    %sub3A = arith.constant 1.000000e+00 : f32
    %sub3A_34 = vector.broadcast %sub3A : f32 to vector<400x1024xf32>
    %sub3A_35 = arith.subf %exp3A, %sub3A_34 : vector<400x1024xf32>
    %select_n3A = arith.select %gt3A_31, %add3A_29, %sub3A_35 : vector<400x1024xi1>, vector<400x1024xf32>
    %get3A_36 = arith.constant 0 : index
    %get3A_37 = arith.constant 0 : index
    %get3A_38 = vector.load %arg7[%get3A_36, %get3A_37] : memref<1024x256xf32, #tpu.memory_space<vmem>>, vector<1024x256xf32>
    %convert_element_type3A_39 = arith.truncf %select_n3A : vector<400x1024xf32> to vector<400x1024xbf16>
    %convert_element_type3A_40 = arith.truncf %get3A_38 : vector<1024x256xf32> to vector<1024x256xbf16>
    %dot_general3A_41 = arith.constant dense<0.000000e+00> : vector<400x256xf32>
    %dot_general3A_42 = tpu.matmul %convert_element_type3A_39, %convert_element_type3A_40, %dot_general3A_41 {dimension_numbers = #tpu.dot_dimension_numbers<[1], [0], [0], [1], [0, 0, 1, 1], [], []>, transpose_lhs_hint = false} : vector<400x1024xbf16>, vector<1024x256xbf16>, vector<400x256xf32> -> vector<400x256xf32>
    %get3A_43 = arith.constant 0 : index
    %get3A_44 = arith.constant 0 : index
    %get3A_45 = vector.load %arg8[%get3A_43, %get3A_44] : memref<1x256xf32, #tpu.memory_space<vmem>>, vector<1x256xf32>
    %add3A_46 = vector.broadcast %get3A_45 : vector<1x256xf32> to vector<400x256xf32>
    %add3A_47 = arith.addf %dot_general3A_42, %add3A_46 : vector<400x256xf32>
    %swap3A = arith.constant 0 : index
    %swap3A_48 = arith.constant 0 : index
    %swap3A_49 = vector.load %arg9[%swap3A, %swap3A_48] : memref<400x256xf32, #tpu.memory_space<vmem>>, vector<400x256xf32>
    tpu.vector_store %arg9[%swap3A, %swap3A_48], %add3A_47 {strides = array<i32>} : memref<400x256xf32, #tpu.memory_space<vmem>>, vector<400x256xf32>,
    return
  }
  func.func @transform_0(%arg0: i32) -> (i32, i32) {
    %c0_i32 = arith.constant 0 : i32
    %c0_i32_0 = arith.constant 0 : i32
    return %arg0, %c0_i32 : i32, i32
  }
  func.func @transform_1(%arg0: i32) -> (i32, i32) {
    %c0_i32 = arith.constant 0 : i32
    %c0_i32_0 = arith.constant 0 : i32
    return %arg0, %c0_i32 : i32, i32
  }
  func.func @transform_2(%arg0: i32) -> (i32, i32) {
    %c0_i32 = arith.constant 0 : i32
    %c0_i32_0 = arith.constant 0 : i32
    return %arg0, %c0_i32 : i32, i32
  }
  func.func @transform_3(%arg0: i32) -> (i32, i32) {
    %c0_i32 = arith.constant 0 : i32
    %c0_i32_0 = arith.constant 0 : i32
    %c0_i32_1 = arith.constant 0 : i32
    return %c0_i32, %c0_i32_0 : i32, i32
  }
  func.func @transform_4(%arg0: i32) -> (i32, i32) {
    %c0_i32 = arith.constant 0 : i32
    %c0_i32_0 = arith.constant 0 : i32
    %c0_i32_1 = arith.constant 0 : i32
    return %c0_i32, %c0_i32_0 : i32, i32
  }
  func.func @transform_5(%arg0: i32) -> (i32, i32) {
    %c0_i32 = arith.constant 0 : i32
    %c0_i32_0 = arith.constant 0 : i32
    %c0_i32_1 = arith.constant 0 : i32
    return %c0_i32, %c0_i32_0 : i32, i32
  }
  func.func @transform_6(%arg0: i32) -> (i32, i32) {
    %c0_i32 = arith.constant 0 : i32
    %c0_i32_0 = arith.constant 0 : i32
    %c0_i32_1 = arith.constant 0 : i32
    return %c0_i32, %c0_i32_0 : i32, i32
  }
  func.func @transform_7(%arg0: i32) -> (i32, i32) {
    %c0_i32 = arith.constant 0 : i32
    %c0_i32_0 = arith.constant 0 : i32
    %c0_i32_1 = arith.constant 0 : i32
    return %c0_i32, %c0_i32_0 : i32, i32
  }
  func.func @transform_8(%arg0: i32) -> (i32, i32) {
    %c0_i32 = arith.constant 0 : i32
    %c0_i32_0 = arith.constant 0 : i32
    return %arg0, %c0_i32 : i32, i32
  }
}

</mosaic_0001>

<sc_bundles>
// kernel: kernel.6.cloned.1.call-start
scs
__scs_entry_jumppad:
0x0: {  	(pc) =	sbr.rel $0x88, $3  }
0x1: {  	(tag) =	ssettag $0x0;
	lr =	simm.s32 $0x1  }
0x2: {  	[smem:$0x3F97] =	sst lr;
	_ =	strace $0xD0000000  }
0x3: {  	_ = 	snop  }
0x4: {  	_ = 	snop  }
0x5: {  	_ = 	snop  }
0x6: {  	_ = 	snop  }
0x7: {  	_ = 	snop  }
__scs_overlays_trampoline_lowered:
0x8: {  	[smem:$0x3FA6] =	sst s0  }
0x9: {  	[smem:$0x3FA7] =	sst s1  }
0xa: {  	[smem:$0x3FA8] =	sst s2  }
0xb: {  	[smem:$0x3FA9] =	sst s3  }
0xc: {  	[smem:$0x3FAA] =	sst s4  }
0xd: {  	[smem:$0x3FAB] =	sst s5  }
0xe: {  	[smem:$0x3FAC] =	sst s6  }
0xf: {  	[smem:$0x3FAD] =	sst s7  }
0x10: {  	[smem:$0x3FAE] =	sst s8  }
0x11: {  	[smem:$0x3FAF] =	sst s9;
	s0 =	simm.s32 @!p0 $0x0  }
0x12: {  	s1 =	sld [smem:$0x3F95];
	s0 =	simm.s32 @p0 $0x1  }
0x13: {  	[smem:$0x3FB0] =	sst s0;
	s0 =	simm.s32 @!p1 $0x0  }
0x14: {  	s2 =	sld [smem:$0x3F94];
	s0 =	simm.s32 @p1 $0x1  }
0x15: {  	[smem:$0x3FB1] =	sst s0;
	s0 =	simm.s32 @!p2 $0x0  }
0x16: {  	s3 =	sld [smem:$0x3FDB];
	s0 =	simm.s32 @p2 $0x1  }
0x17: {  	s4 =	simm.s32 $0x1BF5;
	[smem:$0x3FB3] =	sst s0  }
0x18: {  	s0 =	sld [smem:$0x3F96];
	_ =	swait.ge [sflag:s4], $0x0  }
0x19: {  	s7 =	sld [smem:$0x3F97]  }
0x1a: {  	s8 =	sadd.s32 $0xFFFFE003, lr  }
0x1b: {  	s9 =	sadd.s32 $0xFFFFFEF7, lr;
	s5 =	simm.s32 $0xFFFFFFFF;
	p2 =	slt.u32 s8, $0xFFFFF086  }
0x1c: {  	p1 =	slt.u32 s9, $0xF7A;
	s5 =	simm.s32 @!p2 $0x0  }
0x1d: {  	s5 =	simm.s32 @p1 $0x1;
	p0 =	seq.s32 s7, s2  }
0x1e: {  	s7 =	smul.u32 @!p0 $0xF7A, s2;
	p2 =	seq.s32 @!p0 s5, $0x0  }
0x1f: {  	s9 =	smul.u32 $0xF7A, s1;
	s8 =	simm.s32 @!p0 $0x1BF5;
	p2 =	por !p2, p0  }
0x20: {  	[sflag:s8] =	ssyncset.s32 @!p0 $0xFFFFF086;
	s6 =	sadd.s32 @!p0 s3, s7;
	s7 =	simm.s32 @!p0 $0x108  }
0x21: {  	s3 =	sadd.s32 s3, s9;
	s6 =	sadd.s32 @!p0 $0x88, s6;
	s7 =	simm.s32 @p2 $0x1082  }
0x22: {  	[simem:s7], [sflag:s8] =	dma.local @!p0 [hbm:s6], $0xF7A  }
0x23: {  	s9 =	sor.u32 $0xD0000000, s2;
	s6 =	simm.s32 $0x108;
	_ =	swait.ge @!p0 [sflag:s8], $0x0  }
0x24: {  	s3 =	sadd.s32 $0x88, s3;
	s6 =	simm.s32 @!p1 $0x1082;
	[sflag:s4] =	ssyncset.s32 $0xFFFFF086  }
0x25: {  	[simem:s6], [sflag:s4] =	dma.local [hbm:s3], $0xF7A  }
0x26: {  	[smem:$0x3F97] =	sst s1;
	(tag) =	ssettag s2;
	_ =	strace s9  }
0x27: {  	s1 =	sld [smem:$0x3FA7]  }
0x28: {  	s2 =	sld [smem:$0x3FA8]  }
0x29: {  	s4 =	sld [smem:$0x3FAA]  }
0x2a: {  	p0 =	seq.s32 s5, $0x0;
	s5 =	sld [smem:$0x3FAB]  }
0x2b: {  	s6 =	sld [smem:$0x3FAC]  }
0x2c: {  	s7 =	sld [smem:$0x3FAD]  }
0x2d: {  	s3 =	simm.s32 $0x108;
	s8 =	sld [smem:$0x3FAE]  }
0x2e: {  	s3 =	simm.s32 @!p0 $0x1082;
	s9 =	sld [smem:$0x3FAF]  }
0x2f: {  	lr =	sadd.s32 s0, s3;
	s0 =	sld [smem:$0x3FA6]  }
0x30: {  	s3 =	sld [smem:$0x3FA9]  }
0x31: {  	[smem:$0x3FB2] =	sst s10  }
0x32: {  	s10 =	sld [smem:$0x3FB0];
	_ =	sdelay $0x3  }
0x33: {  	p0 =	seq.s32 s10, $0x1;
	s10 =	sld [smem:$0x3FB2];
	_ =	sdelay $0x3  }
0x34: {  	[smem:$0x3FB2] =	sst s10  }
0x35: {  	s10 =	sld [smem:$0x3FB1];
	_ =	sdelay $0x3  }
0x36: {  	p1 =	seq.s32 s10, $0x1;
	s10 =	sld [smem:$0x3FB2];
	_ =	sdelay $0x3  }
0x37: {  	[smem:$0x3FB2] =	sst s10  }
0x38: {  	s10 =	sld [smem:$0x3FB3]  }
0x39: {  	_ = 	snop;
	(pc) =	sbr.ind lr, $3  }
0x3a: {  	_ = 	snop  }
0x3b: {  	_ = 	snop  }
0x3c: {  	p2 =	seq.s32 s10, $0x1;
	s10 =	sld [smem:$0x3FB2]  }
0x3d: {  	_ =	shalt  }
0x3e: {  	_ =	shalt  }
0x3f: {  	_ =	shalt  }
0x40: {  	_ =	shalt  }
0x41: {  	_ =	shalt  }
0x42: {  	_ =	shalt  }
0x43: {  	_ =	shalt  }
0x44: {  	_ =	shalt  }
0x45: {  	_ =	shalt  }
0x46: {  	_ =	shalt  }
0x47: {  	_ =	shalt  }
0x48: {  	_ =	shalt  }
0x49: {  	_ =	shalt  }
0x4a: {  	_ =	shalt  }
0x4b: {  	_ =	shalt  }
0x4c: {  	_ =	shalt  }
0x4d: {  	_ =	shalt  }
0x4e: {  	_ =	shalt  }
0x4f: {  	_ =	shalt  }
0x50: {  	_ =	shalt  }
0x51: {  	_ =	shalt  }
0x52: {  	_ =	shalt  }
0x53: {  	_ =	shalt  }
0x54: {  	_ =	shalt  }
0x55: {  	_ =	shalt  }
0x56: {  	_ =	shalt  }
0x57: {  	_ =	shalt  }
0x58: {  	_ =	shalt  }
0x59: {  	_ =	shalt  }
0x5a: {  	_ =	shalt  }
0x5b: {  	_ =	shalt  }
0x5c: {  	_ =	shalt  }
0x5d: {  	_ =	shalt  }
0x5e: {  	_ =	shalt  }
0x5f: {  	_ =	shalt  }
0x60: {  	_ =	shalt  }
0x61: {  	_ =	shalt  }
0x62: {  	_ =	shalt  }
0x63: {  	_ =	shalt  }
0x64: {  	_ =	shalt  }
0x65: {  	_ =	shalt  }
0x66: {  	_ =	shalt  }
0x67: {  	_ =	shalt  }
0x68: {  	_ =	shalt  }
0x69: {  	_ =	shalt  }
0x6a: {  	_ =	shalt  }
0x6b: {  	_ =	shalt  }
0x6c: {  	_ =	shalt  }
0x6d: {  	_ =	shalt  }
0x6e: {  	_ =	shalt  }
0x6f: {  	_ =	shalt  }
0x70: {  	_ =	shalt  }
0x71: {  	_ =	shalt  }
0x72: {  	_ =	shalt  }
0x73: {  	_ =	shalt  }
0x74: {  	_ =	shalt  }
0x75: {  	_ =	shalt  }
0x76: {  	_ =	shalt  }
0x77: {  	_ =	shalt  }
0x78: {  	_ =	shalt  }
0x79: {  	_ =	shalt  }
0x7a: {  	_ =	shalt  }
0x7b: {  	_ =	shalt  }
0x7c: {  	_ =	shalt  }
0x7d: {  	_ =	shalt  }
0x7e: {  	_ =	shalt  }
0x7f: {  	_ =	shalt  }
0x80: {  	_ =	shalt  }
0x81: {  	_ =	shalt  }
0x82: {  	_ =	shalt  }
0x83: {  	_ =	shalt  }
0x84: {  	_ =	shalt  }
0x85: {  	_ =	shalt  }
0x86: {  	_ =	shalt  }
0x87: {  	_ =	shalt  }
.Lfunc_end0:
.L_simem_size_0:
called_computation.2_lowered:
.L_overlay_start_0:
0x88: {  	s2 =	sld [smem:$0x3FD9]  }
0x89: {  	s3 =	sld [smem:$0x3FFE];
	_ =	sdelay $0x1  }
0x8a: {  	s1 =	srdreg.scid  }
0x8b: {  	s0 =	sand.u32 $0x1, s1  }
0x8c: {  	s17 =	sshll.u32 s0, $0xA;
	s2 =	sadd.s32 s3, s2  }
0x8d: {  	s2 =	sadd.s32 s2, s17  }
0x8e: {  	[smem:$0x3FBE] =	sst s2  }
0x8f: {  	_ = 	snop  }
0x90: {  	s2 =	sld [smem:$0x3FD0];
	(tm) =	ssettm $0x1  }
0x91: {  	s18 =	sld [smem:$0x3FFB];
	_ =	sdelay $0x3  }
0x92: {  	_ =	strace s18  }
0x93: {  	s3 =	sld [smem:$0x3FFC];
	_ =	sdelay $0x3  }
0x94: {  	_ =	strace s3  }
0x95: {  	s3 =	sld [smem:$0x3FFD];
	_ =	sdelay $0x3  }
0x96: {  	_ =	strace s3  }
0x97: {  	_ =	strace $0x8FFFFFFF  }
0x98: {  	s19 =	sld [smem:$0x3FDB];
	_ =	sdelay $0x1  }
0x99: {  	s4 =	simm.s32 $_scs_section_size  }
0x9a: {  	s5 =	simm.s32 $_size__tile_overlayer_lowered;
	s6 =	simm.s32 $_tile_overlayer_lowered  }
0x9b: {  	s22 =	simm.s32 $0x1BFF;
	s21 =	sshll.u32 s6, $0x1;
	s3 =	sadd.s32 s4, s19  }
0x9c: {  	s7 =	simm.s32 $0x0;
	s20 =	sshll.u32 s5, $0x1;
	s5 =	sadd.s32 s21, s3  }
0x9d: {  	[timem:s7], [sflag:s22] =	dma.local [hbm:s5], s20  }
0x9e: {  	_ =	swait.ge [sflag:s22], s20  }
0x9f: {  	s4 =	ssub.s32 $0x0, s20;
	[sflag:s22] =	ssyncset.done $0x0  }
0xa0: {  	[sflag:s22] =	ssyncadd.s32 s4;
	_ =	sdelay $0x1  }
0xa1: {  	s23 =	simm.s32 $0x1B8B  }
0xa2: {  	_ =	swait.ge [sflag:s23], $0x1  }
0xa3: {  	[sflag:s23] =	ssyncset.done $0x0  }
0xa4: {  	s25 =	simm.s32 $0x1B8E;
	s24 =	sld [smem:$0x3FFE];
	[sflag:s23] =	ssyncadd.s32 $0xFFFFFFFF  }
0xa5: {  	s26 =	simm.s32 $execute0_lowered;
	[smem:$0x3FD2] =	sst s25  }
0xa6: {  	s5 =	sshll.u32 s26, $0x1;
	_ =	strace $0x80000046;
	[dreg:$0x1] =	wrdreg $0xFFFFFFFF  }
0xa7: {  	s28 =	simm.s32 $_size_execute0_lowered;
	s3 =	sadd.s32 s3, s5;
	[dreg:$0x0] =	wrdreg $0x0  }
0xa8: {  	s5 =	sshll.u32 s28, $0x1;
	[dreg:$0x2] =	wrdreg s3  }
0xa9: {  	[dreg:$0x3] =	wrdreg s5  }
0xaa: {  	[dreg:$0x4] =	wrdreg $0xC0  }
0xab: {  	_ =	task [dreg:s7], $0x5FFFF  }
0xac: {  	[dreg:$0x1] =	wrdreg $0xFFFFFFFF  }
0xad: {  	[dreg:$0x0] =	wrdreg $0x60  }
0xae: {  	[dreg:$0x2] =	wrdreg s24  }
0xaf: {  	[dreg:$0x3] =	wrdreg s2  }
0xb0: {  	[dreg:$0x4] =	wrdreg $0xA5800  }
0xb1: {  	[dreg:$0x5] =	wrdreg $0x9  }
0xb2: {  	_ =	task.clear_ibuf [dreg:s7], $0x6FFFF;
	_ =	strace $0x90000046  }
0xb3: {  	s29 =	simm.s32 $0x9;
	_ =	strace $0x80000048  }
0xb4: {  	_ =	swait.ge [sflag:s29], $0x1  }
0xb5: {  	[sflag:s29] =	ssyncadd.s32 $0xFFFFFFFF  }
0xb6: {  	_ =	strace $0x90000048  }
0xb7: {  	_ =	sfence  }
0xb8: {  	s30 =	sld [smem:$0x0];
	_ =	sdelay $0x2  }
0xb9: {  	s31 =	sshll.u32 s1, $0xD;
	s1 =	sshrl.u32 s1, $0x2  }
0xba: {  	s3 =	sand.u32 $0x4000, s31;
	s1 =	sadd.s32 s1, s30  }
0xbb: {  	s0 =	sor.u32 s3, s0;
	s1 =	sshll.u32 s1, $0x11  }
0xbc: {  	s0 =	sor.u32 s1, s0  }
0xbd: {  	s0 =	sadd.s32 $0x8F2B, s0  }
0xbe: {  	[sflag:s0] =	ssyncadd.remote.s32 $0x1  }
0xbf: {  	_ =	sfence.sel $0xFFFF  }
0xc0: {  	[dreg:$0x0] =	wrdreg $0xFFFFFFFF;
	(pc) =	sbr.abs _section_cstart, $3  }
0xc1: {  	[dreg:$0x1] =	wrdreg $0xFFFFFFFF  }
0xc2: {  	_ =	task.clear_ibuf [dreg:s7], $0x2FFFF;
	_ =	strace $0x9FFFFFFF  }
0xc3: {  	(tm) =	ssettm $0x7FFFFFFF  }
tec
execute0_lowered:
.L_overlay_start_1:
0x0: {  	(tag) =	ssettag $0x1  }
0x1: {  	s0 =	rddreg [dreg:$0x0]  }
0x2: {  	s2 =	rddreg [dreg:$0x1];
	s1 =	srdreg.scid  }
0x3: {  	s3 =	rddreg [dreg:$0x2];
	s4 =	simm.s32 $0x0;
	s14 =	simm.s32 $0x5  }
0x4: {  	s15 =	simm.s32 $0x40;
	s20 =	simm.s32 $0x800;
	s7 =	sand.u32 $0x1, s1  }
0x5: {  	s21 =	simm.s32 $0x1;
	s1 =	stileid.u32;
	s16 =	smul.u32 $0x1400, s7  }
0x6: {  	s22 =	simm.s32 $0x1000;
	s23 =	simm.s32 $0x1800;
	s5 =	smul.u32 $0x140, s1  }
0x7: {  	s24 =	simm.s32 $0x2000;
	s28 =	simm.s32 $0x3;
	s9 =	smul.u32 $0x4E20, s1  }
0x8: {  	s29 =	simm.s32 $0x4;
	[smem:$0x7FF] =	sst s4;
	s11 =	smul.u32 $0x50000, s1  }
0x9: {  	_ =	strace $0x80000047;
	s7 =	ssub.s32 $0x2, s7;
	s13 =	smul.u32 $0x50400, s1  }
0xa: {  	s26 =	sshrl.u32 s7, $0x1;
	s6 =	sadd.s32 s5, s16;
	s5 =	sadd.s32 $0xC400, s0  }
0xb: {  	s10 =	sshrl.u32 s9, $0x3;
	s12 =	ssub.s32 s7, s26;
	s9 =	sadd.s32 $0x7D0, s9  }
.Ltmp0:
0xc: {  	s30 =	sshrl.u32 s11, $0x2;
	s31 =	sshrl.u32 s13, $0x2;
	(pc) =	sbr.rel .LBB2_1-.Ltmp0, $4  }
0xd: {  	s13 =	simm.s32 $0xA400;
	s26 =	simm.s32 $0x2100;
	s8 =	sshll.u32 s6, $0x5  }
0xe: {  	s6 =	sadd.s32 $0x2600, s0;
	s17 =	sadd.s32 s30, s3;
	s11 =	smax.u32 s12, $0x1  }
0xf: {  	v1 =	vimm.f32 $0.0e+00;
	s12 =	sadd.s32 s31, s3;
	s0 =	sadd.s32 s8, s0;
	s7 =	sadd.s32 s6, s10  }
0x10: {  	v2 =	vimm.s32 $0x0;
	v3 =	vimm.s32 $0x1400;
	v0 =	vmov s16;
	s8 =	sadd.s32 s2, s10;
	s25 =	sshrl.u32 s17, $0x3;
	s10 =	sadd.s32 $0x5A600, s0  }
.LBB2_14:
0x11: {  	_ =	swait.ge [sflag:s21], $0x7D0  }
0x12: {  	[sflag:s21] =	ssyncset.done $0x0  }
0x13: {  	[sflag:s21] =	ssyncadd.s32 $0xFFFFF830  }
0x14: {  	_ =	swait.ge [sflag:s21], $0x7D0  }
0x15: {  	[sflag:s21] =	ssyncset.done $0x0  }
0x16: {  	[sflag:s21] =	ssyncadd.s32 $0xFFFFF830  }
0x17: {  	[tilespmem:s31+$0x2000] =	vst v2  }
0x18: {  	[tilespmem:s31+$0x2100] =	vst v3  }
0x19: {  	[tilespmem:s31+$0x2010] =	vst v2  }
0x1a: {  	[tilespmem:s31+$0x2110] =	vst v3  }
0x1b: {  	[tilespmem:s31+$0x2020] =	vst v2  }
0x1c: {  	s0 =	sand.u32 $0x1, s30;
	[tilespmem:s31+$0x2120] =	vst v3  }
0x1d: {  	p0 =	seq.s32 s0, $0x1;
	[tilespmem:s31+$0x2030] =	vst v2  }
0x1e: {  	s0 =	simm.s32 @p0 $0x4;
	[tilespmem:s31+$0x2130] =	vst v3  }
0x1f: {  	_ =	swait.ge @p0 [sflag:s0], $0x4000  }
0x20: {  	[sflag:s0] =	ssyncset.done @p0 $0x0  }
0x21: {  	[sflag:s0] =	ssyncadd.s32 @p0 $0xFFFFC000  }
0x22: {  	v4 =	vld @p0 [tilespmem:$0x2000]  }
0x23: {  	v5 =	vld @p0 [tilespmem:$0x2100]  }
0x24: {  	v6 =	vld @p0 [tilespmem:$0x2010]  }
0x25: {  	v7 =	vld @p0 [tilespmem:$0x2110]  }
0x26: {  	v8 =	vld @p0 [tilespmem:$0x2020]  }
0x27: {  	[tilespmem:$0x2300] =	vst @p0 v4;
	v4 =	vld @p0 [tilespmem:$0x2120]  }
0x28: {  	[tilespmem:$0x2380] =	vst @p0 v5;
	v5 =	vld @p0 [tilespmem:$0x2030]  }
0x29: {  	[tilespmem:$0x2310] =	vst @p0 v6;
	v6 =	vld @p0 [tilespmem:$0x2130]  }
0x2a: {  	[tilespmem:$0x2390] =	vst @p0 v7  }
0x2b: {  	[tilespmem:$0x2320] =	vst @p0 v8  }
0x2c: {  	[tilespmem:$0x23A0] =	vst @p0 v4  }
0x2d: {  	[tilespmem:$0x2330] =	vst @p0 v5  }
0x2e: {  	s0 =	simm.s32 @p0 $0x2;
	[tilespmem:$0x23B0] =	vst @p0 v6  }
0x2f: {  	_ =	swait.ge @p0 [sflag:s0], $0x4000  }
0x30: {  	s16 =	simm.s32 @p0 $0x40;
	[sflag:s0] =	ssyncset.done @p0 $0x0  }
0x31: {  	s17 =	simm.s32 @p0 $0x2300;
	s18 =	simm.s32 @p0 $0x6400;
	[sflag:s0] =	ssyncadd.s32 @p0 $0xFFFFC000  }
0x32: {  	[tilespmem:s18], [sflag:$0x2] =	stream.indirect.gather @p0 [hbm4b:s5+s16], $0x100, s17, s16, $0xb8;
	[tilespmem:$0x1E680] =	vst v63  }
0x33: {  	s19 =	simm.s32 @p0 $0x2400;
	s17 =	simm.s32 @p0 $0x2280  }
0x34: {  	[spmem:s3] =	stream.indirect.scatter.add.f32 @p0 [tilespmem:s19], [sflag:$0x3], $0x100, s17, s16, $0xb8;
	[tilespmem:$0x1E680] =	vst v63  }
0x35: {  	_ =	swait.ge @p0 [sflag:s0], $0x4000  }
0x36: {  	[sflag:s0] =	ssyncset.done @p0 $0x0  }
0x37: {  	[sflag:s0] =	ssyncadd.s32 @p0 $0xFFFFC000;
	s0 =	simm.s32 @p0 $0x2380  }
0x38: {  	[spmem:s3] =	stream.indirect.scatter.add.f32 @p0 [tilespmem:s18], [sflag:$0x4], $0x100, s0, s16, $0xb8;
	[tilespmem:$0x1E680] =	vst v63  }
0x39: {  	s0 =	simm.s32 @!p0 $0x3  }
0x3a: {  	_ =	swait.ge @!p0 [sflag:s0], $0x4000  }
0x3b: {  	[sflag:s0] =	ssyncset.done @!p0 $0x0  }
0x3c: {  	[sflag:s0] =	ssyncadd.s32 @!p0 $0xFFFFC000  }
0x3d: {  	v4 =	vld @!p0 [tilespmem:$0x2000]  }
0x3e: {  	v5 =	vld @!p0 [tilespmem:$0x2100]  }
0x3f: {  	v6 =	vld @!p0 [tilespmem:$0x2010]  }
0x40: {  	v7 =	vld @!p0 [tilespmem:$0x2110]  }
0x41: {  	v8 =	vld @!p0 [tilespmem:$0x2020]  }
0x42: {  	[tilespmem:$0x2200] =	vst @!p0 v4;
	v4 =	vld @!p0 [tilespmem:$0x2120]  }
0x43: {  	[tilespmem:$0x2280] =	vst @!p0 v5;
	v5 =	vld @!p0 [tilespmem:$0x2030]  }
0x44: {  	[tilespmem:$0x2210] =	vst @!p0 v6;
	v6 =	vld @!p0 [tilespmem:$0x2130]  }
0x45: {  	[tilespmem:$0x2290] =	vst @!p0 v7  }
0x46: {  	[tilespmem:$0x2220] =	vst @!p0 v8  }
0x47: {  	[tilespmem:$0x22A0] =	vst @!p0 v4  }
0x48: {  	[tilespmem:$0x2230] =	vst @!p0 v5  }
0x49: {  	s0 =	simm.s32 @!p0 $0x2;
	[tilespmem:$0x22B0] =	vst @!p0 v6  }
0x4a: {  	_ =	swait.ge @!p0 [sflag:s0], $0x4000  }
0x4b: {  	s17 =	simm.s32 @!p0 $0x2200;
	[sflag:s0] =	ssyncset.done @!p0 $0x0  }
0x4c: {  	s16 =	simm.s32 @!p0 $0x40;
	s18 =	simm.s32 @!p0 $0x2400;
	[sflag:s0] =	ssyncadd.s32 @!p0 $0xFFFFC000  }
0x4d: {  	[tilespmem:s18], [sflag:$0x2] =	stream.indirect.gather @!p0 [hbm4b:s5+s16], $0x100, s17, s16, $0xb8;
	[tilespmem:$0x1E680] =	vst v63  }
0x4e: {  	s19 =	simm.s32 @!p0 $0x6400;
	s17 =	simm.s32 @!p0 $0x2380  }
0x4f: {  	[spmem:s3] =	stream.indirect.scatter.add.f32 @!p0 [tilespmem:s19], [sflag:$0x4], $0x100, s17, s16, $0xb8;
	[tilespmem:$0x1E680] =	vst v63  }
0x50: {  	_ =	swait.ge @!p0 [sflag:s0], $0x4000  }
0x51: {  	[sflag:s0] =	ssyncset.done @!p0 $0x0  }
0x52: {  	[sflag:s0] =	ssyncadd.s32 @!p0 $0xFFFFC000;
	s0 =	simm.s32 @!p0 $0x2280  }
0x53: {  	[spmem:s3] =	stream.indirect.scatter.add.f32 @!p0 [tilespmem:s18], [sflag:$0x3], $0x100, s0, s16, $0xb8;
	[tilespmem:$0x1E680] =	vst v63  }
0x54: {  	_ =	swait.ge [sflag:s28], $0x4000  }
0x55: {  	[sflag:s28] =	ssyncset.done $0x0  }
0x56: {  	[sflag:s28] =	ssyncadd.s32 $0xFFFFC000  }
0x57: {  	_ =	swait.ge [sflag:s29], $0x4000  }
0x58: {  	[sflag:s29] =	ssyncset.done $0x0  }
0x59: {  	s4 =	sadd.s32 $0x1, s4;
	s31 =	sshll.u32 s1, $0x6;
	[sflag:s29] =	ssyncadd.s32 $0xFFFFC000  }
0x5a: {  	s0 =	sor.u32 $0x1C05, s31;
	p0 =	sne.s32 s4, s11;
	[bflag:$0x0] =	sbarrier.arrive $0xFFFF  }
0x5b: {  	[hbm:s10], [sflag:s0] =	dma.local [spmem:s25], $0x2800  }
.Ltmp1:
0x5c: {  	_ =	swait.ge [sflag:s14], $0x2800;
	(pc) =	sbr.rel @!p0 .LBB2_15-.Ltmp1, $3  }
0x5d: {  	[sflag:s14] =	ssyncset.done $0x0  }
0x5e: {  	[sflag:s14] =	ssyncadd.s32 $0xFFFFD800  }
0x5f: {  	[bflag:$0x0] =	sbarrier.arrive $0xFFFF;
	_ =	sdelay $0x1  }
.LBB2_1:
0x60: {  	[tilespmem:$0xA400] =	vst v1  }
0x61: {  	[tilespmem:$0xA410] =	vst v1  }
0x62: {  	[tilespmem:$0xA420] =	vst v1  }
0x63: {  	[tilespmem:$0xA430] =	vst v1  }
0x64: {  	[tilespmem:$0xA440] =	vst v1  }
0x65: {  	[tilespmem:$0xA450] =	vst v1  }
0x66: {  	[tilespmem:$0xA460] =	vst v1  }
0x67: {  	[tilespmem:$0xA470] =	vst v1  }
0x68: {  	[tilespmem:$0xA480] =	vst v1  }
0x69: {  	[tilespmem:$0xA490] =	vst v1  }
0x6a: {  	[tilespmem:$0xA4A0] =	vst v1  }
0x6b: {  	[tilespmem:$0xA4B0] =	vst v1  }
0x6c: {  	[tilespmem:$0xA4C0] =	vst v1  }
0x6d: {  	[tilespmem:$0xA4D0] =	vst v1  }
0x6e: {  	[tilespmem:$0xA4E0] =	vst v1  }
0x6f: {  	[tilespmem:$0xA4F0] =	vst v1;
	s0 =	sadd.s32 $0x0, s12  }
0x70: {  	[spmem:s0] =	stream.linear.scatter [tilespmem:s13], [sflag:$0x5], $0x100, $0x38;
	[tilespmem:$0x1E680] =	vst v63  }
0x71: {  	s0 =	simm.s32 $0x400;
	_ =	swait.ge [sflag:s14], $0x100  }
.LBB2_2:
0x72: {  	s16 =	sshra.s32 s0, $0x2;
	[sflag:s14] =	ssyncset.done $0x0;
	p0 =	sne.s32 s0, $0x50000  }
.Ltmp2:
0x73: {  	s16 =	sadd.s32 s16, s12;
	[sflag:s14] =	ssyncadd.s32 $0xFFFFFF00;
	(pc) =	sbr.rel @p0 .LBB2_2-.Ltmp2, $3  }
0x74: {  	[spmem:s16] =	stream.linear.scatter [tilespmem:s13], [sflag:$0x5], $0x100, $0x38;
	[tilespmem:$0x1E680] =	vst v63  }
0x75: {  	s0 =	sadd.s32 $0x400, s0;
	_ =	sdelay $0x1  }
0x76: {  	_ =	swait.ge [sflag:s14], $0x100  }
0x77: {  	[sflag:s14] =	ssyncset.done $0x0  }
0x78: {  	[sflag:s14] =	ssyncadd.s32 $0xFFFFFF00  }
0x79: {  	[bflag:$0x0] =	sbarrier.arrive $0xFFFF  }
0x7a: {  	[tilespmem:$0x2300] =	vst v2  }
0x7b: {  	[tilespmem:$0x2380] =	vst v3  }
0x7c: {  	[tilespmem:$0xA500] =	vst v3  }
0x7d: {  	[tilespmem:$0x2310] =	vst v2  }
0x7e: {  	[tilespmem:$0x2390] =	vst v3  }
0x7f: {  	[tilespmem:$0xA510] =	vst v3  }
0x80: {  	[tilespmem:$0x2320] =	vst v2  }
0x81: {  	[tilespmem:$0x23A0] =	vst v3  }
0x82: {  	[tilespmem:$0xA520] =	vst v3  }
0x83: {  	[tilespmem:$0x2330] =	vst v2  }
0x84: {  	[tilespmem:$0x23B0] =	vst v3  }
0x85: {  	s0 =	simm.s32 $0x2300;
	s16 =	simm.s32 $0x6400;
	[tilespmem:$0xA530] =	vst v3  }
0x86: {  	[tilespmem:s16], [sflag:$0x2] =	stream.indirect.gather [hbm4b:s5+s15], $0x100, s0, s15, $0xb8;
	[tilespmem:$0x1E680] =	vst v63  }
0x87: {  	s18 =	simm.s32 $0xA500;
	s19 =	simm.s32 $0x2400  }
0x88: {  	[spmem:s3] =	stream.indirect.scatter.add.f32 [tilespmem:s19], [sflag:$0x3], $0x100, s18, s15, $0xb8;
	[tilespmem:$0x1E680] =	vst v63  }
.Ltmp3:
0x89: {  	_ = 	snop;
	(pc) =	sbr.rel .LBB2_4-.Ltmp3, $4  }
0x8a: {  	s30 =	simm.s32 $0x0  }
0x8b: {  	[tilespmem:s30], [sflag:$0x1] =	stream.linear.gather [hbm4b:s7+s30], $0x7D0, $0x38;
	[tilespmem:$0x1E680] =	vst v63  }
0x8c: {  	s31 =	simm.s32 $0x0;
	s0 =	simm.s32 $0x0  }
0x8d: {  	[tilespmem:s20], [sflag:$0x1] =	stream.linear.gather [hbm4b:s8+s30], $0x7D0, $0x38;
	[tilespmem:$0x1E680] =	vst v63  }
.LBB2_13:
0x8e: {  	s0 =	sadd.s32 $0x1, s0  }
0x8f: {  	p0 =	sne.s32 s0, $0xA  }
.Ltmp4:
0x90: {  	_ = 	snop;
	(pc) =	sbr.rel @!p0 .LBB2_14-.Ltmp4, $1  }
0x91: {  	_ =	sdelay $0x3  }
.LBB2_4:
0x92: {  	s16 =	smul.u32 $0x7D0, s0;
	_ =	sdelay $0x1  }
0x93: {  	s16 =	sadd.s32 s16, s9  }
0x94: {  	_ =	swait.ge [sflag:s21], $0x7D0;
	s17 =	sand.u32 $0x1, s0;
	p0 =	slt.s32 s16, $0x4DA30  }
0x95: {  	[sflag:s21] =	ssyncset.done $0x0;
	s16 =	simm.s32 @!p0 $0x4DA30;
	p0 =	seq.s32 s17, $0x1  }
.Ltmp5:
0x96: {  	[sflag:s21] =	ssyncadd.s32 $0xFFFFF830;
	(pc) =	sbr.rel @p0 .LBB2_9-.Ltmp5, $4  }
0x97: {  	_ =	swait.ge [sflag:s21], $0x7D0  }
0x98: {  	[sflag:s21] =	ssyncset.done $0x0  }
0x99: {  	s16 =	sshrl.u32 s16, $0x3;
	[sflag:s21] =	ssyncadd.s32 $0xFFFFF830  }
0x9a: {  	s18 =	sadd.s32 s6, s16;
	s17 =	sadd.s32 s2, s16;
	s16 =	simm.s32 $0x0  }
.Ltmp6:
0x9b: {  	(pc) =	sbr.rel .LBB2_6-.Ltmp6, $4  }
0x9c: {  	_ = 	snop  }
0x9d: {  	[tilespmem:s22], [sflag:$0x1] =	stream.linear.gather [hbm4b:s18+s16], $0x7D0, $0x38;
	[tilespmem:$0x1E680] =	vst v63  }
0x9e: {  	_ = 	snop  }
0x9f: {  	[tilespmem:s23], [sflag:$0x1] =	stream.linear.gather [hbm4b:s17+s16], $0x7D0, $0x38;
	[tilespmem:$0x1E680] =	vst v63  }
.LBB2_8:
0xa0: {  	s16 =	sadd.s32 $0x40, s16  }
0xa1: {  	p0 =	seq.s32 s16, $0x1F40  }
.Ltmp7:
0xa2: {  	_ = 	snop;
	(pc) =	sbr.rel @p0 .LBB2_13-.Ltmp7, $1  }
0xa3: {  	_ =	sdelay $0x3  }
.LBB2_6:
0xa4: {  	s17 =	sshra.s32 s16, $0x2  }
0xa5: {  	v4 =	vld [tilespmem:s17+$0x800];
	_ =	sdelay $0x4  }
0xa6: {  	v4 =	vsub.s32 v4, v0  }
0xa7: {  	vm0 =	vlt.u32 v4, $0x1400  }
0xa8: {  	v5 =	vsel vm0, $0x1, v2  }
0xa9: {  	(xrf0) =	vadd.scan.msk.s32 $0xffff, v5;
	_ =	sdelay $0x5  }
0xaa: {  	v5, _, _ =	vpop (xrf0)  }
0xab: {  	v6 =	vxor.u32 $0x80000000, v5  }
0xac: {  	(xrf0) =	vmax.scan.msk.u32 $0xffff, v6;
	_ =	sdelay $0x5  }
0xad: {  	v6, _, _ =	vpop (xrf0)  }
0xae: {  	(v2sf) =	vpush v6, $0xF;
	_ =	sdelay $0xb  }
0xaf: {  	v62 =	vmov s31  }
0xb0: {  	v6 =	vadd.s32 $0xFFFFFFFF, v62  }
0xb1: {  	v6 =	vbroadcast v6, $0x0  }
0xb2: {  	s19 =	spop (v2sf)  }
0xb3: {  	v63 =	vld [tilespmem:s17+$0x0];
	v5 =	vadd.s32 v5, v6;
	s17 =	sadd.s32 s19, s31  }
0xb4: {  	v5 =	vnsel vm0, $0x90, v5;
	s31 =	sadd.s32 $0x80000000, s17  }
0xb5: {  	p0 =	slt.s32 s31, $0x40  }
.Ltmp8:
0xb6: {  	_ = 	snop;
	(pc) =	sbr.rel @p0 .LBB2_8-.Ltmp8, $3  }
0xb7: {  	_ =	sdelay $0x1  }
0xb8: {  	[tilespmem:v5+s24+$0x0] =	vst.idx.msk $0xffff, v63  }
0xb9: {  	[tilespmem:v5+s26+$0x0] =	vst.idx.msk $0xffff, v4  }
0xba: {  	s17 =	sand.u32 $0x1, s30  }
0xbb: {  	p0 =	seq.s32 s17, $0x1  }
0xbc: {  	s17 =	simm.s32 @p0 $0x4  }
0xbd: {  	_ =	swait.ge @p0 [sflag:s17], $0x4000  }
0xbe: {  	[sflag:s17] =	ssyncset.done @p0 $0x0  }
0xbf: {  	[sflag:s17] =	ssyncadd.s32 @p0 $0xFFFFC000  }
0xc0: {  	v4 =	vld @p0 [tilespmem:$0x2000]  }
0xc1: {  	v5 =	vld @p0 [tilespmem:$0x2100]  }
0xc2: {  	v6 =	vld @p0 [tilespmem:$0x2010]  }
0xc3: {  	v7 =	vld @p0 [tilespmem:$0x2110]  }
0xc4: {  	v8 =	vld @p0 [tilespmem:$0x2020]  }
0xc5: {  	[tilespmem:$0x2300] =	vst @p0 v4;
	v4 =	vld @p0 [tilespmem:$0x2120]  }
0xc6: {  	[tilespmem:$0x2380] =	vst @p0 v5;
	v5 =	vld @p0 [tilespmem:$0x2030]  }
0xc7: {  	[tilespmem:$0x2310] =	vst @p0 v6;
	v6 =	vld @p0 [tilespmem:$0x2130]  }
0xc8: {  	[tilespmem:$0x2390] =	vst @p0 v7  }
0xc9: {  	[tilespmem:$0x2320] =	vst @p0 v8  }
0xca: {  	[tilespmem:$0x23A0] =	vst @p0 v4  }
0xcb: {  	[tilespmem:$0x2330] =	vst @p0 v5  }
0xcc: {  	s17 =	simm.s32 @p0 $0x2;
	[tilespmem:$0x23B0] =	vst @p0 v6  }
0xcd: {  	_ =	swait.ge @p0 [sflag:s17], $0x4000  }
0xce: {  	s18 =	simm.s32 @p0 $0x2300;
	[sflag:s17] =	ssyncset.done @p0 $0x0  }
0xcf: {  	s19 =	simm.s32 @p0 $0x6400;
	[sflag:s17] =	ssyncadd.s32 @p0 $0xFFFFC000;
	s17 =	simm.s32 @p0 $0x40  }
0xd0: {  	[tilespmem:s19], [sflag:$0x2] =	stream.indirect.gather @p0 [hbm4b:s5+s17], $0x100, s18, s17, $0xb8;
	[tilespmem:$0x1E680] =	vst v63  }
0xd1: {  	s18 =	simm.s32 @p0 $0x2280;
	s19 =	simm.s32 @p0 $0x2400  }
0xd2: {  	[spmem:s3] =	stream.indirect.scatter.add.f32 @p0 [tilespmem:s19], [sflag:$0x3], $0x100, s18, s17, $0xb8;
	[tilespmem:$0x1E680] =	vst v63  }
0xd3: {  	s17 =	simm.s32 @!p0 $0x3  }
0xd4: {  	_ =	swait.ge @!p0 [sflag:s17], $0x4000  }
0xd5: {  	[sflag:s17] =	ssyncset.done @!p0 $0x0  }
0xd6: {  	[sflag:s17] =	ssyncadd.s32 @!p0 $0xFFFFC000  }
0xd7: {  	v4 =	vld @!p0 [tilespmem:$0x2000]  }
0xd8: {  	v5 =	vld @!p0 [tilespmem:$0x2100]  }
0xd9: {  	v6 =	vld @!p0 [tilespmem:$0x2010]  }
0xda: {  	v7 =	vld @!p0 [tilespmem:$0x2110]  }
0xdb: {  	v8 =	vld @!p0 [tilespmem:$0x2020]  }
0xdc: {  	[tilespmem:$0x2200] =	vst @!p0 v4;
	v4 =	vld @!p0 [tilespmem:$0x2120]  }
0xdd: {  	[tilespmem:$0x2280] =	vst @!p0 v5;
	v5 =	vld @!p0 [tilespmem:$0x2030]  }
0xde: {  	[tilespmem:$0x2210] =	vst @!p0 v6;
	v6 =	vld @!p0 [tilespmem:$0x2130]  }
0xdf: {  	[tilespmem:$0x2290] =	vst @!p0 v7  }
0xe0: {  	[tilespmem:$0x2220] =	vst @!p0 v8  }
0xe1: {  	[tilespmem:$0x22A0] =	vst @!p0 v4  }
0xe2: {  	[tilespmem:$0x2230] =	vst @!p0 v5  }
0xe3: {  	s17 =	simm.s32 @!p0 $0x2;
	[tilespmem:$0x22B0] =	vst @!p0 v6  }
0xe4: {  	_ =	swait.ge @!p0 [sflag:s17], $0x4000  }
0xe5: {  	s18 =	simm.s32 @!p0 $0x2200;
	[sflag:s17] =	ssyncset.done @!p0 $0x0  }
0xe6: {  	s19 =	simm.s32 @!p0 $0x2400;
	[sflag:s17] =	ssyncadd.s32 @!p0 $0xFFFFC000;
	s17 =	simm.s32 @!p0 $0x40  }
0xe7: {  	[tilespmem:s19], [sflag:$0x2] =	stream.indirect.gather @!p0 [hbm4b:s5+s17], $0x100, s18, s17, $0xb8;
	[tilespmem:$0x1E680] =	vst v63  }
0xe8: {  	s18 =	simm.s32 @!p0 $0x2380;
	s19 =	simm.s32 @!p0 $0x6400  }
0xe9: {  	[spmem:s3] =	stream.indirect.scatter.add.f32 @!p0 [tilespmem:s19], [sflag:$0x4], $0x100, s18, s17, $0xb8;
	[tilespmem:$0x1E680] =	vst v63  }
0xea: {  	v4 =	vld [tilespmem:$0x2040]  }
0xeb: {  	v5 =	vld [tilespmem:$0x2140]  }
.Ltmp9:
0xec: {  	_ = 	snop;
	(pc) =	sbr.rel .LBB2_8-.Ltmp9, $3  }
0xed: {  	_ =	sdelay $0x1  }
0xee: {  	[tilespmem:$0x2000] =	vst v4  }
0xef: {  	s31 =	sadd.s32 $0xFFFFFFC0, s31;
	s30 =	sadd.s32 $0x1, s30;
	[tilespmem:$0x2100] =	vst v5  }
.LBB2_9:
.Ltmp10:
0xf0: {  	(pc) =	sbr.rel .LBB2_10-.Ltmp10, $4  }
0xf1: {  	_ = 	snop  }
0xf2: {  	[tilespmem:s16], [sflag:$0x1] =	stream.linear.gather [hbm4b:s18+s16], $0x7D0, $0x38;
	[tilespmem:$0x1E680] =	vst v63  }
0xf3: {  	_ = 	snop  }
0xf4: {  	[tilespmem:s20], [sflag:$0x1] =	stream.linear.gather [hbm4b:s17+s16], $0x7D0, $0x38;
	[tilespmem:$0x1E680] =	vst v63  }
.LBB2_12:
0xf5: {  	s16 =	sadd.s32 $0x40, s16  }
0xf6: {  	p0 =	sne.s32 s16, $0x1F40  }
.Ltmp11:
0xf7: {  	_ = 	snop;
	(pc) =	sbr.rel @!p0 .LBB2_13-.Ltmp11, $1  }
0xf8: {  	_ =	sdelay $0x3  }
.LBB2_10:
0xf9: {  	s17 =	sshra.s32 s16, $0x2  }
0xfa: {  	v4 =	vld [tilespmem:s17+$0x1800];
	_ =	sdelay $0x4  }
0xfb: {  	v4 =	vsub.s32 v4, v0  }
0xfc: {  	vm0 =	vlt.u32 v4, $0x1400  }
0xfd: {  	v5 =	vsel vm0, $0x1, v2  }
0xfe: {  	(xrf0) =	vadd.scan.msk.s32 $0xffff, v5;
	_ =	sdelay $0x5  }
0xff: {  	v5, _, _ =	vpop (xrf0)  }
0x100: {  	v6 =	vxor.u32 $0x80000000, v5  }
0x101: {  	(xrf0) =	vmax.scan.msk.u32 $0xffff, v6;
	_ =	sdelay $0x5  }
0x102: {  	v6, _, _ =	vpop (xrf0)  }
0x103: {  	(v2sf) =	vpush v6, $0xF;
	_ =	sdelay $0xb  }
0x104: {  	v62 =	vmov s31  }
0x105: {  	v6 =	vadd.s32 $0xFFFFFFFF, v62  }
0x106: {  	v6 =	vbroadcast v6, $0x0  }
0x107: {  	s19 =	spop (v2sf)  }
0x108: {  	v63 =	vld [tilespmem:s17+$0x1000];
	v5 =	vadd.s32 v5, v6;
	s17 =	sadd.s32 s19, s31  }
0x109: {  	v5 =	vnsel vm0, $0x90, v5;
	s31 =	sadd.s32 $0x80000000, s17  }
0x10a: {  	p0 =	slt.s32 s31, $0x40  }
.Ltmp12:
0x10b: {  	_ = 	snop;
	(pc) =	sbr.rel @p0 .LBB2_12-.Ltmp12, $3  }
0x10c: {  	_ =	sdelay $0x1  }
0x10d: {  	[tilespmem:v5+s24+$0x0] =	vst.idx.msk $0xffff, v63  }
0x10e: {  	[tilespmem:v5+s26+$0x0] =	vst.idx.msk $0xffff, v4  }
0x10f: {  	s17 =	sand.u32 $0x1, s30  }
0x110: {  	p0 =	seq.s32 s17, $0x1  }
0x111: {  	s17 =	simm.s32 @p0 $0x4  }
0x112: {  	_ =	swait.ge @p0 [sflag:s17], $0x4000  }
0x113: {  	[sflag:s17] =	ssyncset.done @p0 $0x0  }
0x114: {  	[sflag:s17] =	ssyncadd.s32 @p0 $0xFFFFC000  }
0x115: {  	v4 =	vld @p0 [tilespmem:$0x2000]  }
0x116: {  	v5 =	vld @p0 [tilespmem:$0x2100]  }
0x117: {  	v6 =	vld @p0 [tilespmem:$0x2010]  }
0x118: {  	v7 =	vld @p0 [tilespmem:$0x2110]  }
0x119: {  	v8 =	vld @p0 [tilespmem:$0x2020]  }
0x11a: {  	[tilespmem:$0x2300] =	vst @p0 v4;
	v4 =	vld @p0 [tilespmem:$0x2120]  }
0x11b: {  	[tilespmem:$0x2380] =	vst @p0 v5;
	v5 =	vld @p0 [tilespmem:$0x2030]  }
0x11c: {  	[tilespmem:$0x2310] =	vst @p0 v6;
	v6 =	vld @p0 [tilespmem:$0x2130]  }
0x11d: {  	[tilespmem:$0x2390] =	vst @p0 v7  }
0x11e: {  	[tilespmem:$0x2320] =	vst @p0 v8  }
0x11f: {  	[tilespmem:$0x23A0] =	vst @p0 v4  }
0x120: {  	[tilespmem:$0x2330] =	vst @p0 v5  }
0x121: {  	s17 =	simm.s32 @p0 $0x2;
	[tilespmem:$0x23B0] =	vst @p0 v6  }
0x122: {  	_ =	swait.ge @p0 [sflag:s17], $0x4000  }
0x123: {  	s18 =	simm.s32 @p0 $0x2300;
	[sflag:s17] =	ssyncset.done @p0 $0x0  }
0x124: {  	s19 =	simm.s32 @p0 $0x6400;
	[sflag:s17] =	ssyncadd.s32 @p0 $0xFFFFC000;
	s17 =	simm.s32 @p0 $0x40  }
0x125: {  	[tilespmem:s19], [sflag:$0x2] =	stream.indirect.gather @p0 [hbm4b:s5+s17], $0x100, s18, s17, $0xb8;
	[tilespmem:$0x1E680] =	vst v63  }
0x126: {  	s18 =	simm.s32 @p0 $0x2280;
	s19 =	simm.s32 @p0 $0x2400  }
0x127: {  	[spmem:s3] =	stream.indirect.scatter.add.f32 @p0 [tilespmem:s19], [sflag:$0x3], $0x100, s18, s17, $0xb8;
	[tilespmem:$0x1E680] =	vst v63  }
0x128: {  	s17 =	simm.s32 @!p0 $0x3  }
0x129: {  	_ =	swait.ge @!p0 [sflag:s17], $0x4000  }
0x12a: {  	[sflag:s17] =	ssyncset.done @!p0 $0x0  }
0x12b: {  	[sflag:s17] =	ssyncadd.s32 @!p0 $0xFFFFC000  }
0x12c: {  	v4 =	vld @!p0 [tilespmem:$0x2000]  }
0x12d: {  	v5 =	vld @!p0 [tilespmem:$0x2100]  }
0x12e: {  	v6 =	vld @!p0 [tilespmem:$0x2010]  }
0x12f: {  	v7 =	vld @!p0 [tilespmem:$0x2110]  }
0x130: {  	v8 =	vld @!p0 [tilespmem:$0x2020]  }
0x131: {  	[tilespmem:$0x2200] =	vst @!p0 v4;
	v4 =	vld @!p0 [tilespmem:$0x2120]  }
0x132: {  	[tilespmem:$0x2280] =	vst @!p0 v5;
	v5 =	vld @!p0 [tilespmem:$0x2030]  }
0x133: {  	[tilespmem:$0x2210] =	vst @!p0 v6;
	v6 =	vld @!p0 [tilespmem:$0x2130]  }
0x134: {  	[tilespmem:$0x2290] =	vst @!p0 v7  }
0x135: {  	[tilespmem:$0x2220] =	vst @!p0 v8  }
0x136: {  	[tilespmem:$0x22A0] =	vst @!p0 v4  }
0x137: {  	[tilespmem:$0x2230] =	vst @!p0 v5  }
0x138: {  	s17 =	simm.s32 @!p0 $0x2;
	[tilespmem:$0x22B0] =	vst @!p0 v6  }
0x139: {  	_ =	swait.ge @!p0 [sflag:s17], $0x4000  }
0x13a: {  	s18 =	simm.s32 @!p0 $0x2200;
	[sflag:s17] =	ssyncset.done @!p0 $0x0  }
0x13b: {  	s19 =	simm.s32 @!p0 $0x2400;
	[sflag:s17] =	ssyncadd.s32 @!p0 $0xFFFFC000;
	s17 =	simm.s32 @!p0 $0x40  }
0x13c: {  	[tilespmem:s19], [sflag:$0x2] =	stream.indirect.gather @!p0 [hbm4b:s5+s17], $0x100, s18, s17, $0xb8;
	[tilespmem:$0x1E680] =	vst v63  }
0x13d: {  	s18 =	simm.s32 @!p0 $0x2380;
	s19 =	simm.s32 @!p0 $0x6400  }
0x13e: {  	[spmem:s3] =	stream.indirect.scatter.add.f32 @!p0 [tilespmem:s19], [sflag:$0x4], $0x100, s18, s17, $0xb8;
	[tilespmem:$0x1E680] =	vst v63  }
0x13f: {  	v4 =	vld [tilespmem:$0x2040]  }
0x140: {  	v5 =	vld [tilespmem:$0x2140]  }
.Ltmp13:
0x141: {  	_ = 	snop;
	(pc) =	sbr.rel .LBB2_12-.Ltmp13, $3  }
0x142: {  	_ =	sdelay $0x1  }
0x143: {  	[tilespmem:$0x2000] =	vst v4  }
0x144: {  	s31 =	sadd.s32 $0xFFFFFFC0, s31;
	s30 =	sadd.s32 $0x1, s30;
	[tilespmem:$0x2100] =	vst v5  }
.LBB2_15:
0x145: {  	_ =	sfence.sel $0x180000  }
0x146: {  	[bflag:$0x0] =	sbarrier.arrive $0xFFFF  }
0x147: {  	_ =	strace $0x90000047  }
0x148: {  	[bflag:$0x2] =	sbarrier.arrive $0xFFFF  }
0x149: {  	p0 =	sne.s32 s1, $0x0;
	s0 =	rddreg [dreg:$0x3]  }
0x14a: {  	s0 =	sadd.s32 @!p0 $0x100000, s0  }
0x14b: {  	[sflag:s0] =	ssyncadd.tile.s32 @!p0 $0x1;
	_ =	shalt  }
.Lfunc_end2:
_tile_overlayer_lowered:
.L_overlay_start_2:
0x14c: {  	(tag) =	ssettag $0x2  }
0x14d: {  	s0 =	rddreg [dreg:$0x0];
	s2 =	stileid.u32  }
0x14e: {  	s1 =	rddreg [dreg:$0x1];
	p0 =	sne.s32 s2, $0x0  }
0x14f: {  	s3 =	rddreg [dreg:$0x2];
	[bflag:$0x3] =	sbarrier.arrive $0xFFFF;
	s2 =	simm.s32 @!p0 $0x1C05  }
0x150: {  	[timem:s3], [sflag:s2] =	dma.local @!p0 [hbm:s0], s1  }
0x151: {  	s0 =	simm.s32 @!p0 $0x5  }
0x152: {  	_ =	swait.ge @!p0 [sflag:s0], s1  }
0x153: {  	s1 =	ssub.s32 @!p0 $0x0, s1;
	[sflag:s0] =	ssyncset.done @!p0 $0x0  }
0x154: {  	[sflag:s0] =	ssyncadd.s32 @!p0 s1  }
0x155: {  	[bflag:$0x3] =	sbarrier.arrive $0xFFFF  }
0x156: {  	_ =	shalt  }

// kernel: kernel.9.cloned.1.call-start
scs
__scs_entry_jumppad:
0x0: {  	(pc) =	sbr.rel $0x88, $3  }
0x1: {  	(tag) =	ssettag $0x0;
	lr =	simm.s32 $0x1  }
0x2: {  	[smem:$0x3F97] =	sst lr;
	_ =	strace $0xD0000000  }
0x3: {  	_ = 	snop  }
0x4: {  	_ = 	snop  }
0x5: {  	_ = 	snop  }
0x6: {  	_ = 	snop  }
0x7: {  	_ = 	snop  }
__scs_overlays_trampoline_lowered:
0x8: {  	[smem:$0x3FA6] =	sst s0  }
0x9: {  	[smem:$0x3FA7] =	sst s1  }
0xa: {  	[smem:$0x3FA8] =	sst s2  }
0xb: {  	[smem:$0x3FA9] =	sst s3  }
0xc: {  	[smem:$0x3FAA] =	sst s4  }
0xd: {  	[smem:$0x3FAB] =	sst s5  }
0xe: {  	[smem:$0x3FAC] =	sst s6  }
0xf: {  	[smem:$0x3FAD] =	sst s7  }
0x10: {  	[smem:$0x3FAE] =	sst s8  }
0x11: {  	[smem:$0x3FAF] =	sst s9;
	s0 =	simm.s32 @!p0 $0x0  }
0x12: {  	s1 =	sld [smem:$0x3F95];
	s0 =	simm.s32 @p0 $0x1  }
0x13: {  	[smem:$0x3FB0] =	sst s0;
	s0 =	simm.s32 @!p1 $0x0  }
0x14: {  	s2 =	sld [smem:$0x3F94];
	s0 =	simm.s32 @p1 $0x1  }
0x15: {  	[smem:$0x3FB1] =	sst s0;
	s0 =	simm.s32 @!p2 $0x0  }
0x16: {  	s3 =	sld [smem:$0x3FDB];
	s0 =	simm.s32 @p2 $0x1  }
0x17: {  	s4 =	simm.s32 $0x1BF5;
	[smem:$0x3FB3] =	sst s0  }
0x18: {  	s0 =	sld [smem:$0x3F96];
	_ =	swait.ge [sflag:s4], $0x0  }
0x19: {  	s7 =	sld [smem:$0x3F97]  }
0x1a: {  	s8 =	sadd.s32 $0xFFFFE003, lr  }
0x1b: {  	s9 =	sadd.s32 $0xFFFFFEF7, lr;
	s5 =	simm.s32 $0xFFFFFFFF;
	p2 =	slt.u32 s8, $0xFFFFF086  }
0x1c: {  	p1 =	slt.u32 s9, $0xF7A;
	s5 =	simm.s32 @!p2 $0x0  }
0x1d: {  	s5 =	simm.s32 @p1 $0x1;
	p0 =	seq.s32 s7, s2  }
0x1e: {  	s7 =	smul.u32 @!p0 $0xF7A, s2;
	p2 =	seq.s32 @!p0 s5, $0x0  }
0x1f: {  	s9 =	smul.u32 $0xF7A, s1;
	s8 =	simm.s32 @!p0 $0x1BF5;
	p2 =	por !p2, p0  }
0x20: {  	[sflag:s8] =	ssyncset.s32 @!p0 $0xFFFFF086;
	s6 =	sadd.s32 @!p0 s3, s7;
	s7 =	simm.s32 @!p0 $0x108  }
0x21: {  	s3 =	sadd.s32 s3, s9;
	s6 =	sadd.s32 @!p0 $0x88, s6;
	s7 =	simm.s32 @p2 $0x1082  }
0x22: {  	[simem:s7], [sflag:s8] =	dma.local @!p0 [hbm:s6], $0xF7A  }
0x23: {  	s9 =	sor.u32 $0xD0000000, s2;
	s6 =	simm.s32 $0x108;
	_ =	swait.ge @!p0 [sflag:s8], $0x0  }
0x24: {  	s3 =	sadd.s32 $0x88, s3;
	s6 =	simm.s32 @!p1 $0x1082;
	[sflag:s4] =	ssyncset.s32 $0xFFFFF086  }
0x25: {  	[simem:s6], [sflag:s4] =	dma.local [hbm:s3], $0xF7A  }
0x26: {  	[smem:$0x3F97] =	sst s1;
	(tag) =	ssettag s2;
	_ =	strace s9  }
0x27: {  	s1 =	sld [smem:$0x3FA7]  }
0x28: {  	s2 =	sld [smem:$0x3FA8]  }
0x29: {  	s4 =	sld [smem:$0x3FAA]  }
0x2a: {  	p0 =	seq.s32 s5, $0x0;
	s5 =	sld [smem:$0x3FAB]  }
0x2b: {  	s6 =	sld [smem:$0x3FAC]  }
0x2c: {  	s7 =	sld [smem:$0x3FAD]  }
0x2d: {  	s3 =	simm.s32 $0x108;
	s8 =	sld [smem:$0x3FAE]  }
0x2e: {  	s3 =	simm.s32 @!p0 $0x1082;
	s9 =	sld [smem:$0x3FAF]  }
0x2f: {  	lr =	sadd.s32 s0, s3;
	s0 =	sld [smem:$0x3FA6]  }
0x30: {  	s3 =	sld [smem:$0x3FA9]  }
0x31: {  	[smem:$0x3FB2] =	sst s10  }
0x32: {  	s10 =	sld [smem:$0x3FB0];
	_ =	sdelay $0x3  }
0x33: {  	p0 =	seq.s32 s10, $0x1;
	s10 =	sld [smem:$0x3FB2];
	_ =	sdelay $0x3  }
0x34: {  	[smem:$0x3FB2] =	sst s10  }
0x35: {  	s10 =	sld [smem:$0x3FB1];
	_ =	sdelay $0x3  }
0x36: {  	p1 =	seq.s32 s10, $0x1;
	s10 =	sld [smem:$0x3FB2];
	_ =	sdelay $0x3  }
0x37: {  	[smem:$0x3FB2] =	sst s10  }
0x38: {  	s10 =	sld [smem:$0x3FB3]  }
0x39: {  	_ = 	snop;
	(pc) =	sbr.ind lr, $3  }
0x3a: {  	_ = 	snop  }
0x3b: {  	_ = 	snop  }
0x3c: {  	p2 =	seq.s32 s10, $0x1;
	s10 =	sld [smem:$0x3FB2]  }
0x3d: {  	_ =	shalt  }
0x3e: {  	_ =	shalt  }
0x3f: {  	_ =	shalt  }
0x40: {  	_ =	shalt  }
0x41: {  	_ =	shalt  }
0x42: {  	_ =	shalt  }
0x43: {  	_ =	shalt  }
0x44: {  	_ =	shalt  }
0x45: {  	_ =	shalt  }
0x46: {  	_ =	shalt  }
0x47: {  	_ =	shalt  }
0x48: {  	_ =	shalt  }
0x49: {  	_ =	shalt  }
0x4a: {  	_ =	shalt  }
0x4b: {  	_ =	shalt  }
0x4c: {  	_ =	shalt  }
0x4d: {  	_ =	shalt  }
0x4e: {  	_ =	shalt  }
0x4f: {  	_ =	shalt  }
0x50: {  	_ =	shalt  }
0x51: {  	_ =	shalt  }
0x52: {  	_ =	shalt  }
0x53: {  	_ =	shalt  }
0x54: {  	_ =	shalt  }
0x55: {  	_ =	shalt  }
0x56: {  	_ =	shalt  }
0x57: {  	_ =	shalt  }
0x58: {  	_ =	shalt  }
0x59: {  	_ =	shalt  }
0x5a: {  	_ =	shalt  }
0x5b: {  	_ =	shalt  }
0x5c: {  	_ =	shalt  }
0x5d: {  	_ =	shalt  }
0x5e: {  	_ =	shalt  }
0x5f: {  	_ =	shalt  }
0x60: {  	_ =	shalt  }
0x61: {  	_ =	shalt  }
0x62: {  	_ =	shalt  }
0x63: {  	_ =	shalt  }
0x64: {  	_ =	shalt  }
0x65: {  	_ =	shalt  }
0x66: {  	_ =	shalt  }
0x67: {  	_ =	shalt  }
0x68: {  	_ =	shalt  }
0x69: {  	_ =	shalt  }
0x6a: {  	_ =	shalt  }
0x6b: {  	_ =	shalt  }
0x6c: {  	_ =	shalt  }
0x6d: {  	_ =	shalt  }
0x6e: {  	_ =	shalt  }
0x6f: {  	_ =	shalt  }
0x70: {  	_ =	shalt  }
0x71: {  	_ =	shalt  }
0x72: {  	_ =	shalt  }
0x73: {  	_ =	shalt  }
0x74: {  	_ =	shalt  }
0x75: {  	_ =	shalt  }
0x76: {  	_ =	shalt  }
0x77: {  	_ =	shalt  }
0x78: {  	_ =	shalt  }
0x79: {  	_ =	shalt  }
0x7a: {  	_ =	shalt  }
0x7b: {  	_ =	shalt  }
0x7c: {  	_ =	shalt  }
0x7d: {  	_ =	shalt  }
0x7e: {  	_ =	shalt  }
0x7f: {  	_ =	shalt  }
0x80: {  	_ =	shalt  }
0x81: {  	_ =	shalt  }
0x82: {  	_ =	shalt  }
0x83: {  	_ =	shalt  }
0x84: {  	_ =	shalt  }
0x85: {  	_ =	shalt  }
0x86: {  	_ =	shalt  }
0x87: {  	_ =	shalt  }
.Lfunc_end0:
.L_simem_size_0:
called_computation.3_lowered:
.L_overlay_start_0:
0x88: {  	s2 =	sld [smem:$0x3FD9]  }
0x89: {  	s3 =	sld [smem:$0x3FFE];
	_ =	sdelay $0x1  }
0x8a: {  	s1 =	srdreg.scid  }
0x8b: {  	s0 =	sand.u32 $0x1, s1  }
0x8c: {  	s17 =	sshll.u32 s0, $0xA;
	s2 =	sadd.s32 s3, s2  }
0x8d: {  	s2 =	sadd.s32 s2, s17  }
0x8e: {  	[smem:$0x3FBE] =	sst s2  }
0x8f: {  	_ = 	snop  }
0x90: {  	s2 =	sld [smem:$0x3FD0];
	(tm) =	ssettm $0x1  }
0x91: {  	s18 =	sld [smem:$0x3FFB];
	_ =	sdelay $0x3  }
0x92: {  	_ =	strace s18  }
0x93: {  	s3 =	sld [smem:$0x3FFC];
	_ =	sdelay $0x3  }
0x94: {  	_ =	strace s3  }
0x95: {  	s3 =	sld [smem:$0x3FFD];
	_ =	sdelay $0x3  }
0x96: {  	_ =	strace s3  }
0x97: {  	_ =	strace $0x8FFFFFFF  }
0x98: {  	s19 =	sld [smem:$0x3FDB];
	_ =	sdelay $0x1  }
0x99: {  	s4 =	simm.s32 $_scs_section_size  }
0x9a: {  	s5 =	simm.s32 $_size__tile_overlayer_lowered;
	s6 =	simm.s32 $_tile_overlayer_lowered  }
0x9b: {  	s22 =	simm.s32 $0x1BFF;
	s21 =	sshll.u32 s6, $0x1;
	s3 =	sadd.s32 s4, s19  }
0x9c: {  	s7 =	simm.s32 $0x0;
	s20 =	sshll.u32 s5, $0x1;
	s5 =	sadd.s32 s21, s3  }
0x9d: {  	[timem:s7], [sflag:s22] =	dma.local [hbm:s5], s20  }
0x9e: {  	_ =	swait.ge [sflag:s22], s20  }
0x9f: {  	s4 =	ssub.s32 $0x0, s20;
	[sflag:s22] =	ssyncset.done $0x0  }
0xa0: {  	[sflag:s22] =	ssyncadd.s32 s4;
	_ =	sdelay $0x1  }
0xa1: {  	s23 =	simm.s32 $0x1B8B  }
0xa2: {  	_ =	swait.ge [sflag:s23], $0x1  }
0xa3: {  	[sflag:s23] =	ssyncset.done $0x0  }
0xa4: {  	s25 =	simm.s32 $0x1B8E;
	s24 =	sld [smem:$0x3FFE];
	[sflag:s23] =	ssyncadd.s32 $0xFFFFFFFF  }
0xa5: {  	s26 =	simm.s32 $execute0_lowered;
	[smem:$0x3FD2] =	sst s25  }
0xa6: {  	s5 =	sshll.u32 s26, $0x1;
	_ =	strace $0x8000004C;
	[dreg:$0x1] =	wrdreg $0xFFFFFFFF  }
0xa7: {  	s28 =	simm.s32 $_size_execute0_lowered;
	s3 =	sadd.s32 s3, s5;
	[dreg:$0x0] =	wrdreg $0x0  }
0xa8: {  	s5 =	sshll.u32 s28, $0x1;
	[dreg:$0x2] =	wrdreg s3  }
0xa9: {  	[dreg:$0x3] =	wrdreg s5  }
0xaa: {  	[dreg:$0x4] =	wrdreg $0xC0  }
0xab: {  	_ =	task [dreg:s7], $0x5FFFF  }
0xac: {  	[dreg:$0x1] =	wrdreg $0xFFFFFFFF  }
0xad: {  	[dreg:$0x0] =	wrdreg $0x60  }
0xae: {  	[dreg:$0x2] =	wrdreg s24  }
0xaf: {  	[dreg:$0x3] =	wrdreg s2  }
0xb0: {  	[dreg:$0x4] =	wrdreg $0xA7800  }
0xb1: {  	[dreg:$0x5] =	wrdreg $0x9  }
0xb2: {  	_ =	task.clear_ibuf [dreg:s7], $0x6FFFF;
	_ =	strace $0x9000004C  }
0xb3: {  	s29 =	simm.s32 $0x9;
	_ =	strace $0x8000004E  }
0xb4: {  	_ =	swait.ge [sflag:s29], $0x1  }
0xb5: {  	[sflag:s29] =	ssyncadd.s32 $0xFFFFFFFF  }
0xb6: {  	_ =	strace $0x9000004E  }
0xb7: {  	_ =	sfence  }
0xb8: {  	s30 =	sld [smem:$0x0];
	_ =	sdelay $0x2  }
0xb9: {  	s31 =	sshll.u32 s1, $0xD;
	s1 =	sshrl.u32 s1, $0x2  }
0xba: {  	s3 =	sand.u32 $0x4000, s31;
	s1 =	sadd.s32 s1, s30  }
0xbb: {  	s0 =	sor.u32 s3, s0;
	s1 =	sshll.u32 s1, $0x11  }
0xbc: {  	s0 =	sor.u32 s1, s0  }
0xbd: {  	s0 =	sadd.s32 $0x8F2B, s0  }
0xbe: {  	[sflag:s0] =	ssyncadd.remote.s32 $0x1  }
0xbf: {  	_ =	sfence.sel $0xFFFF  }
0xc0: {  	[dreg:$0x0] =	wrdreg $0xFFFFFFFF;
	(pc) =	sbr.abs _section_cstart, $3  }
0xc1: {  	[dreg:$0x1] =	wrdreg $0xFFFFFFFF  }
0xc2: {  	_ =	task.clear_ibuf [dreg:s7], $0x2FFFF;
	_ =	strace $0x9FFFFFFF  }
0xc3: {  	(tm) =	ssettm $0x7FFFFFFF  }
tec
execute0_lowered:
.L_overlay_start_1:
0x0: {  	(tag) =	ssettag $0x1  }
0x1: {  	s0 =	rddreg [dreg:$0x0]  }
0x2: {  	s1 =	rddreg [dreg:$0x1]  }
0x3: {  	s2 =	rddreg [dreg:$0x2];
	s3 =	simm.s32 $0x0;
	s20 =	srdreg.scid  }
0x4: {  	s7 =	stileid.u32;
	s15 =	simm.s32 $0xA300;
	s16 =	simm.s32 $0x5  }
0x5: {  	s17 =	simm.s32 $0x10;
	s28 =	simm.s32 $0x2000;
	s29 =	simm.s32 $0x2080  }
0x6: {  	s30 =	simm.s32 $0x3;
	s31 =	simm.s32 $0x4;
	s11 =	smul.u32 $0x4E20, s7  }
0x7: {  	[smem:$0x7FF] =	sst s3;
	s5 =	sadd.s32 $0x192E00, s0;
	s10 =	smul.u32 $0x50000, s7  }
0x8: {  	s6 =	sadd.s32 $0x2600, s0;
	s0 =	sadd.s32 $0x2CB600, s0;
	s13 =	smul.u32 $0x51000, s7  }
0x9: {  	s3 =	sand.u32 $0x1, s20;
	s12 =	smul.u32 $0x50, s7;
	_ =	strace $0x8000004D  }
0xa: {  	s4 =	ssub.s32 $0x2, s3;
	[dreg:$0x4] =	wrdreg s0;
	s3 =	smul.u32 $0x1400, s3  }
0xb: {  	s21 =	sshrl.u32 s4, $0x1;
	s22 =	sshrl.u32 s11, $0x3;
	s24 =	sshrl.u32 s10, $0x2  }
0xc: {  	s11 =	sadd.s32 $0x7D0, s11;
	s26 =	sshrl.u32 s13, $0x2;
	s0 =	ssub.s32 s4, s21  }
.Ltmp0:
0xd: {  	[dreg:$0x5] =	wrdreg s3;
	s23 =	sadd.s32 s6, s22;
	(pc) =	sbr.rel .LBB2_1-.Ltmp0, $4  }
0xe: {  	s10 =	sadd.s32 s1, s22;
	s25 =	sadd.s32 s24, s2;
	s14 =	sadd.s32 s26, s2  }
0xf: {  	s22 =	simm.s32 $0x800;
	s24 =	simm.s32 $0x1000;
	s26 =	simm.s32 $0x1800  }
0x10: {  	s3 =	simm.s32 $0x0;
	[dreg:$0x6] =	wrdreg s23;
	s0 =	smax.u32 s0, $0x1  }
0x11: {  	v0 =	vimm.f32 $0.0e+00;
	v1 =	vimm.s32 $0x0;
	v2 =	vimm.s32 $0x500;
	s23 =	simm.s32 $0x1;
	s25 =	sshrl.u32 s25, $0x3;
	[dreg:$0x7] =	wrdreg s0  }
.LBB2_16:
0x12: {  	s3 =	rddreg [dreg:$0x8]  }
0x13: {  	s0 =	rddreg [dreg:$0x7];
	s3 =	sadd.s32 $0x1, s3  }
0x14: {  	p0 =	sne.s32 s3, s0  }
.Ltmp1:
0x15: {  	_ = 	snop;
	(pc) =	sbr.rel @!p0 .LBB2_17-.Ltmp1, $1  }
0x16: {  	_ =	sdelay $0x3  }
.LBB2_1:
0x17: {  	s21 =	simm.s32 $0x0  }
0x18: {  	s0 =	sand.u32 $0xE00, s21  }
0x19: {  	[dreg:$0x8] =	wrdreg s3;
	s3 =	sand.u32 $0x70, s21;
	s4 =	sshrl.u32 s0, $0x2  }
0x1a: {  	s0 =	simm.s32 $0x40;
	s13 =	sor.u32 s3, s4;
	s4 =	simm.s32 $0x0  }
.LBB2_2:
0x1b: {  	p0 =	sne.s32 s0, $0xFC0  }
0x1c: {  	[tilespmem:s13+$0xA300] =	vst v0;
	s4 =	sadd.s32 $0x10, s4;
	s3 =	smov.u32 s0;
	s0 =	sadd.s32 $0x40, s0  }
.Ltmp2:
0x1d: {  	(pc) =	sbr.rel @p0 .LBB2_2-.Ltmp2, $4  }
0x1e: {  	_ = 	snop  }
0x1f: {  	s3 =	sand.u32 $0xE00, s3  }
0x20: {  	s13 =	sand.u32 $0x70, s4;
	s3 =	sshrl.u32 s3, $0x2  }
0x21: {  	s13 =	sor.u32 s13, s3;
	s3 =	simm.s32 $0x0  }
.Ltmp3:
0x22: {  	(pc) =	sbr.rel .LBB2_4-.Ltmp3, $2  }
0x23: {  	_ =	sdelay $0x2  }
0x24: {  	[tilespmem:s13+$0xA300] =	vst v0  }
.LBB2_15:
0x25: {  	_ =	swait.ge [sflag:s23], $0x7D0  }
0x26: {  	[sflag:s23] =	ssyncset.done $0x0  }
0x27: {  	[sflag:s23] =	ssyncadd.s32 $0xFFFFF830  }
0x28: {  	_ =	swait.ge [sflag:s23], $0x7D0  }
0x29: {  	[sflag:s23] =	ssyncset.done $0x0  }
0x2a: {  	s0 =	sand.u32 $0x1, s18;
	[sflag:s23] =	ssyncadd.s32 $0xFFFFF830  }
0x2b: {  	p0 =	seq.s32 s0, $0x1;
	[tilespmem:s4+$0x2000] =	vst v1  }
0x2c: {  	s0 =	simm.s32 @p0 $0x4;
	[tilespmem:s4+$0x2080] =	vst v2  }
0x2d: {  	_ =	swait.ge @p0 [sflag:s0], $0x4000  }
0x2e: {  	[sflag:s0] =	ssyncset.done @p0 $0x0  }
0x2f: {  	[sflag:s0] =	ssyncadd.s32 @p0 $0xFFFFC000  }
0x30: {  	v3 =	vld @p0 [tilespmem:$0x2000]  }
0x31: {  	v4 =	vld @p0 [tilespmem:$0x2080];
	_ =	sdelay $0x3  }
0x32: {  	[tilespmem:$0x2200] =	vst @p0 v3  }
0x33: {  	s0 =	simm.s32 @p0 $0x2;
	[tilespmem:$0x2280] =	vst @p0 v4  }
0x34: {  	_ =	swait.ge @p0 [sflag:s0], $0x4000  }
0x35: {  	s7 =	simm.s32 @p0 $0x2200;
	[sflag:s0] =	ssyncset.done @p0 $0x0  }
0x36: {  	s8 =	simm.s32 @p0 $0x6300;
	s4 =	simm.s32 @p0 $0x10;
	[sflag:s0] =	ssyncadd.s32 @p0 $0xFFFFC000  }
0x37: {  	[tilespmem:s8], [sflag:$0x2] =	stream.indirect.gather @p0 [hbm4b:s5+s4], $0x400, s7, s4, $0xb8;
	[tilespmem:$0x1EB80] =	vst v63  }
0x38: {  	s9 =	simm.s32 @p0 $0x2300;
	s7 =	simm.s32 @p0 $0x2180  }
0x39: {  	[spmem:s2] =	stream.indirect.scatter.add.f32 @p0 [tilespmem:s9], [sflag:$0x3], $0x400, s7, s4, $0xb8;
	[tilespmem:$0x1EB80] =	vst v63  }
0x3a: {  	_ =	swait.ge @p0 [sflag:s0], $0x4000  }
0x3b: {  	[sflag:s0] =	ssyncset.done @p0 $0x0  }
0x3c: {  	[sflag:s0] =	ssyncadd.s32 @p0 $0xFFFFC000;
	s0 =	simm.s32 @p0 $0x2280  }
0x3d: {  	[spmem:s2] =	stream.indirect.scatter.add.f32 @p0 [tilespmem:s8], [sflag:$0x4], $0x400, s0, s4, $0xb8;
	[tilespmem:$0x1EB80] =	vst v63  }
0x3e: {  	s0 =	simm.s32 @!p0 $0x3  }
0x3f: {  	_ =	swait.ge @!p0 [sflag:s0], $0x4000  }
0x40: {  	[sflag:s0] =	ssyncset.done @!p0 $0x0  }
0x41: {  	[sflag:s0] =	ssyncadd.s32 @!p0 $0xFFFFC000  }
0x42: {  	v3 =	vld @!p0 [tilespmem:$0x2000]  }
0x43: {  	v4 =	vld @!p0 [tilespmem:$0x2080];
	_ =	sdelay $0x3  }
0x44: {  	[tilespmem:$0x2100] =	vst @!p0 v3  }
0x45: {  	s0 =	simm.s32 @!p0 $0x2;
	[tilespmem:$0x2180] =	vst @!p0 v4  }
0x46: {  	_ =	swait.ge @!p0 [sflag:s0], $0x4000  }
0x47: {  	s7 =	simm.s32 @!p0 $0x2100;
	[sflag:s0] =	ssyncset.done @!p0 $0x0  }
0x48: {  	s4 =	simm.s32 @!p0 $0x10;
	s8 =	simm.s32 @!p0 $0x2300;
	[sflag:s0] =	ssyncadd.s32 @!p0 $0xFFFFC000  }
0x49: {  	[tilespmem:s8], [sflag:$0x2] =	stream.indirect.gather @!p0 [hbm4b:s5+s4], $0x400, s7, s4, $0xb8;
	[tilespmem:$0x1EB80] =	vst v63  }
0x4a: {  	s9 =	simm.s32 @!p0 $0x6300;
	s7 =	simm.s32 @!p0 $0x2280  }
0x4b: {  	[spmem:s2] =	stream.indirect.scatter.add.f32 @!p0 [tilespmem:s9], [sflag:$0x4], $0x400, s7, s4, $0xb8;
	[tilespmem:$0x1EB80] =	vst v63  }
0x4c: {  	_ =	swait.ge @!p0 [sflag:s0], $0x4000  }
0x4d: {  	[sflag:s0] =	ssyncset.done @!p0 $0x0  }
0x4e: {  	[sflag:s0] =	ssyncadd.s32 @!p0 $0xFFFFC000;
	s0 =	simm.s32 @!p0 $0x2180  }
0x4f: {  	[spmem:s2] =	stream.indirect.scatter.add.f32 @!p0 [tilespmem:s8], [sflag:$0x3], $0x400, s0, s4, $0xb8;
	[tilespmem:$0x1EB80] =	vst v63  }
0x50: {  	_ =	swait.ge [sflag:s30], $0x4000  }
0x51: {  	[sflag:s30] =	ssyncset.done $0x0  }
0x52: {  	[sflag:s30] =	ssyncadd.s32 $0xFFFFC000  }
0x53: {  	_ =	swait.ge [sflag:s31], $0x4000  }
0x54: {  	[sflag:s31] =	ssyncset.done $0x0  }
0x55: {  	s19 =	sadd.s32 s12, s13;
	[sflag:s31] =	ssyncadd.s32 $0xFFFFC000  }
0x56: {  	s20 =	stileid.u32;
	s3 =	sadd.s32 $0x1, s3;
	[bflag:$0x0] =	sbarrier.arrive $0xFFFF  }
0x57: {  	s0 =	sshll.u32 s19, $0x7;
	s4 =	sshll.u32 s20, $0x6;
	s21 =	rddreg [dreg:$0x4]  }
0x58: {  	p0 =	sne.s32 s3, $0x4;
	s4 =	sor.u32 $0x1C05, s4;
	s0 =	sadd.s32 s21, s0  }
0x59: {  	[hbm:s0], [sflag:s4] =	dma.local [spmem:s25], $0x2800  }
.Ltmp4:
0x5a: {  	_ =	swait.ge [sflag:s16], $0x2800;
	(pc) =	sbr.rel @!p0 .LBB2_16-.Ltmp4, $3  }
0x5b: {  	[sflag:s16] =	ssyncset.done $0x0  }
0x5c: {  	[sflag:s16] =	ssyncadd.s32 $0xFFFFD800  }
0x5d: {  	[bflag:$0x0] =	sbarrier.arrive $0xFFFF;
	_ =	sdelay $0x1  }
.LBB2_4:
0x5e: {  	s0 =	sadd.s32 $0x0, s14  }
0x5f: {  	[spmem:s0] =	stream.linear.scatter [tilespmem:s15], [sflag:$0x5], $0x400, $0x38;
	[tilespmem:$0x1EB80] =	vst v63  }
0x60: {  	s0 =	simm.s32 $0x1000;
	_ =	swait.ge [sflag:s16], $0x400  }
.LBB2_5:
0x61: {  	s4 =	sshra.s32 s0, $0x2;
	[sflag:s16] =	ssyncset.done $0x0;
	p0 =	sne.s32 s0, $0x50000  }
.Ltmp5:
0x62: {  	s4 =	sadd.s32 s4, s14;
	[sflag:s16] =	ssyncadd.s32 $0xFFFFFC00;
	(pc) =	sbr.rel @p0 .LBB2_5-.Ltmp5, $3  }
0x63: {  	[spmem:s4] =	stream.linear.scatter [tilespmem:s15], [sflag:$0x5], $0x400, $0x38;
	[tilespmem:$0x1EB80] =	vst v63  }
0x64: {  	s0 =	sadd.s32 $0x1000, s0;
	_ =	sdelay $0x1  }
0x65: {  	_ =	swait.ge [sflag:s16], $0x400  }
0x66: {  	[sflag:s16] =	ssyncset.done $0x0  }
0x67: {  	[sflag:s16] =	ssyncadd.s32 $0xFFFFFC00  }
0x68: {  	[bflag:$0x0] =	sbarrier.arrive $0xFFFF  }
0x69: {  	[tilespmem:$0x2200] =	vst v1  }
0x6a: {  	[tilespmem:$0x2280] =	vst v2  }
0x6b: {  	s0 =	simm.s32 $0x2200;
	s4 =	simm.s32 $0x6300;
	[tilespmem:$0xA700] =	vst v2  }
0x6c: {  	[tilespmem:s4], [sflag:$0x2] =	stream.indirect.gather [hbm4b:s5+s17], $0x400, s0, s17, $0xb8;
	[tilespmem:$0x1EB80] =	vst v63  }
0x6d: {  	s13 =	simm.s32 $0xA700;
	s18 =	simm.s32 $0x2300  }
0x6e: {  	[spmem:s2] =	stream.indirect.scatter.add.f32 [tilespmem:s18], [sflag:$0x3], $0x400, s13, s17, $0xb8;
	[tilespmem:$0x1EB80] =	vst v63  }
.Ltmp6:
0x6f: {  	s19 =	rddreg [dreg:$0x6];
	(pc) =	sbr.rel .LBB2_7-.Ltmp6, $4  }
0x70: {  	s20 =	smul.u32 $0x500, s3;
	s21 =	rddreg [dreg:$0x5];
	s18 =	simm.s32 $0x0  }
0x71: {  	[tilespmem:s18], [sflag:$0x1] =	stream.linear.gather [hbm4b:s19+s18], $0x7D0, $0x38;
	[tilespmem:$0x1EB80] =	vst v63  }
0x72: {  	s4 =	simm.s32 $0x0;
	s0 =	simm.s32 $0x0;
	s13 =	sadd.s32 s21, s20  }
0x73: {  	v3 =	vmov s13;
	[tilespmem:s22], [sflag:$0x1] =	stream.linear.gather [hbm4b:s10+s18], $0x7D0, $0x38;
	[tilespmem:$0x1EB80] =	vst v63  }
.LBB2_13:
0x74: {  	[tilespmem:$0x2000] =	vst @!p1 v4  }
0x75: {  	[tilespmem:$0x2080] =	vst @!p1 v5  }
.LBB2_14:
0x76: {  	s0 =	sadd.s32 $0x1, s0  }
0x77: {  	p0 =	sne.s32 s0, $0xA  }
.Ltmp7:
0x78: {  	_ = 	snop;
	(pc) =	sbr.rel @!p0 .LBB2_15-.Ltmp7, $1  }
0x79: {  	_ =	sdelay $0x3  }
.LBB2_7:
0x7a: {  	s19 =	smul.u32 $0x7D0, s0;
	_ =	sdelay $0x1  }
0x7b: {  	s19 =	sadd.s32 s19, s11  }
0x7c: {  	s20 =	sand.u32 $0x1, s0;
	p0 =	slt.s32 s19, $0x4DA30  }
0x7d: {  	_ =	swait.ge [sflag:s23], $0x7D0;
	s19 =	simm.s32 @!p0 $0x4DA30;
	p0 =	seq.s32 s20, $0x1  }
.Ltmp8:
0x7e: {  	[sflag:s23] =	ssyncset.done $0x0;
	(pc) =	sbr.rel @p0 .LBB2_11-.Ltmp8, $4  }
0x7f: {  	[sflag:s23] =	ssyncadd.s32 $0xFFFFF830  }
0x80: {  	_ =	swait.ge [sflag:s23], $0x7D0  }
0x81: {  	[sflag:s23] =	ssyncset.done $0x0;
	s19 =	sshrl.u32 s19, $0x3  }
0x82: {  	[sflag:s23] =	ssyncadd.s32 $0xFFFFF830;
	s20 =	sadd.s32 s6, s19;
	s19 =	sadd.s32 s1, s19  }
0x83: {  	s21 =	simm.s32 $0x0  }
0x84: {  	[tilespmem:s24], [sflag:$0x1] =	stream.linear.gather [hbm4b:s20+s21], $0x7D0, $0x38;
	[tilespmem:$0x1EB80] =	vst v63  }
0x85: {  	s8 =	simm.s32 $0x0  }
0x86: {  	[tilespmem:s26], [sflag:$0x1] =	stream.linear.gather [hbm4b:s19+s21], $0x7D0, $0x38;
	[tilespmem:$0x1EB80] =	vst v63  }
0x87: {  	v4 =	vld [tilespmem:s8+$0x800];
	_ =	sdelay $0x4  }
0x88: {  	v4 =	vsub.s32 v4, v3  }
0x89: {  	vm0 =	vlt.u32 v4, $0x500  }
0x8a: {  	v5 =	vsel vm0, $0x1, v1  }
0x8b: {  	(xrf0) =	vadd.scan.msk.s32 $0xffff, v5;
	_ =	sdelay $0x5  }
0x8c: {  	v5, _, _ =	vpop (xrf0)  }
0x8d: {  	v6 =	vxor.u32 $0x80000000, v5  }
0x8e: {  	(xrf0) =	vmax.scan.msk.u32 $0xffff, v6;
	_ =	sdelay $0x5  }
0x8f: {  	v6, _, _ =	vpop (xrf0)  }
0x90: {  	(v2sf) =	vpush v6, $0xF;
	_ =	sdelay $0xa  }
0x91: {  	v6 =	vmov s4  }
0x92: {  	v6 =	vadd.s32 $0xFFFFFFFF, v6  }
0x93: {  	v6 =	vbroadcast v6, $0x0;
	_ =	sdelay $0x1  }
0x94: {  	v5 =	vadd.s32 v5, v6;
	s9 =	spop (v2sf)  }
0x95: {  	v6 =	vld [tilespmem:s8+$0x0];
	v5 =	vnsel vm0, $0x30, v5;
	s21 =	sadd.s32 s9, s4  }
0x96: {  	s20 =	sadd.s32 $0x80000000, s21  }
0x97: {  	p1 =	slt.s32 s20, $0x10  }
0x98: {  	s4 =	sand.u32 @!p1 $0x1, s18  }
0x99: {  	p0 =	seq.s32 @!p1 s4, $0x1  }
0x9a: {  	[tilespmem:v5+s28+$0x0] =	vst.idx.msk $0xffff, v6;
	p2 =	por !p0, p1  }
0x9b: {  	[tilespmem:v5+s29+$0x0] =	vst.idx.msk $0xffff, v4;
	s4 =	simm.s32 @!p2 $0x4  }
0x9c: {  	_ =	swait.ge @!p2 [sflag:s4], $0x4000  }
0x9d: {  	[sflag:s4] =	ssyncset.done @!p2 $0x0  }
0x9e: {  	[sflag:s4] =	ssyncadd.s32 @!p2 $0xFFFFC000  }
0x9f: {  	v4 =	vld @!p2 [tilespmem:$0x2000]  }
0xa0: {  	v5 =	vld @!p2 [tilespmem:$0x2080];
	_ =	sdelay $0x3  }
0xa1: {  	[tilespmem:$0x2200] =	vst @!p2 v4  }
0xa2: {  	s4 =	simm.s32 @!p2 $0x2;
	[tilespmem:$0x2280] =	vst @!p2 v5  }
0xa3: {  	_ =	swait.ge @!p2 [sflag:s4], $0x4000  }
0xa4: {  	p0 =	por p0, p1;
	s19 =	simm.s32 @!p2 $0x6300;
	[sflag:s4] =	ssyncset.done @!p2 $0x0  }
0xa5: {  	s21 =	simm.s32 @!p2 $0x10;
	s7 =	simm.s32 @!p2 $0x2200;
	[sflag:s4] =	ssyncadd.s32 @!p2 $0xFFFFC000  }
0xa6: {  	[tilespmem:s19], [sflag:$0x2] =	stream.indirect.gather @!p2 [hbm4b:s5+s21], $0x400, s7, s21, $0xb8;
	[tilespmem:$0x1EB80] =	vst v63  }
0xa7: {  	s4 =	simm.s32 @!p2 $0x2180;
	s7 =	simm.s32 @!p2 $0x2300;
	s19 =	simm.s32 @!p0 $0x3  }
0xa8: {  	[spmem:s2] =	stream.indirect.scatter.add.f32 @!p2 [tilespmem:s7], [sflag:$0x3], $0x400, s4, s21, $0xb8;
	[tilespmem:$0x1EB80] =	vst v63  }
0xa9: {  	_ =	swait.ge @!p0 [sflag:s19], $0x4000  }
0xaa: {  	[sflag:s19] =	ssyncset.done @!p0 $0x0  }
0xab: {  	[sflag:s19] =	ssyncadd.s32 @!p0 $0xFFFFC000  }
0xac: {  	v4 =	vld @!p0 [tilespmem:$0x2000]  }
0xad: {  	v5 =	vld @!p0 [tilespmem:$0x2080];
	_ =	sdelay $0x3  }
0xae: {  	[tilespmem:$0x2100] =	vst @!p0 v4  }
0xaf: {  	s4 =	simm.s32 @!p0 $0x2;
	[tilespmem:$0x2180] =	vst @!p0 v5  }
0xb0: {  	_ =	swait.ge @!p0 [sflag:s4], $0x4000  }
0xb1: {  	s7 =	simm.s32 @!p0 $0x10;
	[sflag:s4] =	ssyncset.done @!p0 $0x0  }
0xb2: {  	s21 =	simm.s32 @!p0 $0x2300;
	s19 =	simm.s32 @!p0 $0x2100;
	[sflag:s4] =	ssyncadd.s32 @!p0 $0xFFFFC000  }
0xb3: {  	[tilespmem:s21], [sflag:$0x2] =	stream.indirect.gather @!p0 [hbm4b:s5+s7], $0x400, s19, s7, $0xb8;
	[tilespmem:$0x1EB80] =	vst v63  }
0xb4: {  	s4 =	simm.s32 @!p0 $0x2280;
	s21 =	sadd.s32 @!p1 $0x1, s18;
	s19 =	simm.s32 @!p0 $0x6300  }
0xb5: {  	[spmem:s2] =	stream.indirect.scatter.add.f32 @!p0 [tilespmem:s19], [sflag:$0x4], $0x400, s4, s7, $0xb8;
	[tilespmem:$0x1EB80] =	vst v63  }
0xb6: {  	s21 =	smov.u32 @p1 s18;
	s4 =	sadd.s32 @!p1 $0xFFFFFFF0, s20;
	v4 =	vld @!p1 [tilespmem:$0x2010]  }
0xb7: {  	s19 =	simm.s32 $0x40;
	s18 =	smov.u32 s21;
	s4 =	smov.u32 @p1 s20;
	v5 =	vld @!p1 [tilespmem:$0x2090]  }
.LBB2_9:
0xb8: {  	s20 =	smov.u32 s18  }
0xb9: {  	s7 =	smov.u32 s19;
	s19 =	sadd.s32 $0x40, s19  }
0xba: {  	p0 =	seq.s32 s19, $0x1F40  }
0xbb: {  	[tilespmem:$0x2000] =	vst @!p1 v4  }
0xbc: {  	s7 =	sshra.s32 s7, $0x2;
	[tilespmem:$0x2080] =	vst @!p1 v5  }
0xbd: {  	v4 =	vld [tilespmem:s7+$0x800];
	_ =	sdelay $0x4  }
0xbe: {  	v4 =	vsub.s32 v4, v3  }
0xbf: {  	vm0 =	vlt.u32 v4, $0x500  }
0xc0: {  	v5 =	vsel vm0, $0x1, v1  }
0xc1: {  	(xrf0) =	vadd.scan.msk.s32 $0xffff, v5;
	_ =	sdelay $0x2  }
0xc2: {  	v5 =	vmov s4  }
0xc3: {  	v5 =	vadd.s32 $0xFFFFFFFF, v5  }
0xc4: {  	v5 =	vbroadcast v5, $0x0  }
0xc5: {  	v6, _, _ =	vpop (xrf0)  }
0xc6: {  	v5 =	vadd.s32 v6, v5;
	v6 =	vxor.u32 $0x80000000, v6  }
0xc7: {  	v7 =	vld [tilespmem:s7+$0x0];
	v5 =	vnsel vm0, $0x30, v5;
	(xrf0) =	vmax.scan.msk.u32 $0xffff, v6;
	_ =	sdelay $0x4  }
0xc8: {  	[tilespmem:v5+s28+$0x0] =	vst.idx.msk $0xffff, v7  }
0xc9: {  	[tilespmem:v5+s29+$0x0] =	vst.idx.msk $0xffff, v4;
	v4, _, _ =	vpop (xrf0)  }
0xca: {  	(v2sf) =	vpush v4, $0xF;
	_ =	sdelay $0xe  }
0xcb: {  	s7 =	spop (v2sf)  }
0xcc: {  	s4 =	sadd.s32 s7, s4  }
0xcd: {  	s7 =	sadd.s32 $0x80000000, s4  }
0xce: {  	p1 =	slt.s32 s7, $0x10  }
0xcf: {  	s21 =	sand.u32 @!p1 $0x1, s18;
	s4 =	sadd.s32 @!p1 $0xFFFFFFF0, s7;
	s18 =	sadd.s32 @!p1 $0x1, s18  }
0xd0: {  	p2 =	seq.s32 @!p1 s21, $0x1;
	s4 =	smov.u32 @p1 s7;
	s18 =	smov.u32 @p1 s20  }
0xd1: {  	p3 =	por !p2, p1  }
0xd2: {  	s7 =	simm.s32 @!p3 $0x4  }
0xd3: {  	_ =	swait.ge @!p3 [sflag:s7], $0x4000  }
0xd4: {  	[sflag:s7] =	ssyncset.done @!p3 $0x0  }
0xd5: {  	[sflag:s7] =	ssyncadd.s32 @!p3 $0xFFFFC000  }
0xd6: {  	v4 =	vld @!p3 [tilespmem:$0x2000]  }
0xd7: {  	v5 =	vld @!p3 [tilespmem:$0x2080];
	_ =	sdelay $0x3  }
0xd8: {  	s7 =	simm.s32 @!p3 $0x2;
	[tilespmem:$0x2200] =	vst @!p3 v4  }
0xd9: {  	[tilespmem:$0x2280] =	vst @!p3 v5  }
0xda: {  	p2 =	por p2, p1;
	s20 =	simm.s32 @!p3 $0x6300;
	_ =	swait.ge @!p3 [sflag:s7], $0x4000  }
0xdb: {  	s21 =	simm.s32 @!p3 $0x10;
	s8 =	simm.s32 @!p3 $0x2200;
	[sflag:s7] =	ssyncset.done @!p3 $0x0  }
0xdc: {  	s9 =	simm.s32 @!p3 $0x2300;
	[sflag:s7] =	ssyncadd.s32 @!p3 $0xFFFFC000;
	s7 =	simm.s32 @!p3 $0x2180  }
0xdd: {  	[tilespmem:s20], [sflag:$0x2] =	stream.indirect.gather @!p3 [hbm4b:s5+s21], $0x400, s8, s21, $0xb8;
	[tilespmem:$0x1EB80] =	vst v63  }
0xde: {  	s8 =	simm.s32 @!p2 $0x3  }
0xdf: {  	[spmem:s2] =	stream.indirect.scatter.add.f32 @!p3 [tilespmem:s9], [sflag:$0x3], $0x400, s7, s21, $0xb8;
	[tilespmem:$0x1EB80] =	vst v63  }
0xe0: {  	_ =	swait.ge @!p2 [sflag:s8], $0x4000  }
0xe1: {  	[sflag:s8] =	ssyncset.done @!p2 $0x0  }
0xe2: {  	[sflag:s8] =	ssyncadd.s32 @!p2 $0xFFFFC000  }
0xe3: {  	v4 =	vld @!p2 [tilespmem:$0x2000]  }
0xe4: {  	v5 =	vld @!p2 [tilespmem:$0x2080];
	_ =	sdelay $0x2  }
0xe5: {  	s7 =	simm.s32 @!p2 $0x2  }
0xe6: {  	[tilespmem:$0x2100] =	vst @!p2 v4  }
0xe7: {  	s8 =	simm.s32 @!p2 $0x10;
	[tilespmem:$0x2180] =	vst @!p2 v5  }
0xe8: {  	s20 =	simm.s32 @!p2 $0x2300;
	s9 =	simm.s32 @!p2 $0x2100;
	_ =	swait.ge @!p2 [sflag:s7], $0x4000  }
0xe9: {  	[sflag:s7] =	ssyncset.done @!p2 $0x0  }
0xea: {  	s21 =	simm.s32 @!p2 $0x6300;
	[sflag:s7] =	ssyncadd.s32 @!p2 $0xFFFFC000;
	s7 =	simm.s32 @!p2 $0x2280  }
0xeb: {  	[tilespmem:s20], [sflag:$0x2] =	stream.indirect.gather @!p2 [hbm4b:s5+s8], $0x400, s9, s8, $0xb8;
	[tilespmem:$0x1EB80] =	vst v63  }
.Ltmp9:
0xec: {  	_ = 	snop;
	(pc) =	sbr.rel @!p0 .LBB2_9-.Ltmp9, $4  }
0xed: {  	_ = 	snop  }
0xee: {  	[spmem:s2] =	stream.indirect.scatter.add.f32 @!p2 [tilespmem:s21], [sflag:$0x4], $0x400, s7, s8, $0xb8;
	[tilespmem:$0x1EB80] =	vst v63  }
0xef: {  	v4 =	vld @!p1 [tilespmem:$0x2010]  }
0xf0: {  	v5 =	vld @!p1 [tilespmem:$0x2090]  }
.Ltmp10:
0xf1: {  	_ = 	snop;
	(pc) =	sbr.rel .LBB2_14-.Ltmp10, $3  }
0xf2: {  	_ =	sdelay $0x1  }
0xf3: {  	[tilespmem:$0x2000] =	vst @!p1 v4  }
0xf4: {  	[tilespmem:$0x2080] =	vst @!p1 v5  }
.LBB2_11:
0xf5: {  	s7 =	simm.s32 $0x0  }
0xf6: {  	[tilespmem:s7], [sflag:$0x1] =	stream.linear.gather [hbm4b:s20+s7], $0x7D0, $0x38;
	[tilespmem:$0x1EB80] =	vst v63  }
0xf7: {  	s20 =	simm.s32 $0x0  }
0xf8: {  	[tilespmem:s22], [sflag:$0x1] =	stream.linear.gather [hbm4b:s19+s7], $0x7D0, $0x38;
	[tilespmem:$0x1EB80] =	vst v63  }
0xf9: {  	v4 =	vld [tilespmem:s20+$0x1800];
	_ =	sdelay $0x4  }
0xfa: {  	v4 =	vsub.s32 v4, v3  }
0xfb: {  	vm0 =	vlt.u32 v4, $0x500  }
0xfc: {  	v5 =	vsel vm0, $0x1, v1  }
0xfd: {  	(xrf0) =	vadd.scan.msk.s32 $0xffff, v5;
	_ =	sdelay $0x5  }
0xfe: {  	v5, _, _ =	vpop (xrf0)  }
0xff: {  	v6 =	vxor.u32 $0x80000000, v5  }
0x100: {  	(xrf0) =	vmax.scan.msk.u32 $0xffff, v6;
	_ =	sdelay $0x5  }
0x101: {  	v6, _, _ =	vpop (xrf0)  }
0x102: {  	(v2sf) =	vpush v6, $0xF;
	_ =	sdelay $0xa  }
0x103: {  	v6 =	vmov s4  }
0x104: {  	v6 =	vadd.s32 $0xFFFFFFFF, v6  }
0x105: {  	v6 =	vbroadcast v6, $0x0;
	_ =	sdelay $0x1  }
0x106: {  	v5 =	vadd.s32 v5, v6;
	s8 =	spop (v2sf)  }
0x107: {  	v6 =	vld [tilespmem:s20+$0x1000];
	v5 =	vnsel vm0, $0x30, v5;
	s21 =	sadd.s32 s8, s4  }
0x108: {  	s7 =	sadd.s32 $0x80000000, s21  }
0x109: {  	p1 =	slt.s32 s7, $0x10  }
0x10a: {  	s4 =	sand.u32 @!p1 $0x1, s18  }
0x10b: {  	p0 =	seq.s32 @!p1 s4, $0x1  }
0x10c: {  	[tilespmem:v5+s28+$0x0] =	vst.idx.msk $0xffff, v6;
	p2 =	por !p0, p1  }
0x10d: {  	[tilespmem:v5+s29+$0x0] =	vst.idx.msk $0xffff, v4;
	s4 =	simm.s32 @!p2 $0x4  }
0x10e: {  	_ =	swait.ge @!p2 [sflag:s4], $0x4000  }
0x10f: {  	[sflag:s4] =	ssyncset.done @!p2 $0x0  }
0x110: {  	[sflag:s4] =	ssyncadd.s32 @!p2 $0xFFFFC000  }
0x111: {  	v4 =	vld @!p2 [tilespmem:$0x2000]  }
0x112: {  	v5 =	vld @!p2 [tilespmem:$0x2080];
	_ =	sdelay $0x3  }
0x113: {  	[tilespmem:$0x2200] =	vst @!p2 v4  }
0x114: {  	s4 =	simm.s32 @!p2 $0x2;
	[tilespmem:$0x2280] =	vst @!p2 v5  }
0x115: {  	_ =	swait.ge @!p2 [sflag:s4], $0x4000  }
0x116: {  	p0 =	por p0, p1;
	s8 =	simm.s32 @!p2 $0x6300;
	[sflag:s4] =	ssyncset.done @!p2 $0x0  }
0x117: {  	s9 =	simm.s32 @!p2 $0x10;
	s19 =	simm.s32 @!p2 $0x2200;
	[sflag:s4] =	ssyncadd.s32 @!p2 $0xFFFFC000  }
0x118: {  	[tilespmem:s8], [sflag:$0x2] =	stream.indirect.gather @!p2 [hbm4b:s5+s9], $0x400, s19, s9, $0xb8;
	[tilespmem:$0x1EB80] =	vst v63  }
0x119: {  	s4 =	simm.s32 @!p2 $0x2180;
	s8 =	simm.s32 @!p2 $0x2300;
	s19 =	simm.s32 @!p0 $0x3  }
0x11a: {  	[spmem:s2] =	stream.indirect.scatter.add.f32 @!p2 [tilespmem:s8], [sflag:$0x3], $0x400, s4, s9, $0xb8;
	[tilespmem:$0x1EB80] =	vst v63  }
0x11b: {  	_ =	swait.ge @!p0 [sflag:s19], $0x4000  }
0x11c: {  	[sflag:s19] =	ssyncset.done @!p0 $0x0  }
0x11d: {  	[sflag:s19] =	ssyncadd.s32 @!p0 $0xFFFFC000  }
0x11e: {  	v4 =	vld @!p0 [tilespmem:$0x2000]  }
0x11f: {  	v5 =	vld @!p0 [tilespmem:$0x2080];
	_ =	sdelay $0x3  }
0x120: {  	[tilespmem:$0x2100] =	vst @!p0 v4  }
0x121: {  	s4 =	simm.s32 @!p0 $0x2;
	[tilespmem:$0x2180] =	vst @!p0 v5  }
0x122: {  	_ =	swait.ge @!p0 [sflag:s4], $0x4000  }
0x123: {  	s8 =	simm.s32 @!p0 $0x10;
	[sflag:s4] =	ssyncset.done @!p0 $0x0  }
0x124: {  	s9 =	simm.s32 @!p0 $0x2100;
	s19 =	simm.s32 @!p0 $0x2300;
	[sflag:s4] =	ssyncadd.s32 @!p0 $0xFFFFC000  }
0x125: {  	[tilespmem:s19], [sflag:$0x2] =	stream.indirect.gather @!p0 [hbm4b:s5+s8], $0x400, s9, s8, $0xb8;
	[tilespmem:$0x1EB80] =	vst v63  }
0x126: {  	s4 =	simm.s32 @!p0 $0x2280;
	s9 =	sadd.s32 @!p1 $0x1, s18;
	s19 =	simm.s32 @!p0 $0x6300  }
0x127: {  	[spmem:s2] =	stream.indirect.scatter.add.f32 @!p0 [tilespmem:s19], [sflag:$0x4], $0x400, s4, s8, $0xb8;
	[tilespmem:$0x1EB80] =	vst v63  }
0x128: {  	s9 =	smov.u32 @p1 s18;
	s4 =	sadd.s32 @!p1 $0xFFFFFFF0, s7;
	v4 =	vld @!p1 [tilespmem:$0x2010]  }
0x129: {  	s19 =	simm.s32 $0x40;
	s18 =	smov.u32 s9;
	s4 =	smov.u32 @p1 s7;
	v5 =	vld @!p1 [tilespmem:$0x2090]  }
.LBB2_12:
0x12a: {  	s20 =	smov.u32 s18  }
0x12b: {  	s7 =	smov.u32 s19;
	s19 =	sadd.s32 $0x40, s19  }
0x12c: {  	p0 =	sne.s32 s19, $0x1F40  }
0x12d: {  	[tilespmem:$0x2000] =	vst @!p1 v4  }
0x12e: {  	s7 =	sshra.s32 s7, $0x2;
	[tilespmem:$0x2080] =	vst @!p1 v5  }
0x12f: {  	v4 =	vld [tilespmem:s7+$0x1800];
	_ =	sdelay $0x4  }
0x130: {  	v4 =	vsub.s32 v4, v3  }
0x131: {  	vm0 =	vlt.u32 v4, $0x500  }
0x132: {  	v5 =	vsel vm0, $0x1, v1  }
0x133: {  	(xrf0) =	vadd.scan.msk.s32 $0xffff, v5;
	_ =	sdelay $0x2  }
0x134: {  	v5 =	vmov s4  }
0x135: {  	v5 =	vadd.s32 $0xFFFFFFFF, v5  }
0x136: {  	v5 =	vbroadcast v5, $0x0  }
0x137: {  	v6, _, _ =	vpop (xrf0)  }
0x138: {  	v5 =	vadd.s32 v6, v5;
	v6 =	vxor.u32 $0x80000000, v6  }
0x139: {  	v7 =	vld [tilespmem:s7+$0x1000];
	v5 =	vnsel vm0, $0x30, v5;
	(xrf0) =	vmax.scan.msk.u32 $0xffff, v6;
	_ =	sdelay $0x4  }
0x13a: {  	[tilespmem:v5+s28+$0x0] =	vst.idx.msk $0xffff, v7  }
0x13b: {  	[tilespmem:v5+s29+$0x0] =	vst.idx.msk $0xffff, v4;
	v4, _, _ =	vpop (xrf0)  }
0x13c: {  	(v2sf) =	vpush v4, $0xF;
	_ =	sdelay $0xe  }
0x13d: {  	s7 =	spop (v2sf)  }
0x13e: {  	s4 =	sadd.s32 s7, s4  }
0x13f: {  	s7 =	sadd.s32 $0x80000000, s4  }
0x140: {  	p1 =	slt.s32 s7, $0x10  }
0x141: {  	s8 =	sand.u32 @!p1 $0x1, s18;
	s4 =	sadd.s32 @!p1 $0xFFFFFFF0, s7;
	s18 =	sadd.s32 @!p1 $0x1, s18  }
0x142: {  	p2 =	seq.s32 @!p1 s8, $0x1;
	s4 =	smov.u32 @p1 s7;
	s18 =	smov.u32 @p1 s20  }
0x143: {  	p3 =	por !p2, p1  }
0x144: {  	s7 =	simm.s32 @!p3 $0x4  }
0x145: {  	_ =	swait.ge @!p3 [sflag:s7], $0x4000  }
0x146: {  	[sflag:s7] =	ssyncset.done @!p3 $0x0  }
0x147: {  	[sflag:s7] =	ssyncadd.s32 @!p3 $0xFFFFC000  }
0x148: {  	v4 =	vld @!p3 [tilespmem:$0x2000]  }
0x149: {  	v5 =	vld @!p3 [tilespmem:$0x2080];
	_ =	sdelay $0x3  }
0x14a: {  	s7 =	simm.s32 @!p3 $0x2;
	[tilespmem:$0x2200] =	vst @!p3 v4  }
0x14b: {  	[tilespmem:$0x2280] =	vst @!p3 v5  }
0x14c: {  	p2 =	por p2, p1;
	s8 =	simm.s32 @!p3 $0x6300;
	_ =	swait.ge @!p3 [sflag:s7], $0x4000  }
0x14d: {  	s9 =	simm.s32 @!p3 $0x10;
	s20 =	simm.s32 @!p3 $0x2200;
	[sflag:s7] =	ssyncset.done @!p3 $0x0  }
0x14e: {  	s21 =	simm.s32 @!p3 $0x2300;
	[sflag:s7] =	ssyncadd.s32 @!p3 $0xFFFFC000;
	s7 =	simm.s32 @!p3 $0x2180  }
0x14f: {  	[tilespmem:s8], [sflag:$0x2] =	stream.indirect.gather @!p3 [hbm4b:s5+s9], $0x400, s20, s9, $0xb8;
	[tilespmem:$0x1EB80] =	vst v63  }
0x150: {  	s8 =	simm.s32 @!p2 $0x3  }
0x151: {  	[spmem:s2] =	stream.indirect.scatter.add.f32 @!p3 [tilespmem:s21], [sflag:$0x3], $0x400, s7, s9, $0xb8;
	[tilespmem:$0x1EB80] =	vst v63  }
0x152: {  	_ =	swait.ge @!p2 [sflag:s8], $0x4000  }
0x153: {  	[sflag:s8] =	ssyncset.done @!p2 $0x0  }
0x154: {  	[sflag:s8] =	ssyncadd.s32 @!p2 $0xFFFFC000  }
0x155: {  	v4 =	vld @!p2 [tilespmem:$0x2000]  }
0x156: {  	v5 =	vld @!p2 [tilespmem:$0x2080];
	_ =	sdelay $0x2  }
0x157: {  	s7 =	simm.s32 @!p2 $0x2  }
0x158: {  	[tilespmem:$0x2100] =	vst @!p2 v4  }
0x159: {  	s8 =	simm.s32 @!p2 $0x10;
	[tilespmem:$0x2180] =	vst @!p2 v5  }
0x15a: {  	s20 =	simm.s32 @!p2 $0x2300;
	s9 =	simm.s32 @!p2 $0x2100;
	_ =	swait.ge @!p2 [sflag:s7], $0x4000  }
0x15b: {  	[sflag:s7] =	ssyncset.done @!p2 $0x0  }
0x15c: {  	s21 =	simm.s32 @!p2 $0x6300;
	[sflag:s7] =	ssyncadd.s32 @!p2 $0xFFFFC000;
	s7 =	simm.s32 @!p2 $0x2280  }
0x15d: {  	[tilespmem:s20], [sflag:$0x2] =	stream.indirect.gather @!p2 [hbm4b:s5+s8], $0x400, s9, s8, $0xb8;
	[tilespmem:$0x1EB80] =	vst v63  }
.Ltmp11:
0x15e: {  	_ = 	snop;
	(pc) =	sbr.rel @p0 .LBB2_12-.Ltmp11, $4  }
0x15f: {  	_ = 	snop  }
0x160: {  	[spmem:s2] =	stream.indirect.scatter.add.f32 @!p2 [tilespmem:s21], [sflag:$0x4], $0x400, s7, s8, $0xb8;
	[tilespmem:$0x1EB80] =	vst v63  }
0x161: {  	v4 =	vld @!p1 [tilespmem:$0x2010]  }
0x162: {  	v5 =	vld @!p1 [tilespmem:$0x2090]  }
.Ltmp12:
0x163: {  	_ = 	snop;
	(pc) =	sbr.rel .LBB2_13-.Ltmp12, $1  }
0x164: {  	_ =	sdelay $0x3  }
.LBB2_17:
0x165: {  	_ =	sfence.sel $0x180000  }
0x166: {  	[bflag:$0x0] =	sbarrier.arrive $0xFFFF  }
0x167: {  	_ =	strace $0x9000004D  }
0x168: {  	s0 =	stileid.u32;
	[bflag:$0x2] =	sbarrier.arrive $0xFFFF  }
0x169: {  	p0 =	sne.s32 s0, $0x0;
	s0 =	rddreg [dreg:$0x3]  }
0x16a: {  	s0 =	sadd.s32 @!p0 $0x100000, s0  }
0x16b: {  	[sflag:s0] =	ssyncadd.tile.s32 @!p0 $0x1;
	_ =	shalt  }
.Lfunc_end2:
_tile_overlayer_lowered:
.L_overlay_start_2:
0x16c: {  	(tag) =	ssettag $0x2  }
0x16d: {  	s0 =	rddreg [dreg:$0x0];
	s2 =	stileid.u32  }
0x16e: {  	s1 =	rddreg [dreg:$0x1];
	p0 =	sne.s32 s2, $0x0  }
0x16f: {  	s3 =	rddreg [dreg:$0x2];
	[bflag:$0x3] =	sbarrier.arrive $0xFFFF;
	s2 =	simm.s32 @!p0 $0x1C05  }
0x170: {  	[timem:s3], [sflag:s2] =	dma.local @!p0 [hbm:s0], s1  }
0x171: {  	s0 =	simm.s32 @!p0 $0x5  }
0x172: {  	_ =	swait.ge @!p0 [sflag:s0], s1  }
0x173: {  	s1 =	ssub.s32 @!p0 $0x0, s1;
	[sflag:s0] =	ssyncset.done @!p0 $0x0  }
0x174: {  	[sflag:s0] =	ssyncadd.s32 @!p0 s1  }
0x175: {  	[bflag:$0x3] =	sbarrier.arrive $0xFFFF  }
0x176: {  	_ =	shalt  }

// kernel: sparse-core-data-format-call.1.cloned.1.call-start
scs
called_computation.1_lowered:
.L_overlay_start_0:
0x0: {  	s1 =	sld [smem:$0x3FD9]  }
0x1: {  	s2 =	sld [smem:$0x3FFE];
	_ =	sdelay $0x1  }
0x2: {  	s3 =	srdreg.scid  }
0x3: {  	s0 =	sand.u32 $0x1, s3  }
0x4: {  	s17 =	sshll.u32 s0, $0xA;
	s1 =	sadd.s32 s2, s1  }
0x5: {  	s1 =	sadd.s32 s1, s17  }
0x6: {  	[smem:$0x3FBE] =	sst s1  }
0x7: {  	_ = 	snop  }
0x8: {  	(tm) =	ssettm $0x1  }
0x9: {  	s18 =	sld [smem:$0x3FFB];
	_ =	sdelay $0x3  }
0xa: {  	_ =	strace s18  }
0xb: {  	s1 =	sld [smem:$0x3FFC];
	_ =	sdelay $0x3  }
0xc: {  	_ =	strace s1  }
0xd: {  	s1 =	sld [smem:$0x3FFD];
	_ =	sdelay $0x3  }
0xe: {  	_ =	strace s1  }
0xf: {  	_ =	strace $0x8FFFFFFF  }
0x10: {  	s19 =	sld [smem:$0x3FDB];
	_ =	sdelay $0x1  }
0x11: {  	s20 =	simm.s32 $_scs_section_size  }
0x12: {  	s4 =	simm.s32 $_size__tile_overlayer_lowered;
	s5 =	simm.s32 $_tile_overlayer_lowered  }
0x13: {  	s23 =	simm.s32 $0x1BFF;
	s22 =	sshll.u32 s5, $0x1;
	s1 =	sadd.s32 s20, s19  }
0x14: {  	s6 =	simm.s32 $0x0;
	s21 =	sshll.u32 s4, $0x1;
	s4 =	sadd.s32 s22, s1  }
0x15: {  	[timem:s6], [sflag:s23] =	dma.local [hbm:s4], s21  }
0x16: {  	_ =	swait.ge [sflag:s23], s21  }
0x17: {  	s2 =	ssub.s32 $0x0, s21;
	[sflag:s23] =	ssyncset.done $0x0  }
0x18: {  	[sflag:s23] =	ssyncadd.s32 s2;
	_ =	sdelay $0x1  }
0x19: {  	s24 =	simm.s32 $0x1B8B  }
0x1a: {  	_ =	swait.ge [sflag:s24], $0x1  }
0x1b: {  	[sflag:s24] =	ssyncset.done $0x0  }
0x1c: {  	s26 =	simm.s32 $0x1B8E;
	s25 =	sld [smem:$0x3FFE];
	[sflag:s24] =	ssyncadd.s32 $0xFFFFFFFF  }
0x1d: {  	s27 =	simm.s32 $execute0_lowered;
	[smem:$0x3FD2] =	sst s26  }
0x1e: {  	s4 =	sshll.u32 s27, $0x1;
	_ =	strace $0x80000049;
	[dreg:$0x1] =	wrdreg $0xFFFFFFFF  }
0x1f: {  	s28 =	simm.s32 $_size_execute0_lowered;
	s1 =	sadd.s32 s1, s4;
	[dreg:$0x0] =	wrdreg $0x0  }
0x20: {  	s4 =	sshll.u32 s28, $0x1;
	[dreg:$0x2] =	wrdreg s1  }
0x21: {  	[dreg:$0x3] =	wrdreg s4  }
0x22: {  	[dreg:$0x4] =	wrdreg $0xC0  }
0x23: {  	_ =	task [dreg:s6], $0x5FFFF  }
0x24: {  	[dreg:$0x1] =	wrdreg $0xFFFFFFFF  }
0x25: {  	[dreg:$0x0] =	wrdreg $0x60  }
0x26: {  	[dreg:$0x2] =	wrdreg s25  }
0x27: {  	[dreg:$0x3] =	wrdreg $0x9  }
0x28: {  	_ =	task.clear_ibuf [dreg:s6], $0x4FFFF;
	_ =	strace $0x90000049  }
0x29: {  	s29 =	simm.s32 $0x9;
	_ =	strace $0x8000004B  }
0x2a: {  	_ =	swait.ge [sflag:s29], $0x1  }
0x2b: {  	[sflag:s29] =	ssyncadd.s32 $0xFFFFFFFF  }
0x2c: {  	_ =	strace $0x9000004B  }
0x2d: {  	_ =	sfence  }
0x2e: {  	s30 =	sld [smem:$0x0];
	_ =	sdelay $0x2  }
0x2f: {  	s31 =	sshll.u32 s3, $0xD;
	s3 =	sshrl.u32 s3, $0x2  }
0x30: {  	s2 =	sand.u32 $0x4000, s31;
	s1 =	sadd.s32 s3, s30  }
0x31: {  	s0 =	sor.u32 s2, s0;
	s1 =	sshll.u32 s1, $0x11  }
0x32: {  	s0 =	sor.u32 s1, s0  }
0x33: {  	s0 =	sadd.s32 $0x8F2B, s0  }
0x34: {  	[sflag:s0] =	ssyncadd.remote.s32 $0x1  }
0x35: {  	_ =	sfence.sel $0xFFFF  }
0x36: {  	[dreg:$0x0] =	wrdreg $0xFFFFFFFF;
	(pc) =	sbr.abs _section_cstart, $3  }
0x37: {  	[dreg:$0x1] =	wrdreg $0xFFFFFFFF  }
0x38: {  	_ =	task.clear_ibuf [dreg:s6], $0x2FFFF;
	_ =	strace $0x9FFFFFFF  }
0x39: {  	(tm) =	ssettm $0x7FFFFFFF  }
tec
execute0_lowered:
.L_overlay_start_1:
0x0: {  	(tag) =	ssettag $0x1  }
0x1: {  	s0 =	srdreg.scid  }
0x2: {  	s1 =	sshll.u32 s0, $0x4  }
0x3: {  	s4 =	rddreg [dreg:$0x0];
	s0 =	stileid.u32;
	s1 =	sand.u32 $0x10, s1  }
0x4: {  	s7 =	simm.s32 $0x1;
	s8 =	simm.s32 $0x2;
	s1 =	sor.u32 s0, s1  }
0x5: {  	s9 =	simm.s32 $0x0;
	s12 =	simm.s32 $0x0;
	s2 =	sshll.u32 s1, $0x1  }
0x6: {  	s11 =	simm.s32 $0x0;
	s3 =	sadd.s32 $0x5A600, s4;
	s6 =	ssub.s32 $0x4E2, s2  }
.Ltmp0:
0x7: {  	s4 =	sadd.s32 $0x192E00, s4;
	s5 =	sand.u32 $0x3E, s6;
	(pc) =	sbr.rel .LBB1_1-.Ltmp0, $4  }
0x8: {  	s1 =	rddreg [dreg:$0x1];
	_ =	strace $0x8000004A;
	p0 =	sne.s32 s5, $0x0  }
0x9: {  	s6 =	sshrl.u32 s6, $0x6;
	s5 =	simm.s32 $0x1;
	s7 =	simm.s32 @!p0 $0x0  }
0xa: {  	s10 =	smov.u32 s2;
	[sflag:s5] =	ssyncpa.u1 $0x0;
	s6 =	sadd.s32 s7, s6  }
0xb: {  	[sflag:s8] =	ssyncpa.u1 $0x0;
	s8 =	simm.s32 $0x0;
	s7 =	sadd.s32 $0x1, s6  }
.LBB1_9:
0xc: {  	s14 =	sadd.s32 $0x40, s10  }
0xd: {  	p1 =	sgt.s32 s14, $0x4E1  }
0xe: {  	s14 =	smov.u32 @p1 s2;
	p1 =	sne.s32 s11, s7  }
.Ltmp1:
0xf: {  	p0 =	slt.u32 s11, $0x2;
	(pc) =	sbr.rel @!p1 .LBB1_10-.Ltmp1, $4  }
0x10: {  	s13 =	simm.s32 @!p0 $0x2  }
0x11: {  	s15 =	sadd.s32 $0x1, s11;
	_ =	swait.ge @!p0 [sflag:s13], $0x4000  }
0x12: {  	s12 =	smov.u32 s10;
	s9 =	sadd.s32 $0x4000, s9;
	[sflag:s13] =	ssyncset.done @!p0 $0x0  }
0x13: {  	s11 =	smov.u32 s15;
	s10 =	smov.u32 s14;
	[sflag:s13] =	ssyncadd.s32 @!p0 $0xFFFFC000  }
.LBB1_1:
0x14: {  	p0 =	sge.u32 s11, s6  }
0x15: {  	s13 =	sxor.u32 @!p0 $0xFFFFFFFF, s11  }
0x16: {  	s31 =	sadd.s32 $0xFFFFFFFF, s11;
	s14 =	sshll.u32 @!p0 s10, $0xA;
	s13 =	sshll.u32 @!p0 s13, $0xE  }
0x17: {  	s15 =	simm.s32 @!p0 $0x0;
	s14 =	sadd.s32 @!p0 s3, s14;
	s13 =	sand.u32 @!p0 $0x4000, s13  }
0x18: {  	[tilespmem:s13], [sflag:$0x1] =	stream.linear.gather @!p0 [hbm4b:s14+s15], $0x4000, $0x38;
	[tilespmem:$0x10000] =	vst v63  }
0x19: {  	p0 =	sge.u32 s31, s6  }
.Ltmp2:
0x1a: {  	_ = 	snop;
	(pc) =	sbr.rel @p0 .LBB1_9-.Ltmp2, $1  }
0x1b: {  	_ =	sdelay $0x3  }
0x1c: {  	s13 =	sshll.u32 s9, $0x2  }
0x1d: {  	_ =	swait.ge [sflag:s5], $0x4000;
	s14 =	sshll.u32 s11, $0xE;
	s16 =	simm.s32 $0x0  }
0x1e: {  	p1 =	por $0x1, $0x1;
	s13 =	sand.u32 $0x10000, s13;
	[sflag:s5] =	ssyncset.done $0x0  }
0x1f: {  	s14 =	sand.u32 $0x4000, s14;
	s15 =	sshrl.u32 s13, $0x2;
	[sflag:s5] =	ssyncadd.s32 $0xFFFFC000  }
0x20: {  	s13 =	sor.u32 $0x8000, s14;
	s14 =	sadd.s32 $0x8040, s15;
	s15 =	sadd.s32 $0x40, s15  }
.LBB1_3:
0x21: {  	s16 =	sshll.u32 s16, $0x2  }
0x22: {  	p0 =	por p1, p1;
	s17 =	sshra.s32 s16, $0x2  }
0x23: {  	s18 =	simm.s32 $0x0;
	s16 =	sadd.s32 s17, s14;
	s17 =	sadd.s32 s17, s15  }
.LBB1_4:
0x24: {  	v0 =	vmov s17;
	_ =	sdelay $0x3  }
0x25: {  	s20 =	simm.s32 $0x0  }
0x26: {  	v6 =	vld.idx.msk [tilespmem:v0+s20+$0x30 ss:$0x1], $0xffff  }
0x27: {  	v7 =	vld.idx.msk [tilespmem:v0+s20+$0xFFFFFFC0 ss:$0x1], $0xffff  }
0x28: {  	v5 =	vld.idx.msk [tilespmem:v0+s20+$0xFFFFFFD0 ss:$0x1], $0xffff  }
0x29: {  	v4 =	vld.idx.msk [tilespmem:v0+s20+$0xFFFFFFE0 ss:$0x1], $0xffff  }
0x2a: {  	v3 =	vld.idx.msk [tilespmem:v0+s20+$0xFFFFFFF0 ss:$0x1], $0xffff  }
0x2b: {  	v1 =	vld.idx.msk [tilespmem:v0+s20+$0x0 ss:$0x1], $0xffff  }
0x2c: {  	v2 =	vld.idx.msk [tilespmem:v0+s20+$0x10 ss:$0x1], $0xffff;
	[tilespmem:s16+$0x30] =	vst v6  }
0x2d: {  	s19 =	simm.s32 $0x80;
	s21 =	simm.s32 $0x400;
	[tilespmem:s16+$0xFFFFFFC0] =	vst v7;
	v6 =	vld.idx.msk [tilespmem:v0+s20+$0x20 ss:$0x1], $0xffff;
	s20 =	smov.u32 s16  }
.LBB1_5:
0x2e: {  	p1 =	sne.s32 s21, $0xE00;
	v7 =	vld.idx.msk [tilespmem:v0+s19+$0x30 ss:$0x1], $0xffff;
	[tilespmem:s20+$0xFFFFFFD0] =	vst v5  }
0x2f: {  	v8 =	vld.idx.msk [tilespmem:v0+s19+$0xFFFFFFC0 ss:$0x1], $0xffff;
	[tilespmem:s20+$0xFFFFFFE0] =	vst v4  }
0x30: {  	v5 =	vld.idx.msk [tilespmem:v0+s19+$0xFFFFFFD0 ss:$0x1], $0xffff;
	[tilespmem:s20+$0xFFFFFFF0] =	vst v3  }
.Ltmp3:
0x31: {  	v4 =	vld.idx.msk [tilespmem:v0+s19+$0xFFFFFFE0 ss:$0x1], $0xffff;
	[tilespmem:s20+$0x0] =	vst v1;
	(pc) =	sbr.rel @p1 .LBB1_5-.Ltmp3, $4  }
0x32: {  	v3 =	vld.idx.msk [tilespmem:v0+s19+$0xFFFFFFF0 ss:$0x1], $0xffff;
	[tilespmem:s20+$0x10] =	vst v2  }
0x33: {  	v1 =	vld.idx.msk [tilespmem:v0+s19+$0x0 ss:$0x1], $0xffff;
	[tilespmem:s20+$0x20] =	vst v6;
	s20 =	sadd.s32 $0x400, s20  }
0x34: {  	v2 =	vld.idx.msk [tilespmem:v0+s19+$0x10 ss:$0x1], $0xffff;
	[tilespmem:s20+$0x30] =	vst v7  }
0x35: {  	[tilespmem:s20+$0xFFFFFFC0] =	vst v8;
	v6 =	vld.idx.msk [tilespmem:v0+s19+$0x20 ss:$0x1], $0xffff;
	s19 =	sshra.s32 s21, $0x2;
	s21 =	sadd.s32 $0x200, s21  }
0x36: {  	_ =	sdelay $0x2  }
0x37: {  	[tilespmem:s20+$0xFFFFFFD0] =	vst v5  }
0x38: {  	v56 =	vld.idx.msk [tilespmem:v0+s19+$0x30 ss:$0x1], $0xffff;
	[tilespmem:s20+$0xFFFFFFE0] =	vst v4  }
0x39: {  	v57 =	vld.idx.msk [tilespmem:v0+s19+$0xFFFFFFC0 ss:$0x1], $0xffff;
	[tilespmem:s20+$0xFFFFFFF0] =	vst v3  }
0x3a: {  	v58 =	vld.idx.msk [tilespmem:v0+s19+$0xFFFFFFD0 ss:$0x1], $0xffff;
	[tilespmem:s20+$0x0] =	vst v1  }
0x3b: {  	v59 =	vld.idx.msk [tilespmem:v0+s19+$0xFFFFFFE0 ss:$0x1], $0xffff;
	[tilespmem:s20+$0x10] =	vst v2  }
0x3c: {  	v60 =	vld.idx.msk [tilespmem:v0+s19+$0xFFFFFFF0 ss:$0x1], $0xffff;
	s31 =	sadd.s32 $0x400, s20;
	[tilespmem:s20+$0x20] =	vst v6  }
0x3d: {  	v61 =	vld.idx.msk [tilespmem:v0+s19+$0x0 ss:$0x1], $0xffff;
	[tilespmem:s31+$0x30] =	vst v56  }
0x3e: {  	v62 =	vld.idx.msk [tilespmem:v0+s19+$0x10 ss:$0x1], $0xffff;
	s18 =	sadd.s32 $0x1, s18;
	[tilespmem:s31+$0xFFFFFFC0] =	vst v57  }
0x3f: {  	v63 =	vld.idx.msk [tilespmem:v0+s19+$0x20 ss:$0x1], $0xffff;
	p1 =	sne.s32 s18, $0x8;
	[tilespmem:s31+$0xFFFFFFD0] =	vst v58  }
.Ltmp4:
0x40: {  	[tilespmem:s31+$0xFFFFFFE0] =	vst v59;
	(pc) =	sbr.rel @p1 .LBB1_4-.Ltmp4, $4  }
0x41: {  	[tilespmem:s31+$0xFFFFFFF0] =	vst v60  }
0x42: {  	[tilespmem:s31+$0x0] =	vst v61  }
0x43: {  	[tilespmem:s31+$0x10] =	vst v62  }
0x44: {  	s16 =	sadd.s32 $0x80, s16;
	s17 =	sadd.s32 $0x400, s17;
	[tilespmem:s31+$0x20] =	vst v63  }
.Ltmp5:
0x45: {  	(pc) =	sbr.rel @p0 .LBB1_3-.Ltmp5, $2  }
0x46: {  	_ =	sdelay $0x2  }
0x47: {  	s16 =	simm.s32 $0x2000;
	p1 =	por $0x0, $0x0  }
.Ltmp6:
0x48: {  	(pc) =	sbr.rel .LBB1_9-.Ltmp6, $4  }
0x49: {  	_ = 	snop  }
0x4a: {  	s12 =	sshll.u32 s12, $0xA  }
0x4b: {  	s12 =	sadd.s32 s4, s12  }
0x4c: {  	[hbm4b:s12+s8] =	stream.linear.scatter [tilespmem:s13], [sflag:$0x2], $0x4000, $0x38;
	[tilespmem:$0x10000] =	vst v63  }
.LBB1_10:
0x4d: {  	_ =	sfence.sel $0x180000  }
0x4e: {  	s2 =	simm.s32 $0x1;
	[bflag:$0x0] =	sbarrier.arrive $0xFFFF  }
0x4f: {  	s31 =	simm.s32 $0x2;
	[sflag:s2] =	ssyncpa.u1 $0x1  }
0x50: {  	[sflag:s31] =	ssyncpa.u1 $0x1  }
0x51: {  	p0 =	sne.s32 s0, $0x0;
	_ =	strace $0x9000004A  }
0x52: {  	s0 =	sadd.s32 @!p0 $0x100000, s1;
	[bflag:$0x2] =	sbarrier.arrive $0xFFFF  }
0x53: {  	[sflag:s0] =	ssyncadd.tile.s32 @!p0 $0x1;
	_ =	shalt  }
.Lfunc_end1:
_tile_overlayer_lowered:
.L_overlay_start_2:
0x54: {  	(tag) =	ssettag $0x2  }
0x55: {  	s0 =	rddreg [dreg:$0x0];
	s2 =	stileid.u32  }
0x56: {  	s1 =	rddreg [dreg:$0x1];
	p0 =	sne.s32 s2, $0x0  }
0x57: {  	s3 =	rddreg [dreg:$0x2];
	[bflag:$0x3] =	sbarrier.arrive $0xFFFF;
	s2 =	simm.s32 @!p0 $0x1C01  }
0x58: {  	[timem:s3], [sflag:s2] =	dma.local @!p0 [hbm:s0], s1  }
0x59: {  	s0 =	simm.s32 @!p0 $0x1  }
0x5a: {  	_ =	swait.ge @!p0 [sflag:s0], s1  }
0x5b: {  	s1 =	ssub.s32 @!p0 $0x0, s1;
	[sflag:s0] =	ssyncset.done @!p0 $0x0  }
0x5c: {  	[sflag:s0] =	ssyncadd.s32 @!p0 s1  }
0x5d: {  	[bflag:$0x3] =	sbarrier.arrive $0xFFFF  }
0x5e: {  	_ =	shalt  }

// kernel: sparse-core-data-format-call.cloned.1.call-start
scs
called_computation_lowered:
.L_overlay_start_0:
0x0: {  	s1 =	sld [smem:$0x3FD9]  }
0x1: {  	s2 =	sld [smem:$0x3FFE];
	_ =	sdelay $0x1  }
0x2: {  	s3 =	srdreg.scid  }
0x3: {  	s0 =	sand.u32 $0x1, s3  }
0x4: {  	s17 =	sshll.u32 s0, $0xA;
	s1 =	sadd.s32 s2, s1  }
0x5: {  	s1 =	sadd.s32 s1, s17  }
0x6: {  	[smem:$0x3FBE] =	sst s1  }
0x7: {  	_ = 	snop  }
0x8: {  	(tm) =	ssettm $0x1  }
0x9: {  	s18 =	sld [smem:$0x3FFB];
	_ =	sdelay $0x3  }
0xa: {  	_ =	strace s18  }
0xb: {  	s1 =	sld [smem:$0x3FFC];
	_ =	sdelay $0x3  }
0xc: {  	_ =	strace s1  }
0xd: {  	s1 =	sld [smem:$0x3FFD];
	_ =	sdelay $0x3  }
0xe: {  	_ =	strace s1  }
0xf: {  	_ =	strace $0x8FFFFFFF  }
0x10: {  	s19 =	sld [smem:$0x3FDB];
	_ =	sdelay $0x1  }
0x11: {  	s20 =	simm.s32 $_scs_section_size  }
0x12: {  	s4 =	simm.s32 $_size__tile_overlayer_lowered;
	s5 =	simm.s32 $_tile_overlayer_lowered  }
0x13: {  	s23 =	simm.s32 $0x1BFF;
	s22 =	sshll.u32 s5, $0x1;
	s1 =	sadd.s32 s20, s19  }
0x14: {  	s6 =	simm.s32 $0x0;
	s21 =	sshll.u32 s4, $0x1;
	s4 =	sadd.s32 s22, s1  }
0x15: {  	[timem:s6], [sflag:s23] =	dma.local [hbm:s4], s21  }
0x16: {  	_ =	swait.ge [sflag:s23], s21  }
0x17: {  	s2 =	ssub.s32 $0x0, s21;
	[sflag:s23] =	ssyncset.done $0x0  }
0x18: {  	[sflag:s23] =	ssyncadd.s32 s2;
	_ =	sdelay $0x1  }
0x19: {  	s24 =	simm.s32 $0x1B8B  }
0x1a: {  	_ =	swait.ge [sflag:s24], $0x1  }
0x1b: {  	[sflag:s24] =	ssyncset.done $0x0  }
0x1c: {  	s26 =	simm.s32 $0x1B8E;
	s25 =	sld [smem:$0x3FFE];
	[sflag:s24] =	ssyncadd.s32 $0xFFFFFFFF  }
0x1d: {  	s27 =	simm.s32 $execute0_lowered;
	[smem:$0x3FD2] =	sst s26  }
0x1e: {  	s4 =	sshll.u32 s27, $0x1;
	_ =	strace $0x8000004F;
	[dreg:$0x1] =	wrdreg $0xFFFFFFFF  }
0x1f: {  	s28 =	simm.s32 $_size_execute0_lowered;
	s1 =	sadd.s32 s1, s4;
	[dreg:$0x0] =	wrdreg $0x0  }
0x20: {  	s4 =	sshll.u32 s28, $0x1;
	[dreg:$0x2] =	wrdreg s1  }
0x21: {  	[dreg:$0x3] =	wrdreg s4  }
0x22: {  	[dreg:$0x4] =	wrdreg $0xC0  }
0x23: {  	_ =	task [dreg:s6], $0x5FFFF  }
0x24: {  	[dreg:$0x1] =	wrdreg $0xFFFFFFFF  }
0x25: {  	[dreg:$0x0] =	wrdreg $0x60  }
0x26: {  	[dreg:$0x2] =	wrdreg s25  }
0x27: {  	[dreg:$0x3] =	wrdreg $0x9  }
0x28: {  	_ =	task.clear_ibuf [dreg:s6], $0x4FFFF;
	_ =	strace $0x9000004F  }
0x29: {  	s29 =	simm.s32 $0x9;
	_ =	strace $0x80000051  }
0x2a: {  	_ =	swait.ge [sflag:s29], $0x1  }
0x2b: {  	[sflag:s29] =	ssyncadd.s32 $0xFFFFFFFF  }
0x2c: {  	_ =	strace $0x90000051  }
0x2d: {  	_ =	sfence  }
0x2e: {  	s30 =	sld [smem:$0x0];
	_ =	sdelay $0x2  }
0x2f: {  	s31 =	sshll.u32 s3, $0xD;
	s3 =	sshrl.u32 s3, $0x2  }
0x30: {  	s2 =	sand.u32 $0x4000, s31;
	s1 =	sadd.s32 s3, s30  }
0x31: {  	s0 =	sor.u32 s2, s0;
	s1 =	sshll.u32 s1, $0x11  }
0x32: {  	s0 =	sor.u32 s1, s0  }
0x33: {  	s0 =	sadd.s32 $0x8F2B, s0  }
0x34: {  	[sflag:s0] =	ssyncadd.remote.s32 $0x1  }
0x35: {  	_ =	sfence.sel $0xFFFF  }
0x36: {  	[dreg:$0x0] =	wrdreg $0xFFFFFFFF;
	(pc) =	sbr.abs _section_cstart, $3  }
0x37: {  	[dreg:$0x1] =	wrdreg $0xFFFFFFFF  }
0x38: {  	_ =	task.clear_ibuf [dreg:s6], $0x2FFFF;
	_ =	strace $0x9FFFFFFF  }
0x39: {  	(tm) =	ssettm $0x7FFFFFFF  }
tec
execute0_lowered:
.L_overlay_start_1:
0x0: {  	(tag) =	ssettag $0x1  }
0x1: {  	s0 =	srdreg.scid  }
0x2: {  	s1 =	sshll.u32 s0, $0x4  }
0x3: {  	s4 =	rddreg [dreg:$0x0];
	s0 =	stileid.u32;
	s1 =	sand.u32 $0x10, s1  }
0x4: {  	s7 =	simm.s32 $0x1;
	s8 =	simm.s32 $0x2;
	s2 =	sor.u32 s0, s1  }
0x5: {  	s9 =	simm.s32 $0x0;
	s12 =	simm.s32 $0x0;
	s2 =	sshll.u32 s2, $0x1  }
0x6: {  	s11 =	simm.s32 $0x0;
	s3 =	sadd.s32 $0x192E00, s4;
	s6 =	ssub.s32 $0x4E2, s2  }
.Ltmp0:
0x7: {  	s4 =	sadd.s32 $0x2CB600, s4;
	s5 =	sand.u32 $0x3E, s6;
	(pc) =	sbr.rel .LBB1_1-.Ltmp0, $4  }
0x8: {  	s1 =	rddreg [dreg:$0x1];
	_ =	strace $0x80000050;
	p0 =	sne.s32 s5, $0x0  }
0x9: {  	s6 =	sshrl.u32 s6, $0x6;
	s5 =	simm.s32 $0x1;
	s7 =	simm.s32 @!p0 $0x0  }
0xa: {  	s10 =	smov.u32 s2;
	[sflag:s5] =	ssyncpa.u1 $0x0;
	s6 =	sadd.s32 s7, s6  }
0xb: {  	[sflag:s8] =	ssyncpa.u1 $0x0;
	s8 =	simm.s32 $0x0;
	s7 =	sadd.s32 $0x1, s6  }
.LBB1_9:
0xc: {  	s14 =	sadd.s32 $0x40, s10  }
0xd: {  	p1 =	sgt.s32 s14, $0x4E1  }
0xe: {  	s14 =	smov.u32 @p1 s2;
	p1 =	sne.s32 s11, s7  }
.Ltmp1:
0xf: {  	p0 =	slt.u32 s11, $0x2;
	(pc) =	sbr.rel @!p1 .LBB1_10-.Ltmp1, $4  }
0x10: {  	s13 =	simm.s32 @!p0 $0x2  }
0x11: {  	s15 =	sadd.s32 $0x1, s11;
	_ =	swait.ge @!p0 [sflag:s13], $0x4000  }
0x12: {  	s12 =	smov.u32 s10;
	s9 =	sadd.s32 $0x4000, s9;
	[sflag:s13] =	ssyncset.done @!p0 $0x0  }
0x13: {  	s11 =	smov.u32 s15;
	s10 =	smov.u32 s14;
	[sflag:s13] =	ssyncadd.s32 @!p0 $0xFFFFC000  }
.LBB1_1:
0x14: {  	p0 =	sge.u32 s11, s6  }
0x15: {  	s13 =	sxor.u32 @!p0 $0xFFFFFFFF, s11  }
0x16: {  	s31 =	sadd.s32 $0xFFFFFFFF, s11;
	s14 =	sshll.u32 @!p0 s10, $0xA;
	s13 =	sshll.u32 @!p0 s13, $0xE  }
0x17: {  	s15 =	simm.s32 @!p0 $0x0;
	s14 =	sadd.s32 @!p0 s3, s14;
	s13 =	sand.u32 @!p0 $0x4000, s13  }
0x18: {  	[tilespmem:s13], [sflag:$0x1] =	stream.linear.gather @!p0 [hbm4b:s14+s15], $0x4000, $0x38;
	[tilespmem:$0x10000] =	vst v63  }
0x19: {  	p0 =	sge.u32 s31, s6  }
.Ltmp2:
0x1a: {  	_ = 	snop;
	(pc) =	sbr.rel @p0 .LBB1_9-.Ltmp2, $1  }
0x1b: {  	_ =	sdelay $0x3  }
0x1c: {  	s13 =	sshll.u32 s9, $0x2  }
0x1d: {  	_ =	swait.ge [sflag:s5], $0x4000;
	s14 =	sshll.u32 s11, $0xE;
	s16 =	simm.s32 $0x0  }
0x1e: {  	p1 =	por $0x1, $0x1;
	s13 =	sand.u32 $0x10000, s13;
	[sflag:s5] =	ssyncset.done $0x0  }
0x1f: {  	s14 =	sand.u32 $0x4000, s14;
	s15 =	sshrl.u32 s13, $0x2;
	[sflag:s5] =	ssyncadd.s32 $0xFFFFC000  }
0x20: {  	s13 =	sor.u32 $0x8000, s14;
	s14 =	sadd.s32 $0x8040, s15;
	s15 =	sadd.s32 $0x40, s15  }
.LBB1_3:
0x21: {  	s16 =	sshll.u32 s16, $0x2  }
0x22: {  	p0 =	por p1, p1;
	s17 =	sshra.s32 s16, $0x2  }
0x23: {  	s18 =	simm.s32 $0x0;
	s16 =	sadd.s32 s17, s14;
	s17 =	sadd.s32 s17, s15  }
.LBB1_4:
0x24: {  	v0 =	vmov s17;
	_ =	sdelay $0x3  }
0x25: {  	s20 =	simm.s32 $0x0  }
0x26: {  	v6 =	vld.idx.msk [tilespmem:v0+s20+$0x30 ss:$0x1], $0xffff  }
0x27: {  	v7 =	vld.idx.msk [tilespmem:v0+s20+$0xFFFFFFC0 ss:$0x1], $0xffff  }
0x28: {  	v5 =	vld.idx.msk [tilespmem:v0+s20+$0xFFFFFFD0 ss:$0x1], $0xffff  }
0x29: {  	v4 =	vld.idx.msk [tilespmem:v0+s20+$0xFFFFFFE0 ss:$0x1], $0xffff  }
0x2a: {  	v3 =	vld.idx.msk [tilespmem:v0+s20+$0xFFFFFFF0 ss:$0x1], $0xffff  }
0x2b: {  	v1 =	vld.idx.msk [tilespmem:v0+s20+$0x0 ss:$0x1], $0xffff  }
0x2c: {  	v2 =	vld.idx.msk [tilespmem:v0+s20+$0x10 ss:$0x1], $0xffff;
	[tilespmem:s16+$0x30] =	vst v6  }
0x2d: {  	s19 =	simm.s32 $0x80;
	s21 =	simm.s32 $0x400;
	[tilespmem:s16+$0xFFFFFFC0] =	vst v7;
	v6 =	vld.idx.msk [tilespmem:v0+s20+$0x20 ss:$0x1], $0xffff;
	s20 =	smov.u32 s16  }
.LBB1_5:
0x2e: {  	p1 =	sne.s32 s21, $0xE00;
	v7 =	vld.idx.msk [tilespmem:v0+s19+$0x30 ss:$0x1], $0xffff;
	[tilespmem:s20+$0xFFFFFFD0] =	vst v5  }
0x2f: {  	v8 =	vld.idx.msk [tilespmem:v0+s19+$0xFFFFFFC0 ss:$0x1], $0xffff;
	[tilespmem:s20+$0xFFFFFFE0] =	vst v4  }
0x30: {  	v5 =	vld.idx.msk [tilespmem:v0+s19+$0xFFFFFFD0 ss:$0x1], $0xffff;
	[tilespmem:s20+$0xFFFFFFF0] =	vst v3  }
.Ltmp3:
0x31: {  	v4 =	vld.idx.msk [tilespmem:v0+s19+$0xFFFFFFE0 ss:$0x1], $0xffff;
	[tilespmem:s20+$0x0] =	vst v1;
	(pc) =	sbr.rel @p1 .LBB1_5-.Ltmp3, $4  }
0x32: {  	v3 =	vld.idx.msk [tilespmem:v0+s19+$0xFFFFFFF0 ss:$0x1], $0xffff;
	[tilespmem:s20+$0x10] =	vst v2  }
0x33: {  	v1 =	vld.idx.msk [tilespmem:v0+s19+$0x0 ss:$0x1], $0xffff;
	[tilespmem:s20+$0x20] =	vst v6;
	s20 =	sadd.s32 $0x400, s20  }
0x34: {  	v2 =	vld.idx.msk [tilespmem:v0+s19+$0x10 ss:$0x1], $0xffff;
	[tilespmem:s20+$0x30] =	vst v7  }
0x35: {  	[tilespmem:s20+$0xFFFFFFC0] =	vst v8;
	v6 =	vld.idx.msk [tilespmem:v0+s19+$0x20 ss:$0x1], $0xffff;
	s19 =	sshra.s32 s21, $0x2;
	s21 =	sadd.s32 $0x200, s21  }
0x36: {  	_ =	sdelay $0x2  }
0x37: {  	[tilespmem:s20+$0xFFFFFFD0] =	vst v5  }
0x38: {  	v56 =	vld.idx.msk [tilespmem:v0+s19+$0x30 ss:$0x1], $0xffff;
	[tilespmem:s20+$0xFFFFFFE0] =	vst v4  }
0x39: {  	v57 =	vld.idx.msk [tilespmem:v0+s19+$0xFFFFFFC0 ss:$0x1], $0xffff;
	[tilespmem:s20+$0xFFFFFFF0] =	vst v3  }
0x3a: {  	v58 =	vld.idx.msk [tilespmem:v0+s19+$0xFFFFFFD0 ss:$0x1], $0xffff;
	[tilespmem:s20+$0x0] =	vst v1  }
0x3b: {  	v59 =	vld.idx.msk [tilespmem:v0+s19+$0xFFFFFFE0 ss:$0x1], $0xffff;
	[tilespmem:s20+$0x10] =	vst v2  }
0x3c: {  	v60 =	vld.idx.msk [tilespmem:v0+s19+$0xFFFFFFF0 ss:$0x1], $0xffff;
	s31 =	sadd.s32 $0x400, s20;
	[tilespmem:s20+$0x20] =	vst v6  }
0x3d: {  	v61 =	vld.idx.msk [tilespmem:v0+s19+$0x0 ss:$0x1], $0xffff;
	[tilespmem:s31+$0x30] =	vst v56  }
0x3e: {  	v62 =	vld.idx.msk [tilespmem:v0+s19+$0x10 ss:$0x1], $0xffff;
	s18 =	sadd.s32 $0x1, s18;
	[tilespmem:s31+$0xFFFFFFC0] =	vst v57  }
0x3f: {  	v63 =	vld.idx.msk [tilespmem:v0+s19+$0x20 ss:$0x1], $0xffff;
	p1 =	sne.s32 s18, $0x8;
	[tilespmem:s31+$0xFFFFFFD0] =	vst v58  }
.Ltmp4:
0x40: {  	[tilespmem:s31+$0xFFFFFFE0] =	vst v59;
	(pc) =	sbr.rel @p1 .LBB1_4-.Ltmp4, $4  }
0x41: {  	[tilespmem:s31+$0xFFFFFFF0] =	vst v60  }
0x42: {  	[tilespmem:s31+$0x0] =	vst v61  }
0x43: {  	[tilespmem:s31+$0x10] =	vst v62  }
0x44: {  	s16 =	sadd.s32 $0x80, s16;
	s17 =	sadd.s32 $0x400, s17;
	[tilespmem:s31+$0x20] =	vst v63  }
.Ltmp5:
0x45: {  	(pc) =	sbr.rel @p0 .LBB1_3-.Ltmp5, $2  }
0x46: {  	_ =	sdelay $0x2  }
0x47: {  	s16 =	simm.s32 $0x2000;
	p1 =	por $0x0, $0x0  }
.Ltmp6:
0x48: {  	(pc) =	sbr.rel .LBB1_9-.Ltmp6, $4  }
0x49: {  	_ = 	snop  }
0x4a: {  	s12 =	sshll.u32 s12, $0xA  }
0x4b: {  	s12 =	sadd.s32 s4, s12  }
0x4c: {  	[hbm4b:s12+s8] =	stream.linear.scatter [tilespmem:s13], [sflag:$0x2], $0x4000, $0x38;
	[tilespmem:$0x10000] =	vst v63  }
.LBB1_10:
0x4d: {  	_ =	sfence.sel $0x180000  }
0x4e: {  	s2 =	simm.s32 $0x1;
	[bflag:$0x0] =	sbarrier.arrive $0xFFFF  }
0x4f: {  	s31 =	simm.s32 $0x2;
	[sflag:s2] =	ssyncpa.u1 $0x1  }
0x50: {  	[sflag:s31] =	ssyncpa.u1 $0x1  }
0x51: {  	p0 =	sne.s32 s0, $0x0;
	_ =	strace $0x90000050  }
0x52: {  	s0 =	sadd.s32 @!p0 $0x100000, s1;
	[bflag:$0x2] =	sbarrier.arrive $0xFFFF  }
0x53: {  	[sflag:s0] =	ssyncadd.tile.s32 @!p0 $0x1;
	_ =	shalt  }
.Lfunc_end1:
_tile_overlayer_lowered:
.L_overlay_start_2:
0x54: {  	(tag) =	ssettag $0x2  }
0x55: {  	s0 =	rddreg [dreg:$0x0];
	s2 =	stileid.u32  }
0x56: {  	s1 =	rddreg [dreg:$0x1];
	p0 =	sne.s32 s2, $0x0  }
0x57: {  	s3 =	rddreg [dreg:$0x2];
	[bflag:$0x3] =	sbarrier.arrive $0xFFFF;
	s2 =	simm.s32 @!p0 $0x1C01  }
0x58: {  	[timem:s3], [sflag:s2] =	dma.local @!p0 [hbm:s0], s1  }
0x59: {  	s0 =	simm.s32 @!p0 $0x1  }
0x5a: {  	_ =	swait.ge @!p0 [sflag:s0], s1  }
0x5b: {  	s1 =	ssub.s32 @!p0 $0x0, s1;
	[sflag:s0] =	ssyncset.done @!p0 $0x0  }
0x5c: {  	[sflag:s0] =	ssyncadd.s32 @!p0 s1  }
0x5d: {  	[bflag:$0x3] =	sbarrier.arrive $0xFFFF  }
0x5e: {  	_ =	shalt  }

</sc_bundles>
